<compile_context>
chip_gen: v7x
topology: tpu7x:2x2x1
jax: 0.10.2.dev20260603
libtpu: 0.0.44.dev20260713+nightly
codegen_flags: <defaults>
</compile_context>

<pallas_src>
import functools

import jax
import jax.numpy as jnp
from jax import lax
from jax.experimental import pallas as pl
from jax.experimental.pallas import tpu as pltpu
from jax.experimental.pallas import tpu_sc as plsc

_NFEAT = 128
_NATTRI = 1024
_NNODES = 4096
_E = 65536
_POS_W = 2.0
_PREC = lax.Precision.DEFAULT

_BN1 = 1024


def _k1_body(h_ref, ea_ref, en_ref, w0a_ref, w0b_ref, b0_ref,
             xw0_ref, loss_ref, acc_ref):
    j = pl.program_id(0)
    nj = pl.num_programs(0)
    h = h_ref[...]
    ea = ea_ref[...]
    en = en_ref[...]
    logits = lax.dot_general(ea, en, (((1,), (1,)), ((), ())),
                             preferred_element_type=jnp.float32,
                             precision=_PREC)
    sig = jax.nn.sigmoid(logits)
    mse = (h - sig) ** 2
    w = jnp.where(h == 1.0, _POS_W, jnp.where(h == 0.0, 0.1, 0.0))
    wsum = jnp.sum(w * mse)
    agg = lax.dot_general(h, ea, (((0,), (0,)), ((), ())),
                          preferred_element_type=jnp.float32,
                          precision=_PREC)
    xw0 = (lax.dot_general(en, w0a_ref[...], (((1,), (0,)), ((), ())),
                           preferred_element_type=jnp.float32,
                           precision=_PREC)
           + lax.dot_general(agg, w0b_ref[...], (((1,), (0,)), ((), ())),
                             preferred_element_type=jnp.float32,
                             precision=_PREC)
           + b0_ref[...])
    xw0_ref[...] = xw0

    @pl.when(j == 0)
    def _():
        acc_ref[0] = 0.0

    acc_ref[0] += wsum

    @pl.when(j == nj - 1)
    def _():
        n = float(_NATTRI * _NNODES)
        loss_ref[...] = jnp.full((1, 1), acc_ref[0] / n, jnp.float32)


def _run_k1(H, ea, en, W0, b0):
    w0a = W0[:_NFEAT]
    w0b = W0[_NFEAT:]
    b0r = b0.reshape(1, _NFEAT)
    grid = _NNODES // _BN1
    xw0, loss = pl.pallas_call(
        _k1_body,
        grid=(grid,),
        in_specs=[
            pl.BlockSpec((_NATTRI, _BN1), lambda j: (0, j)),
            pl.BlockSpec((_NATTRI, _NFEAT), lambda j: (0, 0)),
            pl.BlockSpec((_BN1, _NFEAT), lambda j: (j, 0)),
            pl.BlockSpec((_NFEAT, _NFEAT), lambda j: (0, 0)),
            pl.BlockSpec((_NFEAT, _NFEAT), lambda j: (0, 0)),
            pl.BlockSpec((1, _NFEAT), lambda j: (0, 0)),
        ],
        out_specs=[
            pl.BlockSpec((_BN1, _NFEAT), lambda j: (j, 0)),
            pl.BlockSpec((1, 1), lambda j: (0, 0)),
        ],
        out_shape=[
            jax.ShapeDtypeStruct((_NNODES, _NFEAT), jnp.float32),
            jax.ShapeDtypeStruct((1, 1), jnp.float32),
        ],
        scratch_shapes=[pltpu.SMEM((1,), jnp.float32)],
    )(H, ea, en, w0a, w0b, b0r)
    return xw0, loss.reshape(())


_BM = 512


def _k2_body(g_ref, x_ref, w_ref, b_ref, e_ref, xw_ref):
    n = lax.dot_general(g_ref[...], x_ref[...], (((1,), (0,)), ((), ())),
                        preferred_element_type=jnp.float32, precision=_PREC)
    nrm = jnp.sqrt(jnp.sum(n * n, axis=1, keepdims=True))
    e_ref[...] = n / jnp.maximum(nrm, 1e-12)
    xw_ref[...] = (lax.dot_general(n, w_ref[...], (((1,), (0,)), ((), ())),
                                   preferred_element_type=jnp.float32,
                                   precision=_PREC)
                   + b_ref[...])


def _k3_body(g_ref, x_ref, e_ref):
    n = lax.dot_general(g_ref[...], x_ref[...], (((1,), (0,)), ((), ())),
                        preferred_element_type=jnp.float32, precision=_PREC)
    nrm = jnp.sqrt(jnp.sum(n * n, axis=1, keepdims=True))
    e_ref[...] = n / jnp.maximum(nrm, 1e-12)


def _run_layer0(G, xw0, W1, b1):
    grid = _NNODES // _BM
    e0, xw1 = pl.pallas_call(
        _k2_body,
        grid=(grid,),
        in_specs=[
            pl.BlockSpec((_BM, _NNODES), lambda i: (i, 0)),
            pl.BlockSpec((_NNODES, _NFEAT), lambda i: (0, 0)),
            pl.BlockSpec((_NFEAT, _NFEAT), lambda i: (0, 0)),
            pl.BlockSpec((1, _NFEAT), lambda i: (0, 0)),
        ],
        out_specs=[
            pl.BlockSpec((_BM, _NFEAT), lambda i: (i, 0)),
            pl.BlockSpec((_BM, _NFEAT), lambda i: (i, 0)),
        ],
        out_shape=[
            jax.ShapeDtypeStruct((_NNODES, _NFEAT), jnp.float32),
            jax.ShapeDtypeStruct((_NNODES, _NFEAT), jnp.float32),
        ],
    )(G, xw0, W1, b1.reshape(1, _NFEAT))
    return e0, xw1


def _run_layer1(G, xw1):
    grid = _NNODES // _BM
    return pl.pallas_call(
        _k3_body,
        grid=(grid,),
        in_specs=[
            pl.BlockSpec((_BM, _NNODES), lambda i: (i, 0)),
            pl.BlockSpec((_NNODES, _NFEAT), lambda i: (0, 0)),
        ],
        out_specs=pl.BlockSpec((_BM, _NFEAT), lambda i: (i, 0)),
        out_shape=jax.ShapeDtypeStruct((_NNODES, _NFEAT), jnp.float32),
    )(G, xw1)


_NC, _NS = 2, 16
_NW = _NC * _NS
_BPW = _E // _NW
_C = 128
_NCH = _BPW // _C


def _sc_gather4(tbl, ps2d, pd2d, ns2d, nd2d):
    mesh = plsc.VectorSubcoreMesh(core_axis_name="c", subcore_axis_name="s")
    out_t = [jax.ShapeDtypeStruct((_E, _NFEAT), jnp.float32)] * 4

    @functools.partial(
        pl.kernel, mesh=mesh, out_type=out_t,
        scratch_types=[
            pltpu.VMEM((_NCH, _C), jnp.int32),
            pltpu.VMEM((5, _C, _NFEAT), jnp.float32),
            pltpu.VMEM_SHARED((_NNODES, _NFEAT), jnp.float32),
            pltpu.SemaphoreType.DMA,
            pltpu.SemaphoreType.DMA,
        ],
    )
    def gk(tblh, i0h, i1h, i2h, i3h,
           o0, o1, o2, o3, idx_v, rows_v, tbl_s, gsem, osem):
        sid = lax.axis_index("s")

        @pl.when(sid == 0)
        def _():
            pltpu.sync_copy(tblh, tbl_s)

        plsc.subcore_barrier()
        wid = sid * _NC + lax.axis_index("c")
        rowbase = wid * _NCH
        base = wid * _BPW

        for ih, oh in ((i0h, o0), (i1h, o1), (i2h, o2), (i3h, o3)):
            pltpu.sync_copy(ih.at[pl.ds(rowbase, _NCH)], idx_v)

            pltpu.async_copy(tbl_s.at[idx_v.at[0]], rows_v.at[0], gsem)
            pltpu.async_copy(tbl_s.at[idx_v.at[1]], rows_v.at[1], gsem)
            pltpu.async_copy(tbl_s.at[idx_v.at[2]], rows_v.at[2], gsem)

            def body(c, carry, oh=oh):
                buf = lax.rem(c, 5)
                pltpu.make_async_copy(tbl_s.at[idx_v.at[c]], rows_v.at[buf],
                                      gsem).wait()
                pltpu.async_copy(rows_v.at[buf],
                                 oh.at[pl.ds(base + c * _C, _C)], osem)

                @pl.when(c + 3 < _NCH)
                def _():
                    nbuf = lax.rem(c + 3, 5)

                    @pl.when(c >= 2)
                    def _():
                        pltpu.make_async_copy(
                            rows_v.at[nbuf], oh.at[pl.ds(base, _C)],
                            osem).wait()

                    pltpu.async_copy(tbl_s.at[idx_v.at[c + 3]],
                                     rows_v.at[nbuf], gsem)

                return carry

            lax.fori_loop(0, _NCH, body, 0)
            for _ in range(min(5, _NCH)):
                pltpu.make_async_copy(
                    rows_v.at[0], oh.at[pl.ds(base, _C)], osem).wait()

    return gk(tbl, ps2d, pd2d, ns2d, nd2d)


def kernel(hyper_node_G, pos_src, pos_dst, neg_src, neg_dst, Hyper_attr_H,
           emb_attri, emb_node, W0, b0, W1, b1):
    idx2d = [a.reshape(_E // _C, _C)
             for a in (pos_src, pos_dst, neg_src, neg_dst)]
    xw0, loss = _run_k1(Hyper_attr_H, emb_attri, emb_node, W0, b0)
    e0, xw1 = _run_layer0(hyper_node_G, xw0, W1, b1)
    src0, dst0, nsrc0, ndst0 = _sc_gather4(e0, *idx2d)
    e1 = _run_layer1(hyper_node_G, xw1)
    src1, dst1, nsrc1, ndst1 = _sc_gather4(e1, *idx2d)
    return (src0, src1, dst0, dst1, nsrc0, nsrc1, ndst0, ndst1, loss)

# --- scband reference (transcript-rebuilt; emitter-appended) ---
"""Pipeline reference for scband-cna-hgnn-41068477285176 (READ-ONLY COPY).

The authoritative reference and input builder live on the scoring server;
editing this copy changes nothing except your own understanding.
"""

import jax, jax.numpy as jnp
import numpy as np

NFEAT = 128
NATTRI = 1024
NNODES = 4096
E = 65536
POS_W = 2.0


def _stdv_uniform(key, shape, fan_out):
    stdv = 1.0 / float(np.sqrt(fan_out))
    return jax.random.uniform(key, shape, jnp.float32, -stdv, stdv)


def setup_inputs(seed: int = 0) -> dict:
    key = jax.random.key(seed)
    ks = jax.random.split(key, 12)
    return {
        'hyper_node_G': jax.random.uniform(ks[0], (NNODES, NNODES), jnp.float32),
        'pos_src': jax.random.randint(ks[1], (E,), 0, NNODES, jnp.int32),
        'pos_dst': jax.random.randint(ks[2], (E,), 0, NNODES, jnp.int32),
        'neg_src': jax.random.randint(ks[3], (E,), 0, NNODES, jnp.int32),
        'neg_dst': jax.random.randint(ks[4], (E,), 0, NNODES, jnp.int32),
        'Hyper_attr_H': jax.random.uniform(ks[5], (NATTRI, NNODES), jnp.float32),
        'emb_attri': jax.random.normal(ks[6], (NATTRI, NFEAT), jnp.float32),
        'emb_node': jax.random.normal(ks[7], (NNODES, NFEAT), jnp.float32),
        'W0': _stdv_uniform(ks[8], (2 * NFEAT, NFEAT), NFEAT),
        'b0': _stdv_uniform(ks[9], (NFEAT,), NFEAT),
        'W1': _stdv_uniform(ks[10], (NFEAT, NFEAT), NFEAT),
        'b1': _stdv_uniform(ks[11], (NFEAT,), NFEAT),
    }


def _l2norm(x):
    n = jnp.sqrt(jnp.sum(x * x, axis=1, keepdims=True))
    return x / jnp.maximum(n, 1e-12)


def reference(hyper_node_G, pos_src, pos_dst, neg_src, neg_dst, Hyper_attr_H,
              emb_attri, emb_node, W0, b0, W1, b1):
    # InnerProductDecoder (eval mode: dropout = identity)
    outputs = jax.nn.sigmoid(jnp.matmul(emb_attri, emb_node.T))
    mse = (Hyper_attr_H - outputs) ** 2
    pos_mask = (Hyper_attr_H == 1.0).astype(jnp.float32)
    neg_mask = (Hyper_attr_H == 0.0).astype(jnp.float32)
    loss_recon = POS_W * jnp.mean(mse * pos_mask) + 0.1 * jnp.mean(mse * neg_mask)

    # layer 0: concat node emb with attr aggregation, HGNN_conv, normalize
    node_x = jnp.concatenate([emb_node, jnp.matmul(Hyper_attr_H.T, emb_attri)], axis=1)
    node_x = jnp.matmul(hyper_node_G, jnp.matmul(node_x, W0) + b0)
    e0 = _l2norm(node_x)
    # layer 1
    node_x = jnp.matmul(hyper_node_G, jnp.matmul(node_x, W1) + b1)
    e1 = _l2norm(node_x)

    # gather per-layer embeddings for pos/neg edge endpoints
    src0, src1 = e0[pos_src], e1[pos_src]
    dst0, dst1 = e0[pos_dst], e1[pos_dst]
    nsrc0, nsrc1 = e0[neg_src], e1[neg_src]
    ndst0, ndst1 = e0[neg_dst], e1[neg_dst]
    return (src0, src1, dst0, dst1, nsrc0, nsrc1, ndst0, ndst1, loss_recon)

if __name__ == "__main__":
    import jax
    _d = setup_inputs()
    print(jax.jit(kernel)(*tuple(_d.values())))

</pallas_src>

<mosaic_0001>
#map = affine_map<(d0, d1) -> (0, 0)>
module attributes {stable_mosaic.version = 14 : i64} {
  func.func @gk(%arg0: i32, %arg1: i32, %arg2: memref<4096x128xf32, #tpu.memory_space<hbm>>, %arg3: memref<512x128xi32, #tpu.memory_space<hbm>>, %arg4: memref<512x128xi32, #tpu.memory_space<hbm>>, %arg5: memref<512x128xi32, #tpu.memory_space<hbm>>, %arg6: memref<512x128xi32, #tpu.memory_space<hbm>>, %arg7: memref<65536x128xf32, #tpu.memory_space<hbm>>, %arg8: memref<65536x128xf32, #tpu.memory_space<hbm>>, %arg9: memref<65536x128xf32, #tpu.memory_space<hbm>>, %arg10: memref<65536x128xf32, #tpu.memory_space<hbm>>, %arg11: memref<16x128xi32, #tpu.memory_space<vmem>>, %arg12: memref<5x128x128xf32, #tpu.memory_space<vmem>>, %arg13: memref<4096x128xf32, #tpu.memory_space<vmem_shared>>, %arg14: memref<!tpu.dma_semaphore, #tpu.memory_space<semaphore_mem>>, %arg15: memref<!tpu.dma_semaphore, #tpu.memory_space<semaphore_mem>>) attributes {dimension_semantics = [#tpu.dimension_semantics<core_parallel>, #tpu.dimension_semantics<subcore_parallel>], iteration_bounds = array<i64: 2, 16>, scalar_prefetch = 0 : i64, scratch_operands = 5 : i64, tpu.core_type = #tpu.core_type<sc_vector_subcore>, window_params = [{transform_indices = #map}, {transform_indices = #map}, {transform_indices = #map}, {transform_indices = #map}, {transform_indices = #map}, {transform_indices = #map}, {transform_indices = #map}, {transform_indices = #map}, {transform_indices = #map}]} {
    %eq3A = arith.constant 0 : i32
    %eq3A_0 = arith.cmpi eq, %arg1, %eq3A : i32
    %convert_element_type3A = arith.extui %eq3A_0 : i1 to i32
    %cond3A = arith.constant 0 : i32
    %cond3A_1 = arith.cmpi ne, %convert_element_type3A, %cond3A : i32
    scf.if %cond3A_1 {
      "tpu.region"() ({
        %run_scoped3A = tpu.sem_alloc : memref<!tpu.dma_semaphore, #tpu.memory_space<semaphore_mem>>
        tpu.enqueue_dma source(%arg2 : memref<4096x128xf32, #tpu.memory_space<hbm>>) target(%arg13 : memref<4096x128xf32, #tpu.memory_space<vmem_shared>>) target_semaphore(%run_scoped3A : memref<!tpu.dma_semaphore, #tpu.memory_space<semaphore_mem>>)
        tpu.wait_dma2 semaphore(%run_scoped3A : memref<!tpu.dma_semaphore, #tpu.memory_space<semaphore_mem>>) src(%arg2 : memref<4096x128xf32, #tpu.memory_space<hbm>>) dst(%arg13 : memref<4096x128xf32, #tpu.memory_space<vmem_shared>>)
        tpu.yield
      }) : () -> ()
    } else {
    }
    %barrier3A = arith.constant 0 : index
    tpu.barrier barrier_id(%barrier3A)
    %mul3A = arith.constant 2 : i32
    %mul3A_2 = arith.muli %arg1, %mul3A : i32
    %add3A = arith.addi %mul3A_2, %arg0 : i32
    %mul3A_3 = arith.constant 16 : i32
    %mul3A_4 = arith.muli %add3A, %mul3A_3 : i32
    %mul3A_5 = arith.constant 2048 : i32
    %mul3A_6 = arith.muli %add3A, %mul3A_5 : i32
    "tpu.region"() ({
      %run_scoped3A = tpu.sem_alloc : memref<!tpu.dma_semaphore, #tpu.memory_space<semaphore_mem>>
      %dma_start3A_432 = arith.constant 0 : i32
      %dma_start3A_433 = tpu.memref_slice %arg3[%mul3A_4, %dma_start3A_432] : memref<512x128xi32, #tpu.memory_space<hbm>> -> memref<16x128xi32, #tpu.memory_space<hbm>>
      %dma_start3A_434 = arith.constant 0 : i32
      %dma_start3A_435 = tpu.memref_slice %arg3[%mul3A_4, %dma_start3A_434] : memref<512x128xi32, #tpu.memory_space<hbm>> -> memref<16x128xi32, #tpu.memory_space<hbm>>
      tpu.enqueue_dma source(%dma_start3A_435 : memref<16x128xi32, #tpu.memory_space<hbm>>) target(%arg11 : memref<16x128xi32, #tpu.memory_space<vmem>>) target_semaphore(%run_scoped3A : memref<!tpu.dma_semaphore, #tpu.memory_space<semaphore_mem>>)
      %dma_wait3A_436 = arith.constant 0 : i32
      %dma_wait3A_437 = tpu.memref_slice %arg3[%mul3A_4, %dma_wait3A_436] : memref<512x128xi32, #tpu.memory_space<hbm>> -> memref<16x128xi32, #tpu.memory_space<hbm>>
      %dma_wait3A_438 = arith.constant 0 : i32
      %dma_wait3A_439 = tpu.memref_slice %arg3[%mul3A_4, %dma_wait3A_438] : memref<512x128xi32, #tpu.memory_space<hbm>> -> memref<16x128xi32, #tpu.memory_space<hbm>>
      tpu.wait_dma2 semaphore(%run_scoped3A : memref<!tpu.dma_semaphore, #tpu.memory_space<semaphore_mem>>) src(%dma_wait3A_439 : memref<16x128xi32, #tpu.memory_space<hbm>>) dst(%arg11 : memref<16x128xi32, #tpu.memory_space<vmem>>)
      tpu.yield
    }) : () -> ()
    %dma_start3A = arith.constant 0 : i32
    %dma_start3A_7 = arith.constant 0 : i32
    %dma_start3A_8 = arith.constant 0 : i32
    %dma_start3A_9 = arith.constant 0 : i32
    %dma_start3A_10 = tpu.memref_slice %arg12[%dma_start3A_7, %dma_start3A_8, %dma_start3A_9] : memref<5x128x128xf32, #tpu.memory_space<vmem>> -> memref<1x128x128xf32, #tpu.memory_space<vmem>>
    %dma_start3A_11 = tpu.memref_squeeze %dma_start3A_10 : memref<1x128x128xf32, #tpu.memory_space<vmem>> -> memref<128x128xf32, #tpu.memory_space<vmem>>
    %dma_start3A_12 = arith.constant 0 : i32
    %dma_start3A_13 = tpu.memref_slice %arg11[%dma_start3A, %dma_start3A_12] : memref<16x128xi32, #tpu.memory_space<vmem>> -> memref<1x128xi32, #tpu.memory_space<vmem>>
    %dma_start3A_14 = tpu.memref_squeeze %dma_start3A_13 : memref<1x128xi32, #tpu.memory_space<vmem>> -> memref<128xi32, #tpu.memory_space<vmem>>
    %dma_start3A_15 = arith.constant 0 : i32
    %dma_start3A_16 = arith.constant 0 : i32
    %dma_start3A_17 = tpu.memref_slice %arg13[%dma_start3A_15, %dma_start3A_16] : memref<4096x128xf32, #tpu.memory_space<vmem_shared>> -> memref<4096x128xf32, #tpu.memory_space<vmem_shared>>
    tpu.enqueue_indirect_dma source(%dma_start3A_17 : memref<4096x128xf32, #tpu.memory_space<vmem_shared>>) target(%dma_start3A_11 : memref<128x128xf32, #tpu.memory_space<vmem>>) offsets(%dma_start3A_14 : memref<128xi32, #tpu.memory_space<vmem>>) semaphore(%arg14 : memref<!tpu.dma_semaphore, #tpu.memory_space<semaphore_mem>>)
    %dma_start3A_18 = arith.constant 1 : i32
    %dma_start3A_19 = arith.constant 1 : i32
    %dma_start3A_20 = arith.constant 0 : i32
    %dma_start3A_21 = arith.constant 0 : i32
    %dma_start3A_22 = tpu.memref_slice %arg12[%dma_start3A_19, %dma_start3A_20, %dma_start3A_21] : memref<5x128x128xf32, #tpu.memory_space<vmem>> -> memref<1x128x128xf32, #tpu.memory_space<vmem>>
    %dma_start3A_23 = tpu.memref_squeeze %dma_start3A_22 : memref<1x128x128xf32, #tpu.memory_space<vmem>> -> memref<128x128xf32, #tpu.memory_space<vmem>>
    %dma_start3A_24 = arith.constant 0 : i32
    %dma_start3A_25 = tpu.memref_slice %arg11[%dma_start3A_18, %dma_start3A_24] : memref<16x128xi32, #tpu.memory_space<vmem>> -> memref<1x128xi32, #tpu.memory_space<vmem>>
    %dma_start3A_26 = tpu.memref_squeeze %dma_start3A_25 : memref<1x128xi32, #tpu.memory_space<vmem>> -> memref<128xi32, #tpu.memory_space<vmem>>
    %dma_start3A_27 = arith.constant 0 : i32
    %dma_start3A_28 = arith.constant 0 : i32
    %dma_start3A_29 = tpu.memref_slice %arg13[%dma_start3A_27, %dma_start3A_28] : memref<4096x128xf32, #tpu.memory_space<vmem_shared>> -> memref<4096x128xf32, #tpu.memory_space<vmem_shared>>
    tpu.enqueue_indirect_dma source(%dma_start3A_29 : memref<4096x128xf32, #tpu.memory_space<vmem_shared>>) target(%dma_start3A_23 : memref<128x128xf32, #tpu.memory_space<vmem>>) offsets(%dma_start3A_26 : memref<128xi32, #tpu.memory_space<vmem>>) semaphore(%arg14 : memref<!tpu.dma_semaphore, #tpu.memory_space<semaphore_mem>>)
    %dma_start3A_30 = arith.constant 2 : i32
    %dma_start3A_31 = arith.constant 2 : i32
    %dma_start3A_32 = arith.constant 0 : i32
    %dma_start3A_33 = arith.constant 0 : i32
    %dma_start3A_34 = tpu.memref_slice %arg12[%dma_start3A_31, %dma_start3A_32, %dma_start3A_33] : memref<5x128x128xf32, #tpu.memory_space<vmem>> -> memref<1x128x128xf32, #tpu.memory_space<vmem>>
    %dma_start3A_35 = tpu.memref_squeeze %dma_start3A_34 : memref<1x128x128xf32, #tpu.memory_space<vmem>> -> memref<128x128xf32, #tpu.memory_space<vmem>>
    %dma_start3A_36 = arith.constant 0 : i32
    %dma_start3A_37 = tpu.memref_slice %arg11[%dma_start3A_30, %dma_start3A_36] : memref<16x128xi32, #tpu.memory_space<vmem>> -> memref<1x128xi32, #tpu.memory_space<vmem>>
    %dma_start3A_38 = tpu.memref_squeeze %dma_start3A_37 : memref<1x128xi32, #tpu.memory_space<vmem>> -> memref<128xi32, #tpu.memory_space<vmem>>
    %dma_start3A_39 = arith.constant 0 : i32
    %dma_start3A_40 = arith.constant 0 : i32
    %dma_start3A_41 = tpu.memref_slice %arg13[%dma_start3A_39, %dma_start3A_40] : memref<4096x128xf32, #tpu.memory_space<vmem_shared>> -> memref<4096x128xf32, #tpu.memory_space<vmem_shared>>
    tpu.enqueue_indirect_dma source(%dma_start3A_41 : memref<4096x128xf32, #tpu.memory_space<vmem_shared>>) target(%dma_start3A_35 : memref<128x128xf32, #tpu.memory_space<vmem>>) offsets(%dma_start3A_38 : memref<128xi32, #tpu.memory_space<vmem>>) semaphore(%arg14 : memref<!tpu.dma_semaphore, #tpu.memory_space<semaphore_mem>>)
    %scan3A = arith.constant 0 : i32
    %scan3A_42 = arith.constant 0 : i32
    %scan3A_43 = arith.constant 16 : i32
    %scan3A_44 = arith.addi %scan3A_42, %scan3A_43 : i32
    %scan3A_45 = arith.constant 1 : i32
    scf.for %scan3A_432 = %scan3A_42 to %scan3A_44 step %scan3A_45  : i32 {
      %rem3A = arith.constant 5 : i32
      %rem3A_433 = arith.remsi %scan3A_432, %rem3A : i32
      %dma_wait3A_434 = arith.constant 0 : i32
      %dma_wait3A_435 = arith.constant 0 : i32
      %dma_wait3A_436 = tpu.memref_slice %arg12[%rem3A_433, %dma_wait3A_434, %dma_wait3A_435] : memref<5x128x128xf32, #tpu.memory_space<vmem>> -> memref<1x128x128xf32, #tpu.memory_space<vmem>>
      %dma_wait3A_437 = tpu.memref_squeeze %dma_wait3A_436 : memref<1x128x128xf32, #tpu.memory_space<vmem>> -> memref<128x128xf32, #tpu.memory_space<vmem>>
      %dma_wait3A_438 = arith.constant 0 : i32
      %dma_wait3A_439 = tpu.memref_slice %arg11[%scan3A_432, %dma_wait3A_438] : memref<16x128xi32, #tpu.memory_space<vmem>> -> memref<1x128xi32, #tpu.memory_space<vmem>>
      %dma_wait3A_440 = tpu.memref_squeeze %dma_wait3A_439 : memref<1x128xi32, #tpu.memory_space<vmem>> -> memref<128xi32, #tpu.memory_space<vmem>>
      %dma_wait3A_441 = arith.constant 0 : i32
      %dma_wait3A_442 = arith.constant 0 : i32
      %dma_wait3A_443 = tpu.memref_slice %arg13[%dma_wait3A_441, %dma_wait3A_442] : memref<4096x128xf32, #tpu.memory_space<vmem_shared>> -> memref<4096x128xf32, #tpu.memory_space<vmem_shared>>
      tpu.wait_indirect_dma semaphore(%arg14 : memref<!tpu.dma_semaphore, #tpu.memory_space<semaphore_mem>>) src(%dma_wait3A_443 : memref<4096x128xf32, #tpu.memory_space<vmem_shared>>) dst(%dma_wait3A_437 : memref<128x128xf32, #tpu.memory_space<vmem>>)
      %mul3A_444 = arith.constant 128 : i32
      %mul3A_445 = arith.muli %scan3A_432, %mul3A_444 : i32
      %add3A_446 = arith.addi %mul3A_6, %mul3A_445 : i32
      %dma_start3A_447 = arith.constant 0 : i32
      %dma_start3A_448 = arith.constant 0 : i32
      %dma_start3A_449 = tpu.memref_slice %arg12[%rem3A_433, %dma_start3A_447, %dma_start3A_448] : memref<5x128x128xf32, #tpu.memory_space<vmem>> -> memref<1x128x128xf32, #tpu.memory_space<vmem>>
      %dma_start3A_450 = tpu.memref_squeeze %dma_start3A_449 : memref<1x128x128xf32, #tpu.memory_space<vmem>> -> memref<128x128xf32, #tpu.memory_space<vmem>>
      %dma_start3A_451 = arith.constant 0 : i32
      %dma_start3A_452 = tpu.memref_slice %arg7[%add3A_446, %dma_start3A_451] : memref<65536x128xf32, #tpu.memory_space<hbm>> -> memref<128x128xf32, #tpu.memory_space<hbm>>
      %dma_start3A_453 = arith.constant 0 : i32
      %dma_start3A_454 = tpu.memref_slice %arg7[%add3A_446, %dma_start3A_453] : memref<65536x128xf32, #tpu.memory_space<hbm>> -> memref<128x128xf32, #tpu.memory_space<hbm>>
      %dma_start3A_455 = arith.constant 0 : i32
      %dma_start3A_456 = arith.constant 0 : i32
      %dma_start3A_457 = tpu.memref_slice %arg12[%rem3A_433, %dma_start3A_455, %dma_start3A_456] : memref<5x128x128xf32, #tpu.memory_space<vmem>> -> memref<1x128x128xf32, #tpu.memory_space<vmem>>
      %dma_start3A_458 = tpu.memref_squeeze %dma_start3A_457 : memref<1x128x128xf32, #tpu.memory_space<vmem>> -> memref<128x128xf32, #tpu.memory_space<vmem>>
      tpu.enqueue_dma source(%dma_start3A_458 : memref<128x128xf32, #tpu.memory_space<vmem>>) target(%dma_start3A_454 : memref<128x128xf32, #tpu.memory_space<hbm>>) target_semaphore(%arg15 : memref<!tpu.dma_semaphore, #tpu.memory_space<semaphore_mem>>)
      %add3A_459 = arith.constant 3 : i32
      %add3A_460 = arith.addi %scan3A_432, %add3A_459 : i32
      %lt3A = arith.constant 16 : i32
      %lt3A_461 = arith.cmpi slt, %add3A_460, %lt3A : i32
      %convert_element_type3A_462 = arith.extui %lt3A_461 : i1 to i32
      %cond3A_463 = arith.constant 0 : i32
      %cond3A_464 = arith.cmpi ne, %convert_element_type3A_462, %cond3A_463 : i32
      scf.if %cond3A_464 {
        %add3A_465 = arith.constant 3 : i32
        %add3A_466 = arith.addi %scan3A_432, %add3A_465 : i32
        %rem3A_467 = arith.constant 5 : i32
        %rem3A_468 = arith.remsi %add3A_466, %rem3A_467 : i32
        %ge3A = arith.constant 2 : i32
        %ge3A_469 = arith.cmpi sge, %scan3A_432, %ge3A : i32
        %convert_element_type3A_470 = arith.extui %ge3A_469 : i1 to i32
        %cond3A_471 = arith.constant 0 : i32
        %cond3A_472 = arith.cmpi ne, %convert_element_type3A_470, %cond3A_471 : i32
        scf.if %cond3A_472 {
          %dma_wait3A_485 = arith.constant 0 : i32
          %dma_wait3A_486 = arith.constant 0 : i32
          %dma_wait3A_487 = tpu.memref_slice %arg12[%rem3A_468, %dma_wait3A_485, %dma_wait3A_486] : memref<5x128x128xf32, #tpu.memory_space<vmem>> -> memref<1x128x128xf32, #tpu.memory_space<vmem>>
          %dma_wait3A_488 = tpu.memref_squeeze %dma_wait3A_487 : memref<1x128x128xf32, #tpu.memory_space<vmem>> -> memref<128x128xf32, #tpu.memory_space<vmem>>
          %dma_wait3A_489 = arith.constant 0 : i32
          %dma_wait3A_490 = tpu.memref_slice %arg7[%mul3A_6, %dma_wait3A_489] : memref<65536x128xf32, #tpu.memory_space<hbm>> -> memref<128x128xf32, #tpu.memory_space<hbm>>
          %dma_wait3A_491 = arith.constant 0 : i32
          %dma_wait3A_492 = tpu.memref_slice %arg7[%mul3A_6, %dma_wait3A_491] : memref<65536x128xf32, #tpu.memory_space<hbm>> -> memref<128x128xf32, #tpu.memory_space<hbm>>
          %dma_wait3A_493 = arith.constant 0 : i32
          %dma_wait3A_494 = arith.constant 0 : i32
          %dma_wait3A_495 = tpu.memref_slice %arg12[%rem3A_468, %dma_wait3A_493, %dma_wait3A_494] : memref<5x128x128xf32, #tpu.memory_space<vmem>> -> memref<1x128x128xf32, #tpu.memory_space<vmem>>
          %dma_wait3A_496 = tpu.memref_squeeze %dma_wait3A_495 : memref<1x128x128xf32, #tpu.memory_space<vmem>> -> memref<128x128xf32, #tpu.memory_space<vmem>>
          tpu.wait_dma2 semaphore(%arg15 : memref<!tpu.dma_semaphore, #tpu.memory_space<semaphore_mem>>) src(%dma_wait3A_496 : memref<128x128xf32, #tpu.memory_space<vmem>>) dst(%dma_wait3A_492 : memref<128x128xf32, #tpu.memory_space<hbm>>)
        } else {
        }
        %add3A_473 = arith.constant 3 : i32
        %add3A_474 = arith.addi %scan3A_432, %add3A_473 : i32
        %dma_start3A_475 = arith.constant 0 : i32
        %dma_start3A_476 = arith.constant 0 : i32
        %dma_start3A_477 = tpu.memref_slice %arg12[%rem3A_468, %dma_start3A_475, %dma_start3A_476] : memref<5x128x128xf32, #tpu.memory_space<vmem>> -> memref<1x128x128xf32, #tpu.memory_space<vmem>>
        %dma_start3A_478 = tpu.memref_squeeze %dma_start3A_477 : memref<1x128x128xf32, #tpu.memory_space<vmem>> -> memref<128x128xf32, #tpu.memory_space<vmem>>
        %dma_start3A_479 = arith.constant 0 : i32
        %dma_start3A_480 = tpu.memref_slice %arg11[%add3A_474, %dma_start3A_479] : memref<16x128xi32, #tpu.memory_space<vmem>> -> memref<1x128xi32, #tpu.memory_space<vmem>>
        %dma_start3A_481 = tpu.memref_squeeze %dma_start3A_480 : memref<1x128xi32, #tpu.memory_space<vmem>> -> memref<128xi32, #tpu.memory_space<vmem>>
        %dma_start3A_482 = arith.constant 0 : i32
        %dma_start3A_483 = arith.constant 0 : i32
        %dma_start3A_484 = tpu.memref_slice %arg13[%dma_start3A_482, %dma_start3A_483] : memref<4096x128xf32, #tpu.memory_space<vmem_shared>> -> memref<4096x128xf32, #tpu.memory_space<vmem_shared>>
        tpu.enqueue_indirect_dma source(%dma_start3A_484 : memref<4096x128xf32, #tpu.memory_space<vmem_shared>>) target(%dma_start3A_478 : memref<128x128xf32, #tpu.memory_space<vmem>>) offsets(%dma_start3A_481 : memref<128xi32, #tpu.memory_space<vmem>>) semaphore(%arg14 : memref<!tpu.dma_semaphore, #tpu.memory_space<semaphore_mem>>)
      } else {
      }
    }
    %scan3A_46 = arith.constant 16 : i32
    %dma_wait3A = arith.constant 0 : i32
    %dma_wait3A_47 = arith.constant 0 : i32
    %dma_wait3A_48 = arith.constant 0 : i32
    %dma_wait3A_49 = tpu.memref_slice %arg12[%dma_wait3A, %dma_wait3A_47, %dma_wait3A_48] : memref<5x128x128xf32, #tpu.memory_space<vmem>> -> memref<1x128x128xf32, #tpu.memory_space<vmem>>
    %dma_wait3A_50 = tpu.memref_squeeze %dma_wait3A_49 : memref<1x128x128xf32, #tpu.memory_space<vmem>> -> memref<128x128xf32, #tpu.memory_space<vmem>>
    %dma_wait3A_51 = arith.constant 0 : i32
    %dma_wait3A_52 = tpu.memref_slice %arg7[%mul3A_6, %dma_wait3A_51] : memref<65536x128xf32, #tpu.memory_space<hbm>> -> memref<128x128xf32, #tpu.memory_space<hbm>>
    %dma_wait3A_53 = arith.constant 0 : i32
    %dma_wait3A_54 = tpu.memref_slice %arg7[%mul3A_6, %dma_wait3A_53] : memref<65536x128xf32, #tpu.memory_space<hbm>> -> memref<128x128xf32, #tpu.memory_space<hbm>>
    %dma_wait3A_55 = arith.constant 0 : i32
    %dma_wait3A_56 = arith.constant 0 : i32
    %dma_wait3A_57 = tpu.memref_slice %arg12[%dma_wait3A, %dma_wait3A_55, %dma_wait3A_56] : memref<5x128x128xf32, #tpu.memory_space<vmem>> -> memref<1x128x128xf32, #tpu.memory_space<vmem>>
    %dma_wait3A_58 = tpu.memref_squeeze %dma_wait3A_57 : memref<1x128x128xf32, #tpu.memory_space<vmem>> -> memref<128x128xf32, #tpu.memory_space<vmem>>
    tpu.wait_dma2 semaphore(%arg15 : memref<!tpu.dma_semaphore, #tpu.memory_space<semaphore_mem>>) src(%dma_wait3A_58 : memref<128x128xf32, #tpu.memory_space<vmem>>) dst(%dma_wait3A_54 : memref<128x128xf32, #tpu.memory_space<hbm>>)
    %dma_wait3A_59 = arith.constant 0 : i32
    %dma_wait3A_60 = arith.constant 0 : i32
    %dma_wait3A_61 = arith.constant 0 : i32
    %dma_wait3A_62 = tpu.memref_slice %arg12[%dma_wait3A_59, %dma_wait3A_60, %dma_wait3A_61] : memref<5x128x128xf32, #tpu.memory_space<vmem>> -> memref<1x128x128xf32, #tpu.memory_space<vmem>>
    %dma_wait3A_63 = tpu.memref_squeeze %dma_wait3A_62 : memref<1x128x128xf32, #tpu.memory_space<vmem>> -> memref<128x128xf32, #tpu.memory_space<vmem>>
    %dma_wait3A_64 = arith.constant 0 : i32
    %dma_wait3A_65 = tpu.memref_slice %arg7[%mul3A_6, %dma_wait3A_64] : memref<65536x128xf32, #tpu.memory_space<hbm>> -> memref<128x128xf32, #tpu.memory_space<hbm>>
    %dma_wait3A_66 = arith.constant 0 : i32
    %dma_wait3A_67 = tpu.memref_slice %arg7[%mul3A_6, %dma_wait3A_66] : memref<65536x128xf32, #tpu.memory_space<hbm>> -> memref<128x128xf32, #tpu.memory_space<hbm>>
    %dma_wait3A_68 = arith.constant 0 : i32
    %dma_wait3A_69 = arith.constant 0 : i32
    %dma_wait3A_70 = tpu.memref_slice %arg12[%dma_wait3A_59, %dma_wait3A_68, %dma_wait3A_69] : memref<5x128x128xf32, #tpu.memory_space<vmem>> -> memref<1x128x128xf32, #tpu.memory_space<vmem>>
    %dma_wait3A_71 = tpu.memref_squeeze %dma_wait3A_70 : memref<1x128x128xf32, #tpu.memory_space<vmem>> -> memref<128x128xf32, #tpu.memory_space<vmem>>
    tpu.wait_dma2 semaphore(%arg15 : memref<!tpu.dma_semaphore, #tpu.memory_space<semaphore_mem>>) src(%dma_wait3A_71 : memref<128x128xf32, #tpu.memory_space<vmem>>) dst(%dma_wait3A_67 : memref<128x128xf32, #tpu.memory_space<hbm>>)
    %dma_wait3A_72 = arith.constant 0 : i32
    %dma_wait3A_73 = arith.constant 0 : i32
    %dma_wait3A_74 = arith.constant 0 : i32
    %dma_wait3A_75 = tpu.memref_slice %arg12[%dma_wait3A_72, %dma_wait3A_73, %dma_wait3A_74] : memref<5x128x128xf32, #tpu.memory_space<vmem>> -> memref<1x128x128xf32, #tpu.memory_space<vmem>>
    %dma_wait3A_76 = tpu.memref_squeeze %dma_wait3A_75 : memref<1x128x128xf32, #tpu.memory_space<vmem>> -> memref<128x128xf32, #tpu.memory_space<vmem>>
    %dma_wait3A_77 = arith.constant 0 : i32
    %dma_wait3A_78 = tpu.memref_slice %arg7[%mul3A_6, %dma_wait3A_77] : memref<65536x128xf32, #tpu.memory_space<hbm>> -> memref<128x128xf32, #tpu.memory_space<hbm>>
    %dma_wait3A_79 = arith.constant 0 : i32
    %dma_wait3A_80 = tpu.memref_slice %arg7[%mul3A_6, %dma_wait3A_79] : memref<65536x128xf32, #tpu.memory_space<hbm>> -> memref<128x128xf32, #tpu.memory_space<hbm>>
    %dma_wait3A_81 = arith.constant 0 : i32
    %dma_wait3A_82 = arith.constant 0 : i32
    %dma_wait3A_83 = tpu.memref_slice %arg12[%dma_wait3A_72, %dma_wait3A_81, %dma_wait3A_82] : memref<5x128x128xf32, #tpu.memory_space<vmem>> -> memref<1x128x128xf32, #tpu.memory_space<vmem>>
    %dma_wait3A_84 = tpu.memref_squeeze %dma_wait3A_83 : memref<1x128x128xf32, #tpu.memory_space<vmem>> -> memref<128x128xf32, #tpu.memory_space<vmem>>
    tpu.wait_dma2 semaphore(%arg15 : memref<!tpu.dma_semaphore, #tpu.memory_space<semaphore_mem>>) src(%dma_wait3A_84 : memref<128x128xf32, #tpu.memory_space<vmem>>) dst(%dma_wait3A_80 : memref<128x128xf32, #tpu.memory_space<hbm>>)
    %dma_wait3A_85 = arith.constant 0 : i32
    %dma_wait3A_86 = arith.constant 0 : i32
    %dma_wait3A_87 = arith.constant 0 : i32
    %dma_wait3A_88 = tpu.memref_slice %arg12[%dma_wait3A_85, %dma_wait3A_86, %dma_wait3A_87] : memref<5x128x128xf32, #tpu.memory_space<vmem>> -> memref<1x128x128xf32, #tpu.memory_space<vmem>>
    %dma_wait3A_89 = tpu.memref_squeeze %dma_wait3A_88 : memref<1x128x128xf32, #tpu.memory_space<vmem>> -> memref<128x128xf32, #tpu.memory_space<vmem>>
    %dma_wait3A_90 = arith.constant 0 : i32
    %dma_wait3A_91 = tpu.memref_slice %arg7[%mul3A_6, %dma_wait3A_90] : memref<65536x128xf32, #tpu.memory_space<hbm>> -> memref<128x128xf32, #tpu.memory_space<hbm>>
    %dma_wait3A_92 = arith.constant 0 : i32
    %dma_wait3A_93 = tpu.memref_slice %arg7[%mul3A_6, %dma_wait3A_92] : memref<65536x128xf32, #tpu.memory_space<hbm>> -> memref<128x128xf32, #tpu.memory_space<hbm>>
    %dma_wait3A_94 = arith.constant 0 : i32
    %dma_wait3A_95 = arith.constant 0 : i32
    %dma_wait3A_96 = tpu.memref_slice %arg12[%dma_wait3A_85, %dma_wait3A_94, %dma_wait3A_95] : memref<5x128x128xf32, #tpu.memory_space<vmem>> -> memref<1x128x128xf32, #tpu.memory_space<vmem>>
    %dma_wait3A_97 = tpu.memref_squeeze %dma_wait3A_96 : memref<1x128x128xf32, #tpu.memory_space<vmem>> -> memref<128x128xf32, #tpu.memory_space<vmem>>
    tpu.wait_dma2 semaphore(%arg15 : memref<!tpu.dma_semaphore, #tpu.memory_space<semaphore_mem>>) src(%dma_wait3A_97 : memref<128x128xf32, #tpu.memory_space<vmem>>) dst(%dma_wait3A_93 : memref<128x128xf32, #tpu.memory_space<hbm>>)
    %dma_wait3A_98 = arith.constant 0 : i32
    %dma_wait3A_99 = arith.constant 0 : i32
    %dma_wait3A_100 = arith.constant 0 : i32
    %dma_wait3A_101 = tpu.memref_slice %arg12[%dma_wait3A_98, %dma_wait3A_99, %dma_wait3A_100] : memref<5x128x128xf32, #tpu.memory_space<vmem>> -> memref<1x128x128xf32, #tpu.memory_space<vmem>>
    %dma_wait3A_102 = tpu.memref_squeeze %dma_wait3A_101 : memref<1x128x128xf32, #tpu.memory_space<vmem>> -> memref<128x128xf32, #tpu.memory_space<vmem>>
    %dma_wait3A_103 = arith.constant 0 : i32
    %dma_wait3A_104 = tpu.memref_slice %arg7[%mul3A_6, %dma_wait3A_103] : memref<65536x128xf32, #tpu.memory_space<hbm>> -> memref<128x128xf32, #tpu.memory_space<hbm>>
    %dma_wait3A_105 = arith.constant 0 : i32
    %dma_wait3A_106 = tpu.memref_slice %arg7[%mul3A_6, %dma_wait3A_105] : memref<65536x128xf32, #tpu.memory_space<hbm>> -> memref<128x128xf32, #tpu.memory_space<hbm>>
    %dma_wait3A_107 = arith.constant 0 : i32
    %dma_wait3A_108 = arith.constant 0 : i32
    %dma_wait3A_109 = tpu.memref_slice %arg12[%dma_wait3A_98, %dma_wait3A_107, %dma_wait3A_108] : memref<5x128x128xf32, #tpu.memory_space<vmem>> -> memref<1x128x128xf32, #tpu.memory_space<vmem>>
    %dma_wait3A_110 = tpu.memref_squeeze %dma_wait3A_109 : memref<1x128x128xf32, #tpu.memory_space<vmem>> -> memref<128x128xf32, #tpu.memory_space<vmem>>
    tpu.wait_dma2 semaphore(%arg15 : memref<!tpu.dma_semaphore, #tpu.memory_space<semaphore_mem>>) src(%dma_wait3A_110 : memref<128x128xf32, #tpu.memory_space<vmem>>) dst(%dma_wait3A_106 : memref<128x128xf32, #tpu.memory_space<hbm>>)
    "tpu.region"() ({
      %run_scoped3A = tpu.sem_alloc : memref<!tpu.dma_semaphore, #tpu.memory_space<semaphore_mem>>
      %dma_start3A_432 = arith.constant 0 : i32
      %dma_start3A_433 = tpu.memref_slice %arg4[%mul3A_4, %dma_start3A_432] : memref<512x128xi32, #tpu.memory_space<hbm>> -> memref<16x128xi32, #tpu.memory_space<hbm>>
      %dma_start3A_434 = arith.constant 0 : i32
      %dma_start3A_435 = tpu.memref_slice %arg4[%mul3A_4, %dma_start3A_434] : memref<512x128xi32, #tpu.memory_space<hbm>> -> memref<16x128xi32, #tpu.memory_space<hbm>>
      tpu.enqueue_dma source(%dma_start3A_435 : memref<16x128xi32, #tpu.memory_space<hbm>>) target(%arg11 : memref<16x128xi32, #tpu.memory_space<vmem>>) target_semaphore(%run_scoped3A : memref<!tpu.dma_semaphore, #tpu.memory_space<semaphore_mem>>)
      %dma_wait3A_436 = arith.constant 0 : i32
      %dma_wait3A_437 = tpu.memref_slice %arg4[%mul3A_4, %dma_wait3A_436] : memref<512x128xi32, #tpu.memory_space<hbm>> -> memref<16x128xi32, #tpu.memory_space<hbm>>
      %dma_wait3A_438 = arith.constant 0 : i32
      %dma_wait3A_439 = tpu.memref_slice %arg4[%mul3A_4, %dma_wait3A_438] : memref<512x128xi32, #tpu.memory_space<hbm>> -> memref<16x128xi32, #tpu.memory_space<hbm>>
      tpu.wait_dma2 semaphore(%run_scoped3A : memref<!tpu.dma_semaphore, #tpu.memory_space<semaphore_mem>>) src(%dma_wait3A_439 : memref<16x128xi32, #tpu.memory_space<hbm>>) dst(%arg11 : memref<16x128xi32, #tpu.memory_space<vmem>>)
      tpu.yield
    }) : () -> ()
    %dma_start3A_111 = arith.constant 0 : i32
    %dma_start3A_112 = arith.constant 0 : i32
    %dma_start3A_113 = arith.constant 0 : i32
    %dma_start3A_114 = arith.constant 0 : i32
    %dma_start3A_115 = tpu.memref_slice %arg12[%dma_start3A_112, %dma_start3A_113, %dma_start3A_114] : memref<5x128x128xf32, #tpu.memory_space<vmem>> -> memref<1x128x128xf32, #tpu.memory_space<vmem>>
    %dma_start3A_116 = tpu.memref_squeeze %dma_start3A_115 : memref<1x128x128xf32, #tpu.memory_space<vmem>> -> memref<128x128xf32, #tpu.memory_space<vmem>>
    %dma_start3A_117 = arith.constant 0 : i32
    %dma_start3A_118 = tpu.memref_slice %arg11[%dma_start3A_111, %dma_start3A_117] : memref<16x128xi32, #tpu.memory_space<vmem>> -> memref<1x128xi32, #tpu.memory_space<vmem>>
    %dma_start3A_119 = tpu.memref_squeeze %dma_start3A_118 : memref<1x128xi32, #tpu.memory_space<vmem>> -> memref<128xi32, #tpu.memory_space<vmem>>
    %dma_start3A_120 = arith.constant 0 : i32
    %dma_start3A_121 = arith.constant 0 : i32
    %dma_start3A_122 = tpu.memref_slice %arg13[%dma_start3A_120, %dma_start3A_121] : memref<4096x128xf32, #tpu.memory_space<vmem_shared>> -> memref<4096x128xf32, #tpu.memory_space<vmem_shared>>
    tpu.enqueue_indirect_dma source(%dma_start3A_122 : memref<4096x128xf32, #tpu.memory_space<vmem_shared>>) target(%dma_start3A_116 : memref<128x128xf32, #tpu.memory_space<vmem>>) offsets(%dma_start3A_119 : memref<128xi32, #tpu.memory_space<vmem>>) semaphore(%arg14 : memref<!tpu.dma_semaphore, #tpu.memory_space<semaphore_mem>>)
    %dma_start3A_123 = arith.constant 1 : i32
    %dma_start3A_124 = arith.constant 1 : i32
    %dma_start3A_125 = arith.constant 0 : i32
    %dma_start3A_126 = arith.constant 0 : i32
    %dma_start3A_127 = tpu.memref_slice %arg12[%dma_start3A_124, %dma_start3A_125, %dma_start3A_126] : memref<5x128x128xf32, #tpu.memory_space<vmem>> -> memref<1x128x128xf32, #tpu.memory_space<vmem>>
    %dma_start3A_128 = tpu.memref_squeeze %dma_start3A_127 : memref<1x128x128xf32, #tpu.memory_space<vmem>> -> memref<128x128xf32, #tpu.memory_space<vmem>>
    %dma_start3A_129 = arith.constant 0 : i32
    %dma_start3A_130 = tpu.memref_slice %arg11[%dma_start3A_123, %dma_start3A_129] : memref<16x128xi32, #tpu.memory_space<vmem>> -> memref<1x128xi32, #tpu.memory_space<vmem>>
    %dma_start3A_131 = tpu.memref_squeeze %dma_start3A_130 : memref<1x128xi32, #tpu.memory_space<vmem>> -> memref<128xi32, #tpu.memory_space<vmem>>
    %dma_start3A_132 = arith.constant 0 : i32
    %dma_start3A_133 = arith.constant 0 : i32
    %dma_start3A_134 = tpu.memref_slice %arg13[%dma_start3A_132, %dma_start3A_133] : memref<4096x128xf32, #tpu.memory_space<vmem_shared>> -> memref<4096x128xf32, #tpu.memory_space<vmem_shared>>
    tpu.enqueue_indirect_dma source(%dma_start3A_134 : memref<4096x128xf32, #tpu.memory_space<vmem_shared>>) target(%dma_start3A_128 : memref<128x128xf32, #tpu.memory_space<vmem>>) offsets(%dma_start3A_131 : memref<128xi32, #tpu.memory_space<vmem>>) semaphore(%arg14 : memref<!tpu.dma_semaphore, #tpu.memory_space<semaphore_mem>>)
    %dma_start3A_135 = arith.constant 2 : i32
    %dma_start3A_136 = arith.constant 2 : i32
    %dma_start3A_137 = arith.constant 0 : i32
    %dma_start3A_138 = arith.constant 0 : i32
    %dma_start3A_139 = tpu.memref_slice %arg12[%dma_start3A_136, %dma_start3A_137, %dma_start3A_138] : memref<5x128x128xf32, #tpu.memory_space<vmem>> -> memref<1x128x128xf32, #tpu.memory_space<vmem>>
    %dma_start3A_140 = tpu.memref_squeeze %dma_start3A_139 : memref<1x128x128xf32, #tpu.memory_space<vmem>> -> memref<128x128xf32, #tpu.memory_space<vmem>>
    %dma_start3A_141 = arith.constant 0 : i32
    %dma_start3A_142 = tpu.memref_slice %arg11[%dma_start3A_135, %dma_start3A_141] : memref<16x128xi32, #tpu.memory_space<vmem>> -> memref<1x128xi32, #tpu.memory_space<vmem>>
    %dma_start3A_143 = tpu.memref_squeeze %dma_start3A_142 : memref<1x128xi32, #tpu.memory_space<vmem>> -> memref<128xi32, #tpu.memory_space<vmem>>
    %dma_start3A_144 = arith.constant 0 : i32
    %dma_start3A_145 = arith.constant 0 : i32
    %dma_start3A_146 = tpu.memref_slice %arg13[%dma_start3A_144, %dma_start3A_145] : memref<4096x128xf32, #tpu.memory_space<vmem_shared>> -> memref<4096x128xf32, #tpu.memory_space<vmem_shared>>
    tpu.enqueue_indirect_dma source(%dma_start3A_146 : memref<4096x128xf32, #tpu.memory_space<vmem_shared>>) target(%dma_start3A_140 : memref<128x128xf32, #tpu.memory_space<vmem>>) offsets(%dma_start3A_143 : memref<128xi32, #tpu.memory_space<vmem>>) semaphore(%arg14 : memref<!tpu.dma_semaphore, #tpu.memory_space<semaphore_mem>>)
    %scan3A_147 = arith.constant 0 : i32
    %scan3A_148 = arith.constant 0 : i32
    %scan3A_149 = arith.constant 16 : i32
    %scan3A_150 = arith.addi %scan3A_148, %scan3A_149 : i32
    %scan3A_151 = arith.constant 1 : i32
    scf.for %scan3A_432 = %scan3A_148 to %scan3A_150 step %scan3A_151  : i32 {
      %rem3A = arith.constant 5 : i32
      %rem3A_433 = arith.remsi %scan3A_432, %rem3A : i32
      %dma_wait3A_434 = arith.constant 0 : i32
      %dma_wait3A_435 = arith.constant 0 : i32
      %dma_wait3A_436 = tpu.memref_slice %arg12[%rem3A_433, %dma_wait3A_434, %dma_wait3A_435] : memref<5x128x128xf32, #tpu.memory_space<vmem>> -> memref<1x128x128xf32, #tpu.memory_space<vmem>>
      %dma_wait3A_437 = tpu.memref_squeeze %dma_wait3A_436 : memref<1x128x128xf32, #tpu.memory_space<vmem>> -> memref<128x128xf32, #tpu.memory_space<vmem>>
      %dma_wait3A_438 = arith.constant 0 : i32
      %dma_wait3A_439 = tpu.memref_slice %arg11[%scan3A_432, %dma_wait3A_438] : memref<16x128xi32, #tpu.memory_space<vmem>> -> memref<1x128xi32, #tpu.memory_space<vmem>>
      %dma_wait3A_440 = tpu.memref_squeeze %dma_wait3A_439 : memref<1x128xi32, #tpu.memory_space<vmem>> -> memref<128xi32, #tpu.memory_space<vmem>>
      %dma_wait3A_441 = arith.constant 0 : i32
      %dma_wait3A_442 = arith.constant 0 : i32
      %dma_wait3A_443 = tpu.memref_slice %arg13[%dma_wait3A_441, %dma_wait3A_442] : memref<4096x128xf32, #tpu.memory_space<vmem_shared>> -> memref<4096x128xf32, #tpu.memory_space<vmem_shared>>
      tpu.wait_indirect_dma semaphore(%arg14 : memref<!tpu.dma_semaphore, #tpu.memory_space<semaphore_mem>>) src(%dma_wait3A_443 : memref<4096x128xf32, #tpu.memory_space<vmem_shared>>) dst(%dma_wait3A_437 : memref<128x128xf32, #tpu.memory_space<vmem>>)
      %mul3A_444 = arith.constant 128 : i32
      %mul3A_445 = arith.muli %scan3A_432, %mul3A_444 : i32
      %add3A_446 = arith.addi %mul3A_6, %mul3A_445 : i32
      %dma_start3A_447 = arith.constant 0 : i32
      %dma_start3A_448 = arith.constant 0 : i32
      %dma_start3A_449 = tpu.memref_slice %arg12[%rem3A_433, %dma_start3A_447, %dma_start3A_448] : memref<5x128x128xf32, #tpu.memory_space<vmem>> -> memref<1x128x128xf32, #tpu.memory_space<vmem>>
      %dma_start3A_450 = tpu.memref_squeeze %dma_start3A_449 : memref<1x128x128xf32, #tpu.memory_space<vmem>> -> memref<128x128xf32, #tpu.memory_space<vmem>>
      %dma_start3A_451 = arith.constant 0 : i32
      %dma_start3A_452 = tpu.memref_slice %arg8[%add3A_446, %dma_start3A_451] : memref<65536x128xf32, #tpu.memory_space<hbm>> -> memref<128x128xf32, #tpu.memory_space<hbm>>
      %dma_start3A_453 = arith.constant 0 : i32
      %dma_start3A_454 = tpu.memref_slice %arg8[%add3A_446, %dma_start3A_453] : memref<65536x128xf32, #tpu.memory_space<hbm>> -> memref<128x128xf32, #tpu.memory_space<hbm>>
      %dma_start3A_455 = arith.constant 0 : i32
      %dma_start3A_456 = arith.constant 0 : i32
      %dma_start3A_457 = tpu.memref_slice %arg12[%rem3A_433, %dma_start3A_455, %dma_start3A_456] : memref<5x128x128xf32, #tpu.memory_space<vmem>> -> memref<1x128x128xf32, #tpu.memory_space<vmem>>
      %dma_start3A_458 = tpu.memref_squeeze %dma_start3A_457 : memref<1x128x128xf32, #tpu.memory_space<vmem>> -> memref<128x128xf32, #tpu.memory_space<vmem>>
      tpu.enqueue_dma source(%dma_start3A_458 : memref<128x128xf32, #tpu.memory_space<vmem>>) target(%dma_start3A_454 : memref<128x128xf32, #tpu.memory_space<hbm>>) target_semaphore(%arg15 : memref<!tpu.dma_semaphore, #tpu.memory_space<semaphore_mem>>)
      %add3A_459 = arith.constant 3 : i32
      %add3A_460 = arith.addi %scan3A_432, %add3A_459 : i32
      %lt3A = arith.constant 16 : i32
      %lt3A_461 = arith.cmpi slt, %add3A_460, %lt3A : i32
      %convert_element_type3A_462 = arith.extui %lt3A_461 : i1 to i32
      %cond3A_463 = arith.constant 0 : i32
      %cond3A_464 = arith.cmpi ne, %convert_element_type3A_462, %cond3A_463 : i32
      scf.if %cond3A_464 {
        %add3A_465 = arith.constant 3 : i32
        %add3A_466 = arith.addi %scan3A_432, %add3A_465 : i32
        %rem3A_467 = arith.constant 5 : i32
        %rem3A_468 = arith.remsi %add3A_466, %rem3A_467 : i32
        %ge3A = arith.constant 2 : i32
        %ge3A_469 = arith.cmpi sge, %scan3A_432, %ge3A : i32
        %convert_element_type3A_470 = arith.extui %ge3A_469 : i1 to i32
        %cond3A_471 = arith.constant 0 : i32
        %cond3A_472 = arith.cmpi ne, %convert_element_type3A_470, %cond3A_471 : i32
        scf.if %cond3A_472 {
          %dma_wait3A_485 = arith.constant 0 : i32
          %dma_wait3A_486 = arith.constant 0 : i32
          %dma_wait3A_487 = tpu.memref_slice %arg12[%rem3A_468, %dma_wait3A_485, %dma_wait3A_486] : memref<5x128x128xf32, #tpu.memory_space<vmem>> -> memref<1x128x128xf32, #tpu.memory_space<vmem>>
          %dma_wait3A_488 = tpu.memref_squeeze %dma_wait3A_487 : memref<1x128x128xf32, #tpu.memory_space<vmem>> -> memref<128x128xf32, #tpu.memory_space<vmem>>
          %dma_wait3A_489 = arith.constant 0 : i32
          %dma_wait3A_490 = tpu.memref_slice %arg8[%mul3A_6, %dma_wait3A_489] : memref<65536x128xf32, #tpu.memory_space<hbm>> -> memref<128x128xf32, #tpu.memory_space<hbm>>
          %dma_wait3A_491 = arith.constant 0 : i32
          %dma_wait3A_492 = tpu.memref_slice %arg8[%mul3A_6, %dma_wait3A_491] : memref<65536x128xf32, #tpu.memory_space<hbm>> -> memref<128x128xf32, #tpu.memory_space<hbm>>
          %dma_wait3A_493 = arith.constant 0 : i32
          %dma_wait3A_494 = arith.constant 0 : i32
          %dma_wait3A_495 = tpu.memref_slice %arg12[%rem3A_468, %dma_wait3A_493, %dma_wait3A_494] : memref<5x128x128xf32, #tpu.memory_space<vmem>> -> memref<1x128x128xf32, #tpu.memory_space<vmem>>
          %dma_wait3A_496 = tpu.memref_squeeze %dma_wait3A_495 : memref<1x128x128xf32, #tpu.memory_space<vmem>> -> memref<128x128xf32, #tpu.memory_space<vmem>>
          tpu.wait_dma2 semaphore(%arg15 : memref<!tpu.dma_semaphore, #tpu.memory_space<semaphore_mem>>) src(%dma_wait3A_496 : memref<128x128xf32, #tpu.memory_space<vmem>>) dst(%dma_wait3A_492 : memref<128x128xf32, #tpu.memory_space<hbm>>)
        } else {
        }
        %add3A_473 = arith.constant 3 : i32
        %add3A_474 = arith.addi %scan3A_432, %add3A_473 : i32
        %dma_start3A_475 = arith.constant 0 : i32
        %dma_start3A_476 = arith.constant 0 : i32
        %dma_start3A_477 = tpu.memref_slice %arg12[%rem3A_468, %dma_start3A_475, %dma_start3A_476] : memref<5x128x128xf32, #tpu.memory_space<vmem>> -> memref<1x128x128xf32, #tpu.memory_space<vmem>>
        %dma_start3A_478 = tpu.memref_squeeze %dma_start3A_477 : memref<1x128x128xf32, #tpu.memory_space<vmem>> -> memref<128x128xf32, #tpu.memory_space<vmem>>
        %dma_start3A_479 = arith.constant 0 : i32
        %dma_start3A_480 = tpu.memref_slice %arg11[%add3A_474, %dma_start3A_479] : memref<16x128xi32, #tpu.memory_space<vmem>> -> memref<1x128xi32, #tpu.memory_space<vmem>>
        %dma_start3A_481 = tpu.memref_squeeze %dma_start3A_480 : memref<1x128xi32, #tpu.memory_space<vmem>> -> memref<128xi32, #tpu.memory_space<vmem>>
        %dma_start3A_482 = arith.constant 0 : i32
        %dma_start3A_483 = arith.constant 0 : i32
        %dma_start3A_484 = tpu.memref_slice %arg13[%dma_start3A_482, %dma_start3A_483] : memref<4096x128xf32, #tpu.memory_space<vmem_shared>> -> memref<4096x128xf32, #tpu.memory_space<vmem_shared>>
        tpu.enqueue_indirect_dma source(%dma_start3A_484 : memref<4096x128xf32, #tpu.memory_space<vmem_shared>>) target(%dma_start3A_478 : memref<128x128xf32, #tpu.memory_space<vmem>>) offsets(%dma_start3A_481 : memref<128xi32, #tpu.memory_space<vmem>>) semaphore(%arg14 : memref<!tpu.dma_semaphore, #tpu.memory_space<semaphore_mem>>)
      } else {
      }
    }
    %scan3A_152 = arith.constant 16 : i32
    %dma_wait3A_153 = arith.constant 0 : i32
    %dma_wait3A_154 = arith.constant 0 : i32
    %dma_wait3A_155 = arith.constant 0 : i32
    %dma_wait3A_156 = tpu.memref_slice %arg12[%dma_wait3A_153, %dma_wait3A_154, %dma_wait3A_155] : memref<5x128x128xf32, #tpu.memory_space<vmem>> -> memref<1x128x128xf32, #tpu.memory_space<vmem>>
    %dma_wait3A_157 = tpu.memref_squeeze %dma_wait3A_156 : memref<1x128x128xf32, #tpu.memory_space<vmem>> -> memref<128x128xf32, #tpu.memory_space<vmem>>
    %dma_wait3A_158 = arith.constant 0 : i32
    %dma_wait3A_159 = tpu.memref_slice %arg8[%mul3A_6, %dma_wait3A_158] : memref<65536x128xf32, #tpu.memory_space<hbm>> -> memref<128x128xf32, #tpu.memory_space<hbm>>
    %dma_wait3A_160 = arith.constant 0 : i32
    %dma_wait3A_161 = tpu.memref_slice %arg8[%mul3A_6, %dma_wait3A_160] : memref<65536x128xf32, #tpu.memory_space<hbm>> -> memref<128x128xf32, #tpu.memory_space<hbm>>
    %dma_wait3A_162 = arith.constant 0 : i32
    %dma_wait3A_163 = arith.constant 0 : i32
    %dma_wait3A_164 = tpu.memref_slice %arg12[%dma_wait3A_153, %dma_wait3A_162, %dma_wait3A_163] : memref<5x128x128xf32, #tpu.memory_space<vmem>> -> memref<1x128x128xf32, #tpu.memory_space<vmem>>
    %dma_wait3A_165 = tpu.memref_squeeze %dma_wait3A_164 : memref<1x128x128xf32, #tpu.memory_space<vmem>> -> memref<128x128xf32, #tpu.memory_space<vmem>>
    tpu.wait_dma2 semaphore(%arg15 : memref<!tpu.dma_semaphore, #tpu.memory_space<semaphore_mem>>) src(%dma_wait3A_165 : memref<128x128xf32, #tpu.memory_space<vmem>>) dst(%dma_wait3A_161 : memref<128x128xf32, #tpu.memory_space<hbm>>)
    %dma_wait3A_166 = arith.constant 0 : i32
    %dma_wait3A_167 = arith.constant 0 : i32
    %dma_wait3A_168 = arith.constant 0 : i32
    %dma_wait3A_169 = tpu.memref_slice %arg12[%dma_wait3A_166, %dma_wait3A_167, %dma_wait3A_168] : memref<5x128x128xf32, #tpu.memory_space<vmem>> -> memref<1x128x128xf32, #tpu.memory_space<vmem>>
    %dma_wait3A_170 = tpu.memref_squeeze %dma_wait3A_169 : memref<1x128x128xf32, #tpu.memory_space<vmem>> -> memref<128x128xf32, #tpu.memory_space<vmem>>
    %dma_wait3A_171 = arith.constant 0 : i32
    %dma_wait3A_172 = tpu.memref_slice %arg8[%mul3A_6, %dma_wait3A_171] : memref<65536x128xf32, #tpu.memory_space<hbm>> -> memref<128x128xf32, #tpu.memory_space<hbm>>
    %dma_wait3A_173 = arith.constant 0 : i32
    %dma_wait3A_174 = tpu.memref_slice %arg8[%mul3A_6, %dma_wait3A_173] : memref<65536x128xf32, #tpu.memory_space<hbm>> -> memref<128x128xf32, #tpu.memory_space<hbm>>
    %dma_wait3A_175 = arith.constant 0 : i32
    %dma_wait3A_176 = arith.constant 0 : i32
    %dma_wait3A_177 = tpu.memref_slice %arg12[%dma_wait3A_166, %dma_wait3A_175, %dma_wait3A_176] : memref<5x128x128xf32, #tpu.memory_space<vmem>> -> memref<1x128x128xf32, #tpu.memory_space<vmem>>
    %dma_wait3A_178 = tpu.memref_squeeze %dma_wait3A_177 : memref<1x128x128xf32, #tpu.memory_space<vmem>> -> memref<128x128xf32, #tpu.memory_space<vmem>>
    tpu.wait_dma2 semaphore(%arg15 : memref<!tpu.dma_semaphore, #tpu.memory_space<semaphore_mem>>) src(%dma_wait3A_178 : memref<128x128xf32, #tpu.memory_space<vmem>>) dst(%dma_wait3A_174 : memref<128x128xf32, #tpu.memory_space<hbm>>)
    %dma_wait3A_179 = arith.constant 0 : i32
    %dma_wait3A_180 = arith.constant 0 : i32
    %dma_wait3A_181 = arith.constant 0 : i32
    %dma_wait3A_182 = tpu.memref_slice %arg12[%dma_wait3A_179, %dma_wait3A_180, %dma_wait3A_181] : memref<5x128x128xf32, #tpu.memory_space<vmem>> -> memref<1x128x128xf32, #tpu.memory_space<vmem>>
    %dma_wait3A_183 = tpu.memref_squeeze %dma_wait3A_182 : memref<1x128x128xf32, #tpu.memory_space<vmem>> -> memref<128x128xf32, #tpu.memory_space<vmem>>
    %dma_wait3A_184 = arith.constant 0 : i32
    %dma_wait3A_185 = tpu.memref_slice %arg8[%mul3A_6, %dma_wait3A_184] : memref<65536x128xf32, #tpu.memory_space<hbm>> -> memref<128x128xf32, #tpu.memory_space<hbm>>
    %dma_wait3A_186 = arith.constant 0 : i32
    %dma_wait3A_187 = tpu.memref_slice %arg8[%mul3A_6, %dma_wait3A_186] : memref<65536x128xf32, #tpu.memory_space<hbm>> -> memref<128x128xf32, #tpu.memory_space<hbm>>
    %dma_wait3A_188 = arith.constant 0 : i32
    %dma_wait3A_189 = arith.constant 0 : i32
    %dma_wait3A_190 = tpu.memref_slice %arg12[%dma_wait3A_179, %dma_wait3A_188, %dma_wait3A_189] : memref<5x128x128xf32, #tpu.memory_space<vmem>> -> memref<1x128x128xf32, #tpu.memory_space<vmem>>
    %dma_wait3A_191 = tpu.memref_squeeze %dma_wait3A_190 : memref<1x128x128xf32, #tpu.memory_space<vmem>> -> memref<128x128xf32, #tpu.memory_space<vmem>>
    tpu.wait_dma2 semaphore(%arg15 : memref<!tpu.dma_semaphore, #tpu.memory_space<semaphore_mem>>) src(%dma_wait3A_191 : memref<128x128xf32, #tpu.memory_space<vmem>>) dst(%dma_wait3A_187 : memref<128x128xf32, #tpu.memory_space<hbm>>)
    %dma_wait3A_192 = arith.constant 0 : i32
    %dma_wait3A_193 = arith.constant 0 : i32
    %dma_wait3A_194 = arith.constant 0 : i32
    %dma_wait3A_195 = tpu.memref_slice %arg12[%dma_wait3A_192, %dma_wait3A_193, %dma_wait3A_194] : memref<5x128x128xf32, #tpu.memory_space<vmem>> -> memref<1x128x128xf32, #tpu.memory_space<vmem>>
    %dma_wait3A_196 = tpu.memref_squeeze %dma_wait3A_195 : memref<1x128x128xf32, #tpu.memory_space<vmem>> -> memref<128x128xf32, #tpu.memory_space<vmem>>
    %dma_wait3A_197 = arith.constant 0 : i32
    %dma_wait3A_198 = tpu.memref_slice %arg8[%mul3A_6, %dma_wait3A_197] : memref<65536x128xf32, #tpu.memory_space<hbm>> -> memref<128x128xf32, #tpu.memory_space<hbm>>
    %dma_wait3A_199 = arith.constant 0 : i32
    %dma_wait3A_200 = tpu.memref_slice %arg8[%mul3A_6, %dma_wait3A_199] : memref<65536x128xf32, #tpu.memory_space<hbm>> -> memref<128x128xf32, #tpu.memory_space<hbm>>
    %dma_wait3A_201 = arith.constant 0 : i32
    %dma_wait3A_202 = arith.constant 0 : i32
    %dma_wait3A_203 = tpu.memref_slice %arg12[%dma_wait3A_192, %dma_wait3A_201, %dma_wait3A_202] : memref<5x128x128xf32, #tpu.memory_space<vmem>> -> memref<1x128x128xf32, #tpu.memory_space<vmem>>
    %dma_wait3A_204 = tpu.memref_squeeze %dma_wait3A_203 : memref<1x128x128xf32, #tpu.memory_space<vmem>> -> memref<128x128xf32, #tpu.memory_space<vmem>>
    tpu.wait_dma2 semaphore(%arg15 : memref<!tpu.dma_semaphore, #tpu.memory_space<semaphore_mem>>) src(%dma_wait3A_204 : memref<128x128xf32, #tpu.memory_space<vmem>>) dst(%dma_wait3A_200 : memref<128x128xf32, #tpu.memory_space<hbm>>)
    %dma_wait3A_205 = arith.constant 0 : i32
    %dma_wait3A_206 = arith.constant 0 : i32
    %dma_wait3A_207 = arith.constant 0 : i32
    %dma_wait3A_208 = tpu.memref_slice %arg12[%dma_wait3A_205, %dma_wait3A_206, %dma_wait3A_207] : memref<5x128x128xf32, #tpu.memory_space<vmem>> -> memref<1x128x128xf32, #tpu.memory_space<vmem>>
    %dma_wait3A_209 = tpu.memref_squeeze %dma_wait3A_208 : memref<1x128x128xf32, #tpu.memory_space<vmem>> -> memref<128x128xf32, #tpu.memory_space<vmem>>
    %dma_wait3A_210 = arith.constant 0 : i32
    %dma_wait3A_211 = tpu.memref_slice %arg8[%mul3A_6, %dma_wait3A_210] : memref<65536x128xf32, #tpu.memory_space<hbm>> -> memref<128x128xf32, #tpu.memory_space<hbm>>
    %dma_wait3A_212 = arith.constant 0 : i32
    %dma_wait3A_213 = tpu.memref_slice %arg8[%mul3A_6, %dma_wait3A_212] : memref<65536x128xf32, #tpu.memory_space<hbm>> -> memref<128x128xf32, #tpu.memory_space<hbm>>
    %dma_wait3A_214 = arith.constant 0 : i32
    %dma_wait3A_215 = arith.constant 0 : i32
    %dma_wait3A_216 = tpu.memref_slice %arg12[%dma_wait3A_205, %dma_wait3A_214, %dma_wait3A_215] : memref<5x128x128xf32, #tpu.memory_space<vmem>> -> memref<1x128x128xf32, #tpu.memory_space<vmem>>
    %dma_wait3A_217 = tpu.memref_squeeze %dma_wait3A_216 : memref<1x128x128xf32, #tpu.memory_space<vmem>> -> memref<128x128xf32, #tpu.memory_space<vmem>>
    tpu.wait_dma2 semaphore(%arg15 : memref<!tpu.dma_semaphore, #tpu.memory_space<semaphore_mem>>) src(%dma_wait3A_217 : memref<128x128xf32, #tpu.memory_space<vmem>>) dst(%dma_wait3A_213 : memref<128x128xf32, #tpu.memory_space<hbm>>)
    "tpu.region"() ({
      %run_scoped3A = tpu.sem_alloc : memref<!tpu.dma_semaphore, #tpu.memory_space<semaphore_mem>>
      %dma_start3A_432 = arith.constant 0 : i32
      %dma_start3A_433 = tpu.memref_slice %arg5[%mul3A_4, %dma_start3A_432] : memref<512x128xi32, #tpu.memory_space<hbm>> -> memref<16x128xi32, #tpu.memory_space<hbm>>
      %dma_start3A_434 = arith.constant 0 : i32
      %dma_start3A_435 = tpu.memref_slice %arg5[%mul3A_4, %dma_start3A_434] : memref<512x128xi32, #tpu.memory_space<hbm>> -> memref<16x128xi32, #tpu.memory_space<hbm>>
      tpu.enqueue_dma source(%dma_start3A_435 : memref<16x128xi32, #tpu.memory_space<hbm>>) target(%arg11 : memref<16x128xi32, #tpu.memory_space<vmem>>) target_semaphore(%run_scoped3A : memref<!tpu.dma_semaphore, #tpu.memory_space<semaphore_mem>>)
      %dma_wait3A_436 = arith.constant 0 : i32
      %dma_wait3A_437 = tpu.memref_slice %arg5[%mul3A_4, %dma_wait3A_436] : memref<512x128xi32, #tpu.memory_space<hbm>> -> memref<16x128xi32, #tpu.memory_space<hbm>>
      %dma_wait3A_438 = arith.constant 0 : i32
      %dma_wait3A_439 = tpu.memref_slice %arg5[%mul3A_4, %dma_wait3A_438] : memref<512x128xi32, #tpu.memory_space<hbm>> -> memref<16x128xi32, #tpu.memory_space<hbm>>
      tpu.wait_dma2 semaphore(%run_scoped3A : memref<!tpu.dma_semaphore, #tpu.memory_space<semaphore_mem>>) src(%dma_wait3A_439 : memref<16x128xi32, #tpu.memory_space<hbm>>) dst(%arg11 : memref<16x128xi32, #tpu.memory_space<vmem>>)
      tpu.yield
    }) : () -> ()
    %dma_start3A_218 = arith.constant 0 : i32
    %dma_start3A_219 = arith.constant 0 : i32
    %dma_start3A_220 = arith.constant 0 : i32
    %dma_start3A_221 = arith.constant 0 : i32
    %dma_start3A_222 = tpu.memref_slice %arg12[%dma_start3A_219, %dma_start3A_220, %dma_start3A_221] : memref<5x128x128xf32, #tpu.memory_space<vmem>> -> memref<1x128x128xf32, #tpu.memory_space<vmem>>
    %dma_start3A_223 = tpu.memref_squeeze %dma_start3A_222 : memref<1x128x128xf32, #tpu.memory_space<vmem>> -> memref<128x128xf32, #tpu.memory_space<vmem>>
    %dma_start3A_224 = arith.constant 0 : i32
    %dma_start3A_225 = tpu.memref_slice %arg11[%dma_start3A_218, %dma_start3A_224] : memref<16x128xi32, #tpu.memory_space<vmem>> -> memref<1x128xi32, #tpu.memory_space<vmem>>
    %dma_start3A_226 = tpu.memref_squeeze %dma_start3A_225 : memref<1x128xi32, #tpu.memory_space<vmem>> -> memref<128xi32, #tpu.memory_space<vmem>>
    %dma_start3A_227 = arith.constant 0 : i32
    %dma_start3A_228 = arith.constant 0 : i32
    %dma_start3A_229 = tpu.memref_slice %arg13[%dma_start3A_227, %dma_start3A_228] : memref<4096x128xf32, #tpu.memory_space<vmem_shared>> -> memref<4096x128xf32, #tpu.memory_space<vmem_shared>>
    tpu.enqueue_indirect_dma source(%dma_start3A_229 : memref<4096x128xf32, #tpu.memory_space<vmem_shared>>) target(%dma_start3A_223 : memref<128x128xf32, #tpu.memory_space<vmem>>) offsets(%dma_start3A_226 : memref<128xi32, #tpu.memory_space<vmem>>) semaphore(%arg14 : memref<!tpu.dma_semaphore, #tpu.memory_space<semaphore_mem>>)
    %dma_start3A_230 = arith.constant 1 : i32
    %dma_start3A_231 = arith.constant 1 : i32
    %dma_start3A_232 = arith.constant 0 : i32
    %dma_start3A_233 = arith.constant 0 : i32
    %dma_start3A_234 = tpu.memref_slice %arg12[%dma_start3A_231, %dma_start3A_232, %dma_start3A_233] : memref<5x128x128xf32, #tpu.memory_space<vmem>> -> memref<1x128x128xf32, #tpu.memory_space<vmem>>
    %dma_start3A_235 = tpu.memref_squeeze %dma_start3A_234 : memref<1x128x128xf32, #tpu.memory_space<vmem>> -> memref<128x128xf32, #tpu.memory_space<vmem>>
    %dma_start3A_236 = arith.constant 0 : i32
    %dma_start3A_237 = tpu.memref_slice %arg11[%dma_start3A_230, %dma_start3A_236] : memref<16x128xi32, #tpu.memory_space<vmem>> -> memref<1x128xi32, #tpu.memory_space<vmem>>
    %dma_start3A_238 = tpu.memref_squeeze %dma_start3A_237 : memref<1x128xi32, #tpu.memory_space<vmem>> -> memref<128xi32, #tpu.memory_space<vmem>>
    %dma_start3A_239 = arith.constant 0 : i32
    %dma_start3A_240 = arith.constant 0 : i32
    %dma_start3A_241 = tpu.memref_slice %arg13[%dma_start3A_239, %dma_start3A_240] : memref<4096x128xf32, #tpu.memory_space<vmem_shared>> -> memref<4096x128xf32, #tpu.memory_space<vmem_shared>>
    tpu.enqueue_indirect_dma source(%dma_start3A_241 : memref<4096x128xf32, #tpu.memory_space<vmem_shared>>) target(%dma_start3A_235 : memref<128x128xf32, #tpu.memory_space<vmem>>) offsets(%dma_start3A_238 : memref<128xi32, #tpu.memory_space<vmem>>) semaphore(%arg14 : memref<!tpu.dma_semaphore, #tpu.memory_space<semaphore_mem>>)
    %dma_start3A_242 = arith.constant 2 : i32
    %dma_start3A_243 = arith.constant 2 : i32
    %dma_start3A_244 = arith.constant 0 : i32
    %dma_start3A_245 = arith.constant 0 : i32
    %dma_start3A_246 = tpu.memref_slice %arg12[%dma_start3A_243, %dma_start3A_244, %dma_start3A_245] : memref<5x128x128xf32, #tpu.memory_space<vmem>> -> memref<1x128x128xf32, #tpu.memory_space<vmem>>
    %dma_start3A_247 = tpu.memref_squeeze %dma_start3A_246 : memref<1x128x128xf32, #tpu.memory_space<vmem>> -> memref<128x128xf32, #tpu.memory_space<vmem>>
    %dma_start3A_248 = arith.constant 0 : i32
    %dma_start3A_249 = tpu.memref_slice %arg11[%dma_start3A_242, %dma_start3A_248] : memref<16x128xi32, #tpu.memory_space<vmem>> -> memref<1x128xi32, #tpu.memory_space<vmem>>
    %dma_start3A_250 = tpu.memref_squeeze %dma_start3A_249 : memref<1x128xi32, #tpu.memory_space<vmem>> -> memref<128xi32, #tpu.memory_space<vmem>>
    %dma_start3A_251 = arith.constant 0 : i32
    %dma_start3A_252 = arith.constant 0 : i32
    %dma_start3A_253 = tpu.memref_slice %arg13[%dma_start3A_251, %dma_start3A_252] : memref<4096x128xf32, #tpu.memory_space<vmem_shared>> -> memref<4096x128xf32, #tpu.memory_space<vmem_shared>>
    tpu.enqueue_indirect_dma source(%dma_start3A_253 : memref<4096x128xf32, #tpu.memory_space<vmem_shared>>) target(%dma_start3A_247 : memref<128x128xf32, #tpu.memory_space<vmem>>) offsets(%dma_start3A_250 : memref<128xi32, #tpu.memory_space<vmem>>) semaphore(%arg14 : memref<!tpu.dma_semaphore, #tpu.memory_space<semaphore_mem>>)
    %scan3A_254 = arith.constant 0 : i32
    %scan3A_255 = arith.constant 0 : i32
    %scan3A_256 = arith.constant 16 : i32
    %scan3A_257 = arith.addi %scan3A_255, %scan3A_256 : i32
    %scan3A_258 = arith.constant 1 : i32
    scf.for %scan3A_432 = %scan3A_255 to %scan3A_257 step %scan3A_258  : i32 {
      %rem3A = arith.constant 5 : i32
      %rem3A_433 = arith.remsi %scan3A_432, %rem3A : i32
      %dma_wait3A_434 = arith.constant 0 : i32
      %dma_wait3A_435 = arith.constant 0 : i32
      %dma_wait3A_436 = tpu.memref_slice %arg12[%rem3A_433, %dma_wait3A_434, %dma_wait3A_435] : memref<5x128x128xf32, #tpu.memory_space<vmem>> -> memref<1x128x128xf32, #tpu.memory_space<vmem>>
      %dma_wait3A_437 = tpu.memref_squeeze %dma_wait3A_436 : memref<1x128x128xf32, #tpu.memory_space<vmem>> -> memref<128x128xf32, #tpu.memory_space<vmem>>
      %dma_wait3A_438 = arith.constant 0 : i32
      %dma_wait3A_439 = tpu.memref_slice %arg11[%scan3A_432, %dma_wait3A_438] : memref<16x128xi32, #tpu.memory_space<vmem>> -> memref<1x128xi32, #tpu.memory_space<vmem>>
      %dma_wait3A_440 = tpu.memref_squeeze %dma_wait3A_439 : memref<1x128xi32, #tpu.memory_space<vmem>> -> memref<128xi32, #tpu.memory_space<vmem>>
      %dma_wait3A_441 = arith.constant 0 : i32
      %dma_wait3A_442 = arith.constant 0 : i32
      %dma_wait3A_443 = tpu.memref_slice %arg13[%dma_wait3A_441, %dma_wait3A_442] : memref<4096x128xf32, #tpu.memory_space<vmem_shared>> -> memref<4096x128xf32, #tpu.memory_space<vmem_shared>>
      tpu.wait_indirect_dma semaphore(%arg14 : memref<!tpu.dma_semaphore, #tpu.memory_space<semaphore_mem>>) src(%dma_wait3A_443 : memref<4096x128xf32, #tpu.memory_space<vmem_shared>>) dst(%dma_wait3A_437 : memref<128x128xf32, #tpu.memory_space<vmem>>)
      %mul3A_444 = arith.constant 128 : i32
      %mul3A_445 = arith.muli %scan3A_432, %mul3A_444 : i32
      %add3A_446 = arith.addi %mul3A_6, %mul3A_445 : i32
      %dma_start3A_447 = arith.constant 0 : i32
      %dma_start3A_448 = arith.constant 0 : i32
      %dma_start3A_449 = tpu.memref_slice %arg12[%rem3A_433, %dma_start3A_447, %dma_start3A_448] : memref<5x128x128xf32, #tpu.memory_space<vmem>> -> memref<1x128x128xf32, #tpu.memory_space<vmem>>
      %dma_start3A_450 = tpu.memref_squeeze %dma_start3A_449 : memref<1x128x128xf32, #tpu.memory_space<vmem>> -> memref<128x128xf32, #tpu.memory_space<vmem>>
      %dma_start3A_451 = arith.constant 0 : i32
      %dma_start3A_452 = tpu.memref_slice %arg9[%add3A_446, %dma_start3A_451] : memref<65536x128xf32, #tpu.memory_space<hbm>> -> memref<128x128xf32, #tpu.memory_space<hbm>>
      %dma_start3A_453 = arith.constant 0 : i32
      %dma_start3A_454 = tpu.memref_slice %arg9[%add3A_446, %dma_start3A_453] : memref<65536x128xf32, #tpu.memory_space<hbm>> -> memref<128x128xf32, #tpu.memory_space<hbm>>
      %dma_start3A_455 = arith.constant 0 : i32
      %dma_start3A_456 = arith.constant 0 : i32
      %dma_start3A_457 = tpu.memref_slice %arg12[%rem3A_433, %dma_start3A_455, %dma_start3A_456] : memref<5x128x128xf32, #tpu.memory_space<vmem>> -> memref<1x128x128xf32, #tpu.memory_space<vmem>>
      %dma_start3A_458 = tpu.memref_squeeze %dma_start3A_457 : memref<1x128x128xf32, #tpu.memory_space<vmem>> -> memref<128x128xf32, #tpu.memory_space<vmem>>
      tpu.enqueue_dma source(%dma_start3A_458 : memref<128x128xf32, #tpu.memory_space<vmem>>) target(%dma_start3A_454 : memref<128x128xf32, #tpu.memory_space<hbm>>) target_semaphore(%arg15 : memref<!tpu.dma_semaphore, #tpu.memory_space<semaphore_mem>>)
      %add3A_459 = arith.constant 3 : i32
      %add3A_460 = arith.addi %scan3A_432, %add3A_459 : i32
      %lt3A = arith.constant 16 : i32
      %lt3A_461 = arith.cmpi slt, %add3A_460, %lt3A : i32
      %convert_element_type3A_462 = arith.extui %lt3A_461 : i1 to i32
      %cond3A_463 = arith.constant 0 : i32
      %cond3A_464 = arith.cmpi ne, %convert_element_type3A_462, %cond3A_463 : i32
      scf.if %cond3A_464 {
        %add3A_465 = arith.constant 3 : i32
        %add3A_466 = arith.addi %scan3A_432, %add3A_465 : i32
        %rem3A_467 = arith.constant 5 : i32
        %rem3A_468 = arith.remsi %add3A_466, %rem3A_467 : i32
        %ge3A = arith.constant 2 : i32
        %ge3A_469 = arith.cmpi sge, %scan3A_432, %ge3A : i32
        %convert_element_type3A_470 = arith.extui %ge3A_469 : i1 to i32
        %cond3A_471 = arith.constant 0 : i32
        %cond3A_472 = arith.cmpi ne, %convert_element_type3A_470, %cond3A_471 : i32
        scf.if %cond3A_472 {
          %dma_wait3A_485 = arith.constant 0 : i32
          %dma_wait3A_486 = arith.constant 0 : i32
          %dma_wait3A_487 = tpu.memref_slice %arg12[%rem3A_468, %dma_wait3A_485, %dma_wait3A_486] : memref<5x128x128xf32, #tpu.memory_space<vmem>> -> memref<1x128x128xf32, #tpu.memory_space<vmem>>
          %dma_wait3A_488 = tpu.memref_squeeze %dma_wait3A_487 : memref<1x128x128xf32, #tpu.memory_space<vmem>> -> memref<128x128xf32, #tpu.memory_space<vmem>>
          %dma_wait3A_489 = arith.constant 0 : i32
          %dma_wait3A_490 = tpu.memref_slice %arg9[%mul3A_6, %dma_wait3A_489] : memref<65536x128xf32, #tpu.memory_space<hbm>> -> memref<128x128xf32, #tpu.memory_space<hbm>>
          %dma_wait3A_491 = arith.constant 0 : i32
          %dma_wait3A_492 = tpu.memref_slice %arg9[%mul3A_6, %dma_wait3A_491] : memref<65536x128xf32, #tpu.memory_space<hbm>> -> memref<128x128xf32, #tpu.memory_space<hbm>>
          %dma_wait3A_493 = arith.constant 0 : i32
          %dma_wait3A_494 = arith.constant 0 : i32
          %dma_wait3A_495 = tpu.memref_slice %arg12[%rem3A_468, %dma_wait3A_493, %dma_wait3A_494] : memref<5x128x128xf32, #tpu.memory_space<vmem>> -> memref<1x128x128xf32, #tpu.memory_space<vmem>>
          %dma_wait3A_496 = tpu.memref_squeeze %dma_wait3A_495 : memref<1x128x128xf32, #tpu.memory_space<vmem>> -> memref<128x128xf32, #tpu.memory_space<vmem>>
          tpu.wait_dma2 semaphore(%arg15 : memref<!tpu.dma_semaphore, #tpu.memory_space<semaphore_mem>>) src(%dma_wait3A_496 : memref<128x128xf32, #tpu.memory_space<vmem>>) dst(%dma_wait3A_492 : memref<128x128xf32, #tpu.memory_space<hbm>>)
        } else {
        }
        %add3A_473 = arith.constant 3 : i32
        %add3A_474 = arith.addi %scan3A_432, %add3A_473 : i32
        %dma_start3A_475 = arith.constant 0 : i32
        %dma_start3A_476 = arith.constant 0 : i32
        %dma_start3A_477 = tpu.memref_slice %arg12[%rem3A_468, %dma_start3A_475, %dma_start3A_476] : memref<5x128x128xf32, #tpu.memory_space<vmem>> -> memref<1x128x128xf32, #tpu.memory_space<vmem>>
        %dma_start3A_478 = tpu.memref_squeeze %dma_start3A_477 : memref<1x128x128xf32, #tpu.memory_space<vmem>> -> memref<128x128xf32, #tpu.memory_space<vmem>>
        %dma_start3A_479 = arith.constant 0 : i32
        %dma_start3A_480 = tpu.memref_slice %arg11[%add3A_474, %dma_start3A_479] : memref<16x128xi32, #tpu.memory_space<vmem>> -> memref<1x128xi32, #tpu.memory_space<vmem>>
        %dma_start3A_481 = tpu.memref_squeeze %dma_start3A_480 : memref<1x128xi32, #tpu.memory_space<vmem>> -> memref<128xi32, #tpu.memory_space<vmem>>
        %dma_start3A_482 = arith.constant 0 : i32
        %dma_start3A_483 = arith.constant 0 : i32
        %dma_start3A_484 = tpu.memref_slice %arg13[%dma_start3A_482, %dma_start3A_483] : memref<4096x128xf32, #tpu.memory_space<vmem_shared>> -> memref<4096x128xf32, #tpu.memory_space<vmem_shared>>
        tpu.enqueue_indirect_dma source(%dma_start3A_484 : memref<4096x128xf32, #tpu.memory_space<vmem_shared>>) target(%dma_start3A_478 : memref<128x128xf32, #tpu.memory_space<vmem>>) offsets(%dma_start3A_481 : memref<128xi32, #tpu.memory_space<vmem>>) semaphore(%arg14 : memref<!tpu.dma_semaphore, #tpu.memory_space<semaphore_mem>>)
      } else {
      }
    }
    %scan3A_259 = arith.constant 16 : i32
    %dma_wait3A_260 = arith.constant 0 : i32
    %dma_wait3A_261 = arith.constant 0 : i32
    %dma_wait3A_262 = arith.constant 0 : i32
    %dma_wait3A_263 = tpu.memref_slice %arg12[%dma_wait3A_260, %dma_wait3A_261, %dma_wait3A_262] : memref<5x128x128xf32, #tpu.memory_space<vmem>> -> memref<1x128x128xf32, #tpu.memory_space<vmem>>
    %dma_wait3A_264 = tpu.memref_squeeze %dma_wait3A_263 : memref<1x128x128xf32, #tpu.memory_space<vmem>> -> memref<128x128xf32, #tpu.memory_space<vmem>>
    %dma_wait3A_265 = arith.constant 0 : i32
    %dma_wait3A_266 = tpu.memref_slice %arg9[%mul3A_6, %dma_wait3A_265] : memref<65536x128xf32, #tpu.memory_space<hbm>> -> memref<128x128xf32, #tpu.memory_space<hbm>>
    %dma_wait3A_267 = arith.constant 0 : i32
    %dma_wait3A_268 = tpu.memref_slice %arg9[%mul3A_6, %dma_wait3A_267] : memref<65536x128xf32, #tpu.memory_space<hbm>> -> memref<128x128xf32, #tpu.memory_space<hbm>>
    %dma_wait3A_269 = arith.constant 0 : i32
    %dma_wait3A_270 = arith.constant 0 : i32
    %dma_wait3A_271 = tpu.memref_slice %arg12[%dma_wait3A_260, %dma_wait3A_269, %dma_wait3A_270] : memref<5x128x128xf32, #tpu.memory_space<vmem>> -> memref<1x128x128xf32, #tpu.memory_space<vmem>>
    %dma_wait3A_272 = tpu.memref_squeeze %dma_wait3A_271 : memref<1x128x128xf32, #tpu.memory_space<vmem>> -> memref<128x128xf32, #tpu.memory_space<vmem>>
    tpu.wait_dma2 semaphore(%arg15 : memref<!tpu.dma_semaphore, #tpu.memory_space<semaphore_mem>>) src(%dma_wait3A_272 : memref<128x128xf32, #tpu.memory_space<vmem>>) dst(%dma_wait3A_268 : memref<128x128xf32, #tpu.memory_space<hbm>>)
    %dma_wait3A_273 = arith.constant 0 : i32
    %dma_wait3A_274 = arith.constant 0 : i32
    %dma_wait3A_275 = arith.constant 0 : i32
    %dma_wait3A_276 = tpu.memref_slice %arg12[%dma_wait3A_273, %dma_wait3A_274, %dma_wait3A_275] : memref<5x128x128xf32, #tpu.memory_space<vmem>> -> memref<1x128x128xf32, #tpu.memory_space<vmem>>
    %dma_wait3A_277 = tpu.memref_squeeze %dma_wait3A_276 : memref<1x128x128xf32, #tpu.memory_space<vmem>> -> memref<128x128xf32, #tpu.memory_space<vmem>>
    %dma_wait3A_278 = arith.constant 0 : i32
    %dma_wait3A_279 = tpu.memref_slice %arg9[%mul3A_6, %dma_wait3A_278] : memref<65536x128xf32, #tpu.memory_space<hbm>> -> memref<128x128xf32, #tpu.memory_space<hbm>>
    %dma_wait3A_280 = arith.constant 0 : i32
    %dma_wait3A_281 = tpu.memref_slice %arg9[%mul3A_6, %dma_wait3A_280] : memref<65536x128xf32, #tpu.memory_space<hbm>> -> memref<128x128xf32, #tpu.memory_space<hbm>>
    %dma_wait3A_282 = arith.constant 0 : i32
    %dma_wait3A_283 = arith.constant 0 : i32
    %dma_wait3A_284 = tpu.memref_slice %arg12[%dma_wait3A_273, %dma_wait3A_282, %dma_wait3A_283] : memref<5x128x128xf32, #tpu.memory_space<vmem>> -> memref<1x128x128xf32, #tpu.memory_space<vmem>>
    %dma_wait3A_285 = tpu.memref_squeeze %dma_wait3A_284 : memref<1x128x128xf32, #tpu.memory_space<vmem>> -> memref<128x128xf32, #tpu.memory_space<vmem>>
    tpu.wait_dma2 semaphore(%arg15 : memref<!tpu.dma_semaphore, #tpu.memory_space<semaphore_mem>>) src(%dma_wait3A_285 : memref<128x128xf32, #tpu.memory_space<vmem>>) dst(%dma_wait3A_281 : memref<128x128xf32, #tpu.memory_space<hbm>>)
    %dma_wait3A_286 = arith.constant 0 : i32
    %dma_wait3A_287 = arith.constant 0 : i32
    %dma_wait3A_288 = arith.constant 0 : i32
    %dma_wait3A_289 = tpu.memref_slice %arg12[%dma_wait3A_286, %dma_wait3A_287, %dma_wait3A_288] : memref<5x128x128xf32, #tpu.memory_space<vmem>> -> memref<1x128x128xf32, #tpu.memory_space<vmem>>
    %dma_wait3A_290 = tpu.memref_squeeze %dma_wait3A_289 : memref<1x128x128xf32, #tpu.memory_space<vmem>> -> memref<128x128xf32, #tpu.memory_space<vmem>>
    %dma_wait3A_291 = arith.constant 0 : i32
    %dma_wait3A_292 = tpu.memref_slice %arg9[%mul3A_6, %dma_wait3A_291] : memref<65536x128xf32, #tpu.memory_space<hbm>> -> memref<128x128xf32, #tpu.memory_space<hbm>>
    %dma_wait3A_293 = arith.constant 0 : i32
    %dma_wait3A_294 = tpu.memref_slice %arg9[%mul3A_6, %dma_wait3A_293] : memref<65536x128xf32, #tpu.memory_space<hbm>> -> memref<128x128xf32, #tpu.memory_space<hbm>>
    %dma_wait3A_295 = arith.constant 0 : i32
    %dma_wait3A_296 = arith.constant 0 : i32
    %dma_wait3A_297 = tpu.memref_slice %arg12[%dma_wait3A_286, %dma_wait3A_295, %dma_wait3A_296] : memref<5x128x128xf32, #tpu.memory_space<vmem>> -> memref<1x128x128xf32, #tpu.memory_space<vmem>>
    %dma_wait3A_298 = tpu.memref_squeeze %dma_wait3A_297 : memref<1x128x128xf32, #tpu.memory_space<vmem>> -> memref<128x128xf32, #tpu.memory_space<vmem>>
    tpu.wait_dma2 semaphore(%arg15 : memref<!tpu.dma_semaphore, #tpu.memory_space<semaphore_mem>>) src(%dma_wait3A_298 : memref<128x128xf32, #tpu.memory_space<vmem>>) dst(%dma_wait3A_294 : memref<128x128xf32, #tpu.memory_space<hbm>>)
    %dma_wait3A_299 = arith.constant 0 : i32
    %dma_wait3A_300 = arith.constant 0 : i32
    %dma_wait3A_301 = arith.constant 0 : i32
    %dma_wait3A_302 = tpu.memref_slice %arg12[%dma_wait3A_299, %dma_wait3A_300, %dma_wait3A_301] : memref<5x128x128xf32, #tpu.memory_space<vmem>> -> memref<1x128x128xf32, #tpu.memory_space<vmem>>
    %dma_wait3A_303 = tpu.memref_squeeze %dma_wait3A_302 : memref<1x128x128xf32, #tpu.memory_space<vmem>> -> memref<128x128xf32, #tpu.memory_space<vmem>>
    %dma_wait3A_304 = arith.constant 0 : i32
    %dma_wait3A_305 = tpu.memref_slice %arg9[%mul3A_6, %dma_wait3A_304] : memref<65536x128xf32, #tpu.memory_space<hbm>> -> memref<128x128xf32, #tpu.memory_space<hbm>>
    %dma_wait3A_306 = arith.constant 0 : i32
    %dma_wait3A_307 = tpu.memref_slice %arg9[%mul3A_6, %dma_wait3A_306] : memref<65536x128xf32, #tpu.memory_space<hbm>> -> memref<128x128xf32, #tpu.memory_space<hbm>>
    %dma_wait3A_308 = arith.constant 0 : i32
    %dma_wait3A_309 = arith.constant 0 : i32
    %dma_wait3A_310 = tpu.memref_slice %arg12[%dma_wait3A_299, %dma_wait3A_308, %dma_wait3A_309] : memref<5x128x128xf32, #tpu.memory_space<vmem>> -> memref<1x128x128xf32, #tpu.memory_space<vmem>>
    %dma_wait3A_311 = tpu.memref_squeeze %dma_wait3A_310 : memref<1x128x128xf32, #tpu.memory_space<vmem>> -> memref<128x128xf32, #tpu.memory_space<vmem>>
    tpu.wait_dma2 semaphore(%arg15 : memref<!tpu.dma_semaphore, #tpu.memory_space<semaphore_mem>>) src(%dma_wait3A_311 : memref<128x128xf32, #tpu.memory_space<vmem>>) dst(%dma_wait3A_307 : memref<128x128xf32, #tpu.memory_space<hbm>>)
    %dma_wait3A_312 = arith.constant 0 : i32
    %dma_wait3A_313 = arith.constant 0 : i32
    %dma_wait3A_314 = arith.constant 0 : i32
    %dma_wait3A_315 = tpu.memref_slice %arg12[%dma_wait3A_312, %dma_wait3A_313, %dma_wait3A_314] : memref<5x128x128xf32, #tpu.memory_space<vmem>> -> memref<1x128x128xf32, #tpu.memory_space<vmem>>
    %dma_wait3A_316 = tpu.memref_squeeze %dma_wait3A_315 : memref<1x128x128xf32, #tpu.memory_space<vmem>> -> memref<128x128xf32, #tpu.memory_space<vmem>>
    %dma_wait3A_317 = arith.constant 0 : i32
    %dma_wait3A_318 = tpu.memref_slice %arg9[%mul3A_6, %dma_wait3A_317] : memref<65536x128xf32, #tpu.memory_space<hbm>> -> memref<128x128xf32, #tpu.memory_space<hbm>>
    %dma_wait3A_319 = arith.constant 0 : i32
    %dma_wait3A_320 = tpu.memref_slice %arg9[%mul3A_6, %dma_wait3A_319] : memref<65536x128xf32, #tpu.memory_space<hbm>> -> memref<128x128xf32, #tpu.memory_space<hbm>>
    %dma_wait3A_321 = arith.constant 0 : i32
    %dma_wait3A_322 = arith.constant 0 : i32
    %dma_wait3A_323 = tpu.memref_slice %arg12[%dma_wait3A_312, %dma_wait3A_321, %dma_wait3A_322] : memref<5x128x128xf32, #tpu.memory_space<vmem>> -> memref<1x128x128xf32, #tpu.memory_space<vmem>>
    %dma_wait3A_324 = tpu.memref_squeeze %dma_wait3A_323 : memref<1x128x128xf32, #tpu.memory_space<vmem>> -> memref<128x128xf32, #tpu.memory_space<vmem>>
    tpu.wait_dma2 semaphore(%arg15 : memref<!tpu.dma_semaphore, #tpu.memory_space<semaphore_mem>>) src(%dma_wait3A_324 : memref<128x128xf32, #tpu.memory_space<vmem>>) dst(%dma_wait3A_320 : memref<128x128xf32, #tpu.memory_space<hbm>>)
    "tpu.region"() ({
      %run_scoped3A = tpu.sem_alloc : memref<!tpu.dma_semaphore, #tpu.memory_space<semaphore_mem>>
      %dma_start3A_432 = arith.constant 0 : i32
      %dma_start3A_433 = tpu.memref_slice %arg6[%mul3A_4, %dma_start3A_432] : memref<512x128xi32, #tpu.memory_space<hbm>> -> memref<16x128xi32, #tpu.memory_space<hbm>>
      %dma_start3A_434 = arith.constant 0 : i32
      %dma_start3A_435 = tpu.memref_slice %arg6[%mul3A_4, %dma_start3A_434] : memref<512x128xi32, #tpu.memory_space<hbm>> -> memref<16x128xi32, #tpu.memory_space<hbm>>
      tpu.enqueue_dma source(%dma_start3A_435 : memref<16x128xi32, #tpu.memory_space<hbm>>) target(%arg11 : memref<16x128xi32, #tpu.memory_space<vmem>>) target_semaphore(%run_scoped3A : memref<!tpu.dma_semaphore, #tpu.memory_space<semaphore_mem>>)
      %dma_wait3A_436 = arith.constant 0 : i32
      %dma_wait3A_437 = tpu.memref_slice %arg6[%mul3A_4, %dma_wait3A_436] : memref<512x128xi32, #tpu.memory_space<hbm>> -> memref<16x128xi32, #tpu.memory_space<hbm>>
      %dma_wait3A_438 = arith.constant 0 : i32
      %dma_wait3A_439 = tpu.memref_slice %arg6[%mul3A_4, %dma_wait3A_438] : memref<512x128xi32, #tpu.memory_space<hbm>> -> memref<16x128xi32, #tpu.memory_space<hbm>>
      tpu.wait_dma2 semaphore(%run_scoped3A : memref<!tpu.dma_semaphore, #tpu.memory_space<semaphore_mem>>) src(%dma_wait3A_439 : memref<16x128xi32, #tpu.memory_space<hbm>>) dst(%arg11 : memref<16x128xi32, #tpu.memory_space<vmem>>)
      tpu.yield
    }) : () -> ()
    %dma_start3A_325 = arith.constant 0 : i32
    %dma_start3A_326 = arith.constant 0 : i32
    %dma_start3A_327 = arith.constant 0 : i32
    %dma_start3A_328 = arith.constant 0 : i32
    %dma_start3A_329 = tpu.memref_slice %arg12[%dma_start3A_326, %dma_start3A_327, %dma_start3A_328] : memref<5x128x128xf32, #tpu.memory_space<vmem>> -> memref<1x128x128xf32, #tpu.memory_space<vmem>>
    %dma_start3A_330 = tpu.memref_squeeze %dma_start3A_329 : memref<1x128x128xf32, #tpu.memory_space<vmem>> -> memref<128x128xf32, #tpu.memory_space<vmem>>
    %dma_start3A_331 = arith.constant 0 : i32
    %dma_start3A_332 = tpu.memref_slice %arg11[%dma_start3A_325, %dma_start3A_331] : memref<16x128xi32, #tpu.memory_space<vmem>> -> memref<1x128xi32, #tpu.memory_space<vmem>>
    %dma_start3A_333 = tpu.memref_squeeze %dma_start3A_332 : memref<1x128xi32, #tpu.memory_space<vmem>> -> memref<128xi32, #tpu.memory_space<vmem>>
    %dma_start3A_334 = arith.constant 0 : i32
    %dma_start3A_335 = arith.constant 0 : i32
    %dma_start3A_336 = tpu.memref_slice %arg13[%dma_start3A_334, %dma_start3A_335] : memref<4096x128xf32, #tpu.memory_space<vmem_shared>> -> memref<4096x128xf32, #tpu.memory_space<vmem_shared>>
    tpu.enqueue_indirect_dma source(%dma_start3A_336 : memref<4096x128xf32, #tpu.memory_space<vmem_shared>>) target(%dma_start3A_330 : memref<128x128xf32, #tpu.memory_space<vmem>>) offsets(%dma_start3A_333 : memref<128xi32, #tpu.memory_space<vmem>>) semaphore(%arg14 : memref<!tpu.dma_semaphore, #tpu.memory_space<semaphore_mem>>)
    %dma_start3A_337 = arith.constant 1 : i32
    %dma_start3A_338 = arith.constant 1 : i32
    %dma_start3A_339 = arith.constant 0 : i32
    %dma_start3A_340 = arith.constant 0 : i32
    %dma_start3A_341 = tpu.memref_slice %arg12[%dma_start3A_338, %dma_start3A_339, %dma_start3A_340] : memref<5x128x128xf32, #tpu.memory_space<vmem>> -> memref<1x128x128xf32, #tpu.memory_space<vmem>>
    %dma_start3A_342 = tpu.memref_squeeze %dma_start3A_341 : memref<1x128x128xf32, #tpu.memory_space<vmem>> -> memref<128x128xf32, #tpu.memory_space<vmem>>
    %dma_start3A_343 = arith.constant 0 : i32
    %dma_start3A_344 = tpu.memref_slice %arg11[%dma_start3A_337, %dma_start3A_343] : memref<16x128xi32, #tpu.memory_space<vmem>> -> memref<1x128xi32, #tpu.memory_space<vmem>>
    %dma_start3A_345 = tpu.memref_squeeze %dma_start3A_344 : memref<1x128xi32, #tpu.memory_space<vmem>> -> memref<128xi32, #tpu.memory_space<vmem>>
    %dma_start3A_346 = arith.constant 0 : i32
    %dma_start3A_347 = arith.constant 0 : i32
    %dma_start3A_348 = tpu.memref_slice %arg13[%dma_start3A_346, %dma_start3A_347] : memref<4096x128xf32, #tpu.memory_space<vmem_shared>> -> memref<4096x128xf32, #tpu.memory_space<vmem_shared>>
    tpu.enqueue_indirect_dma source(%dma_start3A_348 : memref<4096x128xf32, #tpu.memory_space<vmem_shared>>) target(%dma_start3A_342 : memref<128x128xf32, #tpu.memory_space<vmem>>) offsets(%dma_start3A_345 : memref<128xi32, #tpu.memory_space<vmem>>) semaphore(%arg14 : memref<!tpu.dma_semaphore, #tpu.memory_space<semaphore_mem>>)
    %dma_start3A_349 = arith.constant 2 : i32
    %dma_start3A_350 = arith.constant 2 : i32
    %dma_start3A_351 = arith.constant 0 : i32
    %dma_start3A_352 = arith.constant 0 : i32
    %dma_start3A_353 = tpu.memref_slice %arg12[%dma_start3A_350, %dma_start3A_351, %dma_start3A_352] : memref<5x128x128xf32, #tpu.memory_space<vmem>> -> memref<1x128x128xf32, #tpu.memory_space<vmem>>
    %dma_start3A_354 = tpu.memref_squeeze %dma_start3A_353 : memref<1x128x128xf32, #tpu.memory_space<vmem>> -> memref<128x128xf32, #tpu.memory_space<vmem>>
    %dma_start3A_355 = arith.constant 0 : i32
    %dma_start3A_356 = tpu.memref_slice %arg11[%dma_start3A_349, %dma_start3A_355] : memref<16x128xi32, #tpu.memory_space<vmem>> -> memref<1x128xi32, #tpu.memory_space<vmem>>
    %dma_start3A_357 = tpu.memref_squeeze %dma_start3A_356 : memref<1x128xi32, #tpu.memory_space<vmem>> -> memref<128xi32, #tpu.memory_space<vmem>>
    %dma_start3A_358 = arith.constant 0 : i32
    %dma_start3A_359 = arith.constant 0 : i32
    %dma_start3A_360 = tpu.memref_slice %arg13[%dma_start3A_358, %dma_start3A_359] : memref<4096x128xf32, #tpu.memory_space<vmem_shared>> -> memref<4096x128xf32, #tpu.memory_space<vmem_shared>>
    tpu.enqueue_indirect_dma source(%dma_start3A_360 : memref<4096x128xf32, #tpu.memory_space<vmem_shared>>) target(%dma_start3A_354 : memref<128x128xf32, #tpu.memory_space<vmem>>) offsets(%dma_start3A_357 : memref<128xi32, #tpu.memory_space<vmem>>) semaphore(%arg14 : memref<!tpu.dma_semaphore, #tpu.memory_space<semaphore_mem>>)
    %scan3A_361 = arith.constant 0 : i32
    %scan3A_362 = arith.constant 0 : i32
    %scan3A_363 = arith.constant 16 : i32
    %scan3A_364 = arith.addi %scan3A_362, %scan3A_363 : i32
    %scan3A_365 = arith.constant 1 : i32
    scf.for %scan3A_432 = %scan3A_362 to %scan3A_364 step %scan3A_365  : i32 {
      %rem3A = arith.constant 5 : i32
      %rem3A_433 = arith.remsi %scan3A_432, %rem3A : i32
      %dma_wait3A_434 = arith.constant 0 : i32
      %dma_wait3A_435 = arith.constant 0 : i32
      %dma_wait3A_436 = tpu.memref_slice %arg12[%rem3A_433, %dma_wait3A_434, %dma_wait3A_435] : memref<5x128x128xf32, #tpu.memory_space<vmem>> -> memref<1x128x128xf32, #tpu.memory_space<vmem>>
      %dma_wait3A_437 = tpu.memref_squeeze %dma_wait3A_436 : memref<1x128x128xf32, #tpu.memory_space<vmem>> -> memref<128x128xf32, #tpu.memory_space<vmem>>
      %dma_wait3A_438 = arith.constant 0 : i32
      %dma_wait3A_439 = tpu.memref_slice %arg11[%scan3A_432, %dma_wait3A_438] : memref<16x128xi32, #tpu.memory_space<vmem>> -> memref<1x128xi32, #tpu.memory_space<vmem>>
      %dma_wait3A_440 = tpu.memref_squeeze %dma_wait3A_439 : memref<1x128xi32, #tpu.memory_space<vmem>> -> memref<128xi32, #tpu.memory_space<vmem>>
      %dma_wait3A_441 = arith.constant 0 : i32
      %dma_wait3A_442 = arith.constant 0 : i32
      %dma_wait3A_443 = tpu.memref_slice %arg13[%dma_wait3A_441, %dma_wait3A_442] : memref<4096x128xf32, #tpu.memory_space<vmem_shared>> -> memref<4096x128xf32, #tpu.memory_space<vmem_shared>>
      tpu.wait_indirect_dma semaphore(%arg14 : memref<!tpu.dma_semaphore, #tpu.memory_space<semaphore_mem>>) src(%dma_wait3A_443 : memref<4096x128xf32, #tpu.memory_space<vmem_shared>>) dst(%dma_wait3A_437 : memref<128x128xf32, #tpu.memory_space<vmem>>)
      %mul3A_444 = arith.constant 128 : i32
      %mul3A_445 = arith.muli %scan3A_432, %mul3A_444 : i32
      %add3A_446 = arith.addi %mul3A_6, %mul3A_445 : i32
      %dma_start3A_447 = arith.constant 0 : i32
      %dma_start3A_448 = arith.constant 0 : i32
      %dma_start3A_449 = tpu.memref_slice %arg12[%rem3A_433, %dma_start3A_447, %dma_start3A_448] : memref<5x128x128xf32, #tpu.memory_space<vmem>> -> memref<1x128x128xf32, #tpu.memory_space<vmem>>
      %dma_start3A_450 = tpu.memref_squeeze %dma_start3A_449 : memref<1x128x128xf32, #tpu.memory_space<vmem>> -> memref<128x128xf32, #tpu.memory_space<vmem>>
      %dma_start3A_451 = arith.constant 0 : i32
      %dma_start3A_452 = tpu.memref_slice %arg10[%add3A_446, %dma_start3A_451] : memref<65536x128xf32, #tpu.memory_space<hbm>> -> memref<128x128xf32, #tpu.memory_space<hbm>>
      %dma_start3A_453 = arith.constant 0 : i32
      %dma_start3A_454 = tpu.memref_slice %arg10[%add3A_446, %dma_start3A_453] : memref<65536x128xf32, #tpu.memory_space<hbm>> -> memref<128x128xf32, #tpu.memory_space<hbm>>
      %dma_start3A_455 = arith.constant 0 : i32
      %dma_start3A_456 = arith.constant 0 : i32
      %dma_start3A_457 = tpu.memref_slice %arg12[%rem3A_433, %dma_start3A_455, %dma_start3A_456] : memref<5x128x128xf32, #tpu.memory_space<vmem>> -> memref<1x128x128xf32, #tpu.memory_space<vmem>>
      %dma_start3A_458 = tpu.memref_squeeze %dma_start3A_457 : memref<1x128x128xf32, #tpu.memory_space<vmem>> -> memref<128x128xf32, #tpu.memory_space<vmem>>
      tpu.enqueue_dma source(%dma_start3A_458 : memref<128x128xf32, #tpu.memory_space<vmem>>) target(%dma_start3A_454 : memref<128x128xf32, #tpu.memory_space<hbm>>) target_semaphore(%arg15 : memref<!tpu.dma_semaphore, #tpu.memory_space<semaphore_mem>>)
      %add3A_459 = arith.constant 3 : i32
      %add3A_460 = arith.addi %scan3A_432, %add3A_459 : i32
      %lt3A = arith.constant 16 : i32
      %lt3A_461 = arith.cmpi slt, %add3A_460, %lt3A : i32
      %convert_element_type3A_462 = arith.extui %lt3A_461 : i1 to i32
      %cond3A_463 = arith.constant 0 : i32
      %cond3A_464 = arith.cmpi ne, %convert_element_type3A_462, %cond3A_463 : i32
      scf.if %cond3A_464 {
        %add3A_465 = arith.constant 3 : i32
        %add3A_466 = arith.addi %scan3A_432, %add3A_465 : i32
        %rem3A_467 = arith.constant 5 : i32
        %rem3A_468 = arith.remsi %add3A_466, %rem3A_467 : i32
        %ge3A = arith.constant 2 : i32
        %ge3A_469 = arith.cmpi sge, %scan3A_432, %ge3A : i32
        %convert_element_type3A_470 = arith.extui %ge3A_469 : i1 to i32
        %cond3A_471 = arith.constant 0 : i32
        %cond3A_472 = arith.cmpi ne, %convert_element_type3A_470, %cond3A_471 : i32
        scf.if %cond3A_472 {
          %dma_wait3A_485 = arith.constant 0 : i32
          %dma_wait3A_486 = arith.constant 0 : i32
          %dma_wait3A_487 = tpu.memref_slice %arg12[%rem3A_468, %dma_wait3A_485, %dma_wait3A_486] : memref<5x128x128xf32, #tpu.memory_space<vmem>> -> memref<1x128x128xf32, #tpu.memory_space<vmem>>
          %dma_wait3A_488 = tpu.memref_squeeze %dma_wait3A_487 : memref<1x128x128xf32, #tpu.memory_space<vmem>> -> memref<128x128xf32, #tpu.memory_space<vmem>>
          %dma_wait3A_489 = arith.constant 0 : i32
          %dma_wait3A_490 = tpu.memref_slice %arg10[%mul3A_6, %dma_wait3A_489] : memref<65536x128xf32, #tpu.memory_space<hbm>> -> memref<128x128xf32, #tpu.memory_space<hbm>>
          %dma_wait3A_491 = arith.constant 0 : i32
          %dma_wait3A_492 = tpu.memref_slice %arg10[%mul3A_6, %dma_wait3A_491] : memref<65536x128xf32, #tpu.memory_space<hbm>> -> memref<128x128xf32, #tpu.memory_space<hbm>>
          %dma_wait3A_493 = arith.constant 0 : i32
          %dma_wait3A_494 = arith.constant 0 : i32
          %dma_wait3A_495 = tpu.memref_slice %arg12[%rem3A_468, %dma_wait3A_493, %dma_wait3A_494] : memref<5x128x128xf32, #tpu.memory_space<vmem>> -> memref<1x128x128xf32, #tpu.memory_space<vmem>>
          %dma_wait3A_496 = tpu.memref_squeeze %dma_wait3A_495 : memref<1x128x128xf32, #tpu.memory_space<vmem>> -> memref<128x128xf32, #tpu.memory_space<vmem>>
          tpu.wait_dma2 semaphore(%arg15 : memref<!tpu.dma_semaphore, #tpu.memory_space<semaphore_mem>>) src(%dma_wait3A_496 : memref<128x128xf32, #tpu.memory_space<vmem>>) dst(%dma_wait3A_492 : memref<128x128xf32, #tpu.memory_space<hbm>>)
        } else {
        }
        %add3A_473 = arith.constant 3 : i32
        %add3A_474 = arith.addi %scan3A_432, %add3A_473 : i32
        %dma_start3A_475 = arith.constant 0 : i32
        %dma_start3A_476 = arith.constant 0 : i32
        %dma_start3A_477 = tpu.memref_slice %arg12[%rem3A_468, %dma_start3A_475, %dma_start3A_476] : memref<5x128x128xf32, #tpu.memory_space<vmem>> -> memref<1x128x128xf32, #tpu.memory_space<vmem>>
        %dma_start3A_478 = tpu.memref_squeeze %dma_start3A_477 : memref<1x128x128xf32, #tpu.memory_space<vmem>> -> memref<128x128xf32, #tpu.memory_space<vmem>>
        %dma_start3A_479 = arith.constant 0 : i32
        %dma_start3A_480 = tpu.memref_slice %arg11[%add3A_474, %dma_start3A_479] : memref<16x128xi32, #tpu.memory_space<vmem>> -> memref<1x128xi32, #tpu.memory_space<vmem>>
        %dma_start3A_481 = tpu.memref_squeeze %dma_start3A_480 : memref<1x128xi32, #tpu.memory_space<vmem>> -> memref<128xi32, #tpu.memory_space<vmem>>
        %dma_start3A_482 = arith.constant 0 : i32
        %dma_start3A_483 = arith.constant 0 : i32
        %dma_start3A_484 = tpu.memref_slice %arg13[%dma_start3A_482, %dma_start3A_483] : memref<4096x128xf32, #tpu.memory_space<vmem_shared>> -> memref<4096x128xf32, #tpu.memory_space<vmem_shared>>
        tpu.enqueue_indirect_dma source(%dma_start3A_484 : memref<4096x128xf32, #tpu.memory_space<vmem_shared>>) target(%dma_start3A_478 : memref<128x128xf32, #tpu.memory_space<vmem>>) offsets(%dma_start3A_481 : memref<128xi32, #tpu.memory_space<vmem>>) semaphore(%arg14 : memref<!tpu.dma_semaphore, #tpu.memory_space<semaphore_mem>>)
      } else {
      }
    }
    %scan3A_366 = arith.constant 16 : i32
    %dma_wait3A_367 = arith.constant 0 : i32
    %dma_wait3A_368 = arith.constant 0 : i32
    %dma_wait3A_369 = arith.constant 0 : i32
    %dma_wait3A_370 = tpu.memref_slice %arg12[%dma_wait3A_367, %dma_wait3A_368, %dma_wait3A_369] : memref<5x128x128xf32, #tpu.memory_space<vmem>> -> memref<1x128x128xf32, #tpu.memory_space<vmem>>
    %dma_wait3A_371 = tpu.memref_squeeze %dma_wait3A_370 : memref<1x128x128xf32, #tpu.memory_space<vmem>> -> memref<128x128xf32, #tpu.memory_space<vmem>>
    %dma_wait3A_372 = arith.constant 0 : i32
    %dma_wait3A_373 = tpu.memref_slice %arg10[%mul3A_6, %dma_wait3A_372] : memref<65536x128xf32, #tpu.memory_space<hbm>> -> memref<128x128xf32, #tpu.memory_space<hbm>>
    %dma_wait3A_374 = arith.constant 0 : i32
    %dma_wait3A_375 = tpu.memref_slice %arg10[%mul3A_6, %dma_wait3A_374] : memref<65536x128xf32, #tpu.memory_space<hbm>> -> memref<128x128xf32, #tpu.memory_space<hbm>>
    %dma_wait3A_376 = arith.constant 0 : i32
    %dma_wait3A_377 = arith.constant 0 : i32
    %dma_wait3A_378 = tpu.memref_slice %arg12[%dma_wait3A_367, %dma_wait3A_376, %dma_wait3A_377] : memref<5x128x128xf32, #tpu.memory_space<vmem>> -> memref<1x128x128xf32, #tpu.memory_space<vmem>>
    %dma_wait3A_379 = tpu.memref_squeeze %dma_wait3A_378 : memref<1x128x128xf32, #tpu.memory_space<vmem>> -> memref<128x128xf32, #tpu.memory_space<vmem>>
    tpu.wait_dma2 semaphore(%arg15 : memref<!tpu.dma_semaphore, #tpu.memory_space<semaphore_mem>>) src(%dma_wait3A_379 : memref<128x128xf32, #tpu.memory_space<vmem>>) dst(%dma_wait3A_375 : memref<128x128xf32, #tpu.memory_space<hbm>>)
    %dma_wait3A_380 = arith.constant 0 : i32
    %dma_wait3A_381 = arith.constant 0 : i32
    %dma_wait3A_382 = arith.constant 0 : i32
    %dma_wait3A_383 = tpu.memref_slice %arg12[%dma_wait3A_380, %dma_wait3A_381, %dma_wait3A_382] : memref<5x128x128xf32, #tpu.memory_space<vmem>> -> memref<1x128x128xf32, #tpu.memory_space<vmem>>
    %dma_wait3A_384 = tpu.memref_squeeze %dma_wait3A_383 : memref<1x128x128xf32, #tpu.memory_space<vmem>> -> memref<128x128xf32, #tpu.memory_space<vmem>>
    %dma_wait3A_385 = arith.constant 0 : i32
    %dma_wait3A_386 = tpu.memref_slice %arg10[%mul3A_6, %dma_wait3A_385] : memref<65536x128xf32, #tpu.memory_space<hbm>> -> memref<128x128xf32, #tpu.memory_space<hbm>>
    %dma_wait3A_387 = arith.constant 0 : i32
    %dma_wait3A_388 = tpu.memref_slice %arg10[%mul3A_6, %dma_wait3A_387] : memref<65536x128xf32, #tpu.memory_space<hbm>> -> memref<128x128xf32, #tpu.memory_space<hbm>>
    %dma_wait3A_389 = arith.constant 0 : i32
    %dma_wait3A_390 = arith.constant 0 : i32
    %dma_wait3A_391 = tpu.memref_slice %arg12[%dma_wait3A_380, %dma_wait3A_389, %dma_wait3A_390] : memref<5x128x128xf32, #tpu.memory_space<vmem>> -> memref<1x128x128xf32, #tpu.memory_space<vmem>>
    %dma_wait3A_392 = tpu.memref_squeeze %dma_wait3A_391 : memref<1x128x128xf32, #tpu.memory_space<vmem>> -> memref<128x128xf32, #tpu.memory_space<vmem>>
    tpu.wait_dma2 semaphore(%arg15 : memref<!tpu.dma_semaphore, #tpu.memory_space<semaphore_mem>>) src(%dma_wait3A_392 : memref<128x128xf32, #tpu.memory_space<vmem>>) dst(%dma_wait3A_388 : memref<128x128xf32, #tpu.memory_space<hbm>>)
    %dma_wait3A_393 = arith.constant 0 : i32
    %dma_wait3A_394 = arith.constant 0 : i32
    %dma_wait3A_395 = arith.constant 0 : i32
    %dma_wait3A_396 = tpu.memref_slice %arg12[%dma_wait3A_393, %dma_wait3A_394, %dma_wait3A_395] : memref<5x128x128xf32, #tpu.memory_space<vmem>> -> memref<1x128x128xf32, #tpu.memory_space<vmem>>
    %dma_wait3A_397 = tpu.memref_squeeze %dma_wait3A_396 : memref<1x128x128xf32, #tpu.memory_space<vmem>> -> memref<128x128xf32, #tpu.memory_space<vmem>>
    %dma_wait3A_398 = arith.constant 0 : i32
    %dma_wait3A_399 = tpu.memref_slice %arg10[%mul3A_6, %dma_wait3A_398] : memref<65536x128xf32, #tpu.memory_space<hbm>> -> memref<128x128xf32, #tpu.memory_space<hbm>>
    %dma_wait3A_400 = arith.constant 0 : i32
    %dma_wait3A_401 = tpu.memref_slice %arg10[%mul3A_6, %dma_wait3A_400] : memref<65536x128xf32, #tpu.memory_space<hbm>> -> memref<128x128xf32, #tpu.memory_space<hbm>>
    %dma_wait3A_402 = arith.constant 0 : i32
    %dma_wait3A_403 = arith.constant 0 : i32
    %dma_wait3A_404 = tpu.memref_slice %arg12[%dma_wait3A_393, %dma_wait3A_402, %dma_wait3A_403] : memref<5x128x128xf32, #tpu.memory_space<vmem>> -> memref<1x128x128xf32, #tpu.memory_space<vmem>>
    %dma_wait3A_405 = tpu.memref_squeeze %dma_wait3A_404 : memref<1x128x128xf32, #tpu.memory_space<vmem>> -> memref<128x128xf32, #tpu.memory_space<vmem>>
    tpu.wait_dma2 semaphore(%arg15 : memref<!tpu.dma_semaphore, #tpu.memory_space<semaphore_mem>>) src(%dma_wait3A_405 : memref<128x128xf32, #tpu.memory_space<vmem>>) dst(%dma_wait3A_401 : memref<128x128xf32, #tpu.memory_space<hbm>>)
    %dma_wait3A_406 = arith.constant 0 : i32
    %dma_wait3A_407 = arith.constant 0 : i32
    %dma_wait3A_408 = arith.constant 0 : i32
    %dma_wait3A_409 = tpu.memref_slice %arg12[%dma_wait3A_406, %dma_wait3A_407, %dma_wait3A_408] : memref<5x128x128xf32, #tpu.memory_space<vmem>> -> memref<1x128x128xf32, #tpu.memory_space<vmem>>
    %dma_wait3A_410 = tpu.memref_squeeze %dma_wait3A_409 : memref<1x128x128xf32, #tpu.memory_space<vmem>> -> memref<128x128xf32, #tpu.memory_space<vmem>>
    %dma_wait3A_411 = arith.constant 0 : i32
    %dma_wait3A_412 = tpu.memref_slice %arg10[%mul3A_6, %dma_wait3A_411] : memref<65536x128xf32, #tpu.memory_space<hbm>> -> memref<128x128xf32, #tpu.memory_space<hbm>>
    %dma_wait3A_413 = arith.constant 0 : i32
    %dma_wait3A_414 = tpu.memref_slice %arg10[%mul3A_6, %dma_wait3A_413] : memref<65536x128xf32, #tpu.memory_space<hbm>> -> memref<128x128xf32, #tpu.memory_space<hbm>>
    %dma_wait3A_415 = arith.constant 0 : i32
    %dma_wait3A_416 = arith.constant 0 : i32
    %dma_wait3A_417 = tpu.memref_slice %arg12[%dma_wait3A_406, %dma_wait3A_415, %dma_wait3A_416] : memref<5x128x128xf32, #tpu.memory_space<vmem>> -> memref<1x128x128xf32, #tpu.memory_space<vmem>>
    %dma_wait3A_418 = tpu.memref_squeeze %dma_wait3A_417 : memref<1x128x128xf32, #tpu.memory_space<vmem>> -> memref<128x128xf32, #tpu.memory_space<vmem>>
    tpu.wait_dma2 semaphore(%arg15 : memref<!tpu.dma_semaphore, #tpu.memory_space<semaphore_mem>>) src(%dma_wait3A_418 : memref<128x128xf32, #tpu.memory_space<vmem>>) dst(%dma_wait3A_414 : memref<128x128xf32, #tpu.memory_space<hbm>>)
    %dma_wait3A_419 = arith.constant 0 : i32
    %dma_wait3A_420 = arith.constant 0 : i32
    %dma_wait3A_421 = arith.constant 0 : i32
    %dma_wait3A_422 = tpu.memref_slice %arg12[%dma_wait3A_419, %dma_wait3A_420, %dma_wait3A_421] : memref<5x128x128xf32, #tpu.memory_space<vmem>> -> memref<1x128x128xf32, #tpu.memory_space<vmem>>
    %dma_wait3A_423 = tpu.memref_squeeze %dma_wait3A_422 : memref<1x128x128xf32, #tpu.memory_space<vmem>> -> memref<128x128xf32, #tpu.memory_space<vmem>>
    %dma_wait3A_424 = arith.constant 0 : i32
    %dma_wait3A_425 = tpu.memref_slice %arg10[%mul3A_6, %dma_wait3A_424] : memref<65536x128xf32, #tpu.memory_space<hbm>> -> memref<128x128xf32, #tpu.memory_space<hbm>>
    %dma_wait3A_426 = arith.constant 0 : i32
    %dma_wait3A_427 = tpu.memref_slice %arg10[%mul3A_6, %dma_wait3A_426] : memref<65536x128xf32, #tpu.memory_space<hbm>> -> memref<128x128xf32, #tpu.memory_space<hbm>>
    %dma_wait3A_428 = arith.constant 0 : i32
    %dma_wait3A_429 = arith.constant 0 : i32
    %dma_wait3A_430 = tpu.memref_slice %arg12[%dma_wait3A_419, %dma_wait3A_428, %dma_wait3A_429] : memref<5x128x128xf32, #tpu.memory_space<vmem>> -> memref<1x128x128xf32, #tpu.memory_space<vmem>>
    %dma_wait3A_431 = tpu.memref_squeeze %dma_wait3A_430 : memref<1x128x128xf32, #tpu.memory_space<vmem>> -> memref<128x128xf32, #tpu.memory_space<vmem>>
    tpu.wait_dma2 semaphore(%arg15 : memref<!tpu.dma_semaphore, #tpu.memory_space<semaphore_mem>>) src(%dma_wait3A_431 : memref<128x128xf32, #tpu.memory_space<vmem>>) dst(%dma_wait3A_427 : memref<128x128xf32, #tpu.memory_space<hbm>>)
    return
  }
}

#map = affine_map<(d0, d1) -> (0, 0)>
module attributes {stable_mosaic.version = 14 : i64} {
  func.func @gk(%arg0: i32, %arg1: i32, %arg2: memref<4096x128xf32, #tpu.memory_space<hbm>>, %arg3: memref<512x128xi32, #tpu.memory_space<hbm>>, %arg4: memref<512x128xi32, #tpu.memory_space<hbm>>, %arg5: memref<512x128xi32, #tpu.memory_space<hbm>>, %arg6: memref<512x128xi32, #tpu.memory_space<hbm>>, %arg7: memref<65536x128xf32, #tpu.memory_space<hbm>>, %arg8: memref<65536x128xf32, #tpu.memory_space<hbm>>, %arg9: memref<65536x128xf32, #tpu.memory_space<hbm>>, %arg10: memref<65536x128xf32, #tpu.memory_space<hbm>>, %arg11: memref<16x128xi32, #tpu.memory_space<vmem>>, %arg12: memref<5x128x128xf32, #tpu.memory_space<vmem>>, %arg13: memref<4096x128xf32, #tpu.memory_space<vmem_shared>>, %arg14: memref<!tpu.dma_semaphore, #tpu.memory_space<semaphore_mem>>, %arg15: memref<!tpu.dma_semaphore, #tpu.memory_space<semaphore_mem>>) attributes {dimension_semantics = [#tpu.dimension_semantics<core_parallel>, #tpu.dimension_semantics<subcore_parallel>], iteration_bounds = array<i64: 2, 16>, scalar_prefetch = 0 : i64, scratch_operands = 5 : i64, tpu.core_type = #tpu.core_type<sc_vector_subcore>, window_params = [{transform_indices = #map}, {transform_indices = #map}, {transform_indices = #map}, {transform_indices = #map}, {transform_indices = #map}, {transform_indices = #map}, {transform_indices = #map}, {transform_indices = #map}, {transform_indices = #map}]} {
    %eq3A = arith.constant 0 : i32
    %eq3A_0 = arith.cmpi eq, %arg1, %eq3A : i32
    %convert_element_type3A = arith.extui %eq3A_0 : i1 to i32
    %cond3A = arith.constant 0 : i32
    %cond3A_1 = arith.cmpi ne, %convert_element_type3A, %cond3A : i32
    scf.if %cond3A_1 {
      "tpu.region"() ({
        %run_scoped3A = tpu.sem_alloc : memref<!tpu.dma_semaphore, #tpu.memory_space<semaphore_mem>>
        tpu.enqueue_dma source(%arg2 : memref<4096x128xf32, #tpu.memory_space<hbm>>) target(%arg13 : memref<4096x128xf32, #tpu.memory_space<vmem_shared>>) target_semaphore(%run_scoped3A : memref<!tpu.dma_semaphore, #tpu.memory_space<semaphore_mem>>)
        tpu.wait_dma2 semaphore(%run_scoped3A : memref<!tpu.dma_semaphore, #tpu.memory_space<semaphore_mem>>) src(%arg2 : memref<4096x128xf32, #tpu.memory_space<hbm>>) dst(%arg13 : memref<4096x128xf32, #tpu.memory_space<vmem_shared>>)
        tpu.yield
      }) : () -> ()
    } else {
    }
    %barrier3A = arith.constant 0 : index
    tpu.barrier barrier_id(%barrier3A)
    %mul3A = arith.constant 2 : i32
    %mul3A_2 = arith.muli %arg1, %mul3A : i32
    %add3A = arith.addi %mul3A_2, %arg0 : i32
    %mul3A_3 = arith.constant 16 : i32
    %mul3A_4 = arith.muli %add3A, %mul3A_3 : i32
    %mul3A_5 = arith.constant 2048 : i32
    %mul3A_6 = arith.muli %add3A, %mul3A_5 : i32
    "tpu.region"() ({
      %run_scoped3A = tpu.sem_alloc : memref<!tpu.dma_semaphore, #tpu.memory_space<semaphore_mem>>
      %dma_start3A_432 = arith.constant 0 : i32
      %dma_start3A_433 = tpu.memref_slice %arg3[%mul3A_4, %dma_start3A_432] : memref<512x128xi32, #tpu.memory_space<hbm>> -> memref<16x128xi32, #tpu.memory_space<hbm>>
      %dma_start3A_434 = arith.constant 0 : i32
      %dma_start3A_435 = tpu.memref_slice %arg3[%mul3A_4, %dma_start3A_434] : memref<512x128xi32, #tpu.memory_space<hbm>> -> memref<16x128xi32, #tpu.memory_space<hbm>>
      tpu.enqueue_dma source(%dma_start3A_435 : memref<16x128xi32, #tpu.memory_space<hbm>>) target(%arg11 : memref<16x128xi32, #tpu.memory_space<vmem>>) target_semaphore(%run_scoped3A : memref<!tpu.dma_semaphore, #tpu.memory_space<semaphore_mem>>)
      %dma_wait3A_436 = arith.constant 0 : i32
      %dma_wait3A_437 = tpu.memref_slice %arg3[%mul3A_4, %dma_wait3A_436] : memref<512x128xi32, #tpu.memory_space<hbm>> -> memref<16x128xi32, #tpu.memory_space<hbm>>
      %dma_wait3A_438 = arith.constant 0 : i32
      %dma_wait3A_439 = tpu.memref_slice %arg3[%mul3A_4, %dma_wait3A_438] : memref<512x128xi32, #tpu.memory_space<hbm>> -> memref<16x128xi32, #tpu.memory_space<hbm>>
      tpu.wait_dma2 semaphore(%run_scoped3A : memref<!tpu.dma_semaphore, #tpu.memory_space<semaphore_mem>>) src(%dma_wait3A_439 : memref<16x128xi32, #tpu.memory_space<hbm>>) dst(%arg11 : memref<16x128xi32, #tpu.memory_space<vmem>>)
      tpu.yield
    }) : () -> ()
    %dma_start3A = arith.constant 0 : i32
    %dma_start3A_7 = arith.constant 0 : i32
    %dma_start3A_8 = arith.constant 0 : i32
    %dma_start3A_9 = arith.constant 0 : i32
    %dma_start3A_10 = tpu.memref_slice %arg12[%dma_start3A_7, %dma_start3A_8, %dma_start3A_9] : memref<5x128x128xf32, #tpu.memory_space<vmem>> -> memref<1x128x128xf32, #tpu.memory_space<vmem>>
    %dma_start3A_11 = tpu.memref_squeeze %dma_start3A_10 : memref<1x128x128xf32, #tpu.memory_space<vmem>> -> memref<128x128xf32, #tpu.memory_space<vmem>>
    %dma_start3A_12 = arith.constant 0 : i32
    %dma_start3A_13 = tpu.memref_slice %arg11[%dma_start3A, %dma_start3A_12] : memref<16x128xi32, #tpu.memory_space<vmem>> -> memref<1x128xi32, #tpu.memory_space<vmem>>
    %dma_start3A_14 = tpu.memref_squeeze %dma_start3A_13 : memref<1x128xi32, #tpu.memory_space<vmem>> -> memref<128xi32, #tpu.memory_space<vmem>>
    %dma_start3A_15 = arith.constant 0 : i32
    %dma_start3A_16 = arith.constant 0 : i32
    %dma_start3A_17 = tpu.memref_slice %arg13[%dma_start3A_15, %dma_start3A_16] : memref<4096x128xf32, #tpu.memory_space<vmem_shared>> -> memref<4096x128xf32, #tpu.memory_space<vmem_shared>>
    tpu.enqueue_indirect_dma source(%dma_start3A_17 : memref<4096x128xf32, #tpu.memory_space<vmem_shared>>) target(%dma_start3A_11 : memref<128x128xf32, #tpu.memory_space<vmem>>) offsets(%dma_start3A_14 : memref<128xi32, #tpu.memory_space<vmem>>) semaphore(%arg14 : memref<!tpu.dma_semaphore, #tpu.memory_space<semaphore_mem>>)
    %dma_start3A_18 = arith.constant 1 : i32
    %dma_start3A_19 = arith.constant 1 : i32
    %dma_start3A_20 = arith.constant 0 : i32
    %dma_start3A_21 = arith.constant 0 : i32
    %dma_start3A_22 = tpu.memref_slice %arg12[%dma_start3A_19, %dma_start3A_20, %dma_start3A_21] : memref<5x128x128xf32, #tpu.memory_space<vmem>> -> memref<1x128x128xf32, #tpu.memory_space<vmem>>
    %dma_start3A_23 = tpu.memref_squeeze %dma_start3A_22 : memref<1x128x128xf32, #tpu.memory_space<vmem>> -> memref<128x128xf32, #tpu.memory_space<vmem>>
    %dma_start3A_24 = arith.constant 0 : i32
    %dma_start3A_25 = tpu.memref_slice %arg11[%dma_start3A_18, %dma_start3A_24] : memref<16x128xi32, #tpu.memory_space<vmem>> -> memref<1x128xi32, #tpu.memory_space<vmem>>
    %dma_start3A_26 = tpu.memref_squeeze %dma_start3A_25 : memref<1x128xi32, #tpu.memory_space<vmem>> -> memref<128xi32, #tpu.memory_space<vmem>>
    %dma_start3A_27 = arith.constant 0 : i32
    %dma_start3A_28 = arith.constant 0 : i32
    %dma_start3A_29 = tpu.memref_slice %arg13[%dma_start3A_27, %dma_start3A_28] : memref<4096x128xf32, #tpu.memory_space<vmem_shared>> -> memref<4096x128xf32, #tpu.memory_space<vmem_shared>>
    tpu.enqueue_indirect_dma source(%dma_start3A_29 : memref<4096x128xf32, #tpu.memory_space<vmem_shared>>) target(%dma_start3A_23 : memref<128x128xf32, #tpu.memory_space<vmem>>) offsets(%dma_start3A_26 : memref<128xi32, #tpu.memory_space<vmem>>) semaphore(%arg14 : memref<!tpu.dma_semaphore, #tpu.memory_space<semaphore_mem>>)
    %dma_start3A_30 = arith.constant 2 : i32
    %dma_start3A_31 = arith.constant 2 : i32
    %dma_start3A_32 = arith.constant 0 : i32
    %dma_start3A_33 = arith.constant 0 : i32
    %dma_start3A_34 = tpu.memref_slice %arg12[%dma_start3A_31, %dma_start3A_32, %dma_start3A_33] : memref<5x128x128xf32, #tpu.memory_space<vmem>> -> memref<1x128x128xf32, #tpu.memory_space<vmem>>
    %dma_start3A_35 = tpu.memref_squeeze %dma_start3A_34 : memref<1x128x128xf32, #tpu.memory_space<vmem>> -> memref<128x128xf32, #tpu.memory_space<vmem>>
    %dma_start3A_36 = arith.constant 0 : i32
    %dma_start3A_37 = tpu.memref_slice %arg11[%dma_start3A_30, %dma_start3A_36] : memref<16x128xi32, #tpu.memory_space<vmem>> -> memref<1x128xi32, #tpu.memory_space<vmem>>
    %dma_start3A_38 = tpu.memref_squeeze %dma_start3A_37 : memref<1x128xi32, #tpu.memory_space<vmem>> -> memref<128xi32, #tpu.memory_space<vmem>>
    %dma_start3A_39 = arith.constant 0 : i32
    %dma_start3A_40 = arith.constant 0 : i32
    %dma_start3A_41 = tpu.memref_slice %arg13[%dma_start3A_39, %dma_start3A_40] : memref<4096x128xf32, #tpu.memory_space<vmem_shared>> -> memref<4096x128xf32, #tpu.memory_space<vmem_shared>>
    tpu.enqueue_indirect_dma source(%dma_start3A_41 : memref<4096x128xf32, #tpu.memory_space<vmem_shared>>) target(%dma_start3A_35 : memref<128x128xf32, #tpu.memory_space<vmem>>) offsets(%dma_start3A_38 : memref<128xi32, #tpu.memory_space<vmem>>) semaphore(%arg14 : memref<!tpu.dma_semaphore, #tpu.memory_space<semaphore_mem>>)
    %scan3A = arith.constant 0 : i32
    %scan3A_42 = arith.constant 0 : i32
    %scan3A_43 = arith.constant 16 : i32
    %scan3A_44 = arith.addi %scan3A_42, %scan3A_43 : i32
    %scan3A_45 = arith.constant 1 : i32
    scf.for %scan3A_432 = %scan3A_42 to %scan3A_44 step %scan3A_45  : i32 {
      %rem3A = arith.constant 5 : i32
      %rem3A_433 = arith.remsi %scan3A_432, %rem3A : i32
      %dma_wait3A_434 = arith.constant 0 : i32
      %dma_wait3A_435 = arith.constant 0 : i32
      %dma_wait3A_436 = tpu.memref_slice %arg12[%rem3A_433, %dma_wait3A_434, %dma_wait3A_435] : memref<5x128x128xf32, #tpu.memory_space<vmem>> -> memref<1x128x128xf32, #tpu.memory_space<vmem>>
      %dma_wait3A_437 = tpu.memref_squeeze %dma_wait3A_436 : memref<1x128x128xf32, #tpu.memory_space<vmem>> -> memref<128x128xf32, #tpu.memory_space<vmem>>
      %dma_wait3A_438 = arith.constant 0 : i32
      %dma_wait3A_439 = tpu.memref_slice %arg11[%scan3A_432, %dma_wait3A_438] : memref<16x128xi32, #tpu.memory_space<vmem>> -> memref<1x128xi32, #tpu.memory_space<vmem>>
      %dma_wait3A_440 = tpu.memref_squeeze %dma_wait3A_439 : memref<1x128xi32, #tpu.memory_space<vmem>> -> memref<128xi32, #tpu.memory_space<vmem>>
      %dma_wait3A_441 = arith.constant 0 : i32
      %dma_wait3A_442 = arith.constant 0 : i32
      %dma_wait3A_443 = tpu.memref_slice %arg13[%dma_wait3A_441, %dma_wait3A_442] : memref<4096x128xf32, #tpu.memory_space<vmem_shared>> -> memref<4096x128xf32, #tpu.memory_space<vmem_shared>>
      tpu.wait_indirect_dma semaphore(%arg14 : memref<!tpu.dma_semaphore, #tpu.memory_space<semaphore_mem>>) src(%dma_wait3A_443 : memref<4096x128xf32, #tpu.memory_space<vmem_shared>>) dst(%dma_wait3A_437 : memref<128x128xf32, #tpu.memory_space<vmem>>)
      %mul3A_444 = arith.constant 128 : i32
      %mul3A_445 = arith.muli %scan3A_432, %mul3A_444 : i32
      %add3A_446 = arith.addi %mul3A_6, %mul3A_445 : i32
      %dma_start3A_447 = arith.constant 0 : i32
      %dma_start3A_448 = arith.constant 0 : i32
      %dma_start3A_449 = tpu.memref_slice %arg12[%rem3A_433, %dma_start3A_447, %dma_start3A_448] : memref<5x128x128xf32, #tpu.memory_space<vmem>> -> memref<1x128x128xf32, #tpu.memory_space<vmem>>
      %dma_start3A_450 = tpu.memref_squeeze %dma_start3A_449 : memref<1x128x128xf32, #tpu.memory_space<vmem>> -> memref<128x128xf32, #tpu.memory_space<vmem>>
      %dma_start3A_451 = arith.constant 0 : i32
      %dma_start3A_452 = tpu.memref_slice %arg7[%add3A_446, %dma_start3A_451] : memref<65536x128xf32, #tpu.memory_space<hbm>> -> memref<128x128xf32, #tpu.memory_space<hbm>>
      %dma_start3A_453 = arith.constant 0 : i32
      %dma_start3A_454 = tpu.memref_slice %arg7[%add3A_446, %dma_start3A_453] : memref<65536x128xf32, #tpu.memory_space<hbm>> -> memref<128x128xf32, #tpu.memory_space<hbm>>
      %dma_start3A_455 = arith.constant 0 : i32
      %dma_start3A_456 = arith.constant 0 : i32
      %dma_start3A_457 = tpu.memref_slice %arg12[%rem3A_433, %dma_start3A_455, %dma_start3A_456] : memref<5x128x128xf32, #tpu.memory_space<vmem>> -> memref<1x128x128xf32, #tpu.memory_space<vmem>>
      %dma_start3A_458 = tpu.memref_squeeze %dma_start3A_457 : memref<1x128x128xf32, #tpu.memory_space<vmem>> -> memref<128x128xf32, #tpu.memory_space<vmem>>
      tpu.enqueue_dma source(%dma_start3A_458 : memref<128x128xf32, #tpu.memory_space<vmem>>) target(%dma_start3A_454 : memref<128x128xf32, #tpu.memory_space<hbm>>) target_semaphore(%arg15 : memref<!tpu.dma_semaphore, #tpu.memory_space<semaphore_mem>>)
      %add3A_459 = arith.constant 3 : i32
      %add3A_460 = arith.addi %scan3A_432, %add3A_459 : i32
      %lt3A = arith.constant 16 : i32
      %lt3A_461 = arith.cmpi slt, %add3A_460, %lt3A : i32
      %convert_element_type3A_462 = arith.extui %lt3A_461 : i1 to i32
      %cond3A_463 = arith.constant 0 : i32
      %cond3A_464 = arith.cmpi ne, %convert_element_type3A_462, %cond3A_463 : i32
      scf.if %cond3A_464 {
        %add3A_465 = arith.constant 3 : i32
        %add3A_466 = arith.addi %scan3A_432, %add3A_465 : i32
        %rem3A_467 = arith.constant 5 : i32
        %rem3A_468 = arith.remsi %add3A_466, %rem3A_467 : i32
        %ge3A = arith.constant 2 : i32
        %ge3A_469 = arith.cmpi sge, %scan3A_432, %ge3A : i32
        %convert_element_type3A_470 = arith.extui %ge3A_469 : i1 to i32
        %cond3A_471 = arith.constant 0 : i32
        %cond3A_472 = arith.cmpi ne, %convert_element_type3A_470, %cond3A_471 : i32
        scf.if %cond3A_472 {
          %dma_wait3A_485 = arith.constant 0 : i32
          %dma_wait3A_486 = arith.constant 0 : i32
          %dma_wait3A_487 = tpu.memref_slice %arg12[%rem3A_468, %dma_wait3A_485, %dma_wait3A_486] : memref<5x128x128xf32, #tpu.memory_space<vmem>> -> memref<1x128x128xf32, #tpu.memory_space<vmem>>
          %dma_wait3A_488 = tpu.memref_squeeze %dma_wait3A_487 : memref<1x128x128xf32, #tpu.memory_space<vmem>> -> memref<128x128xf32, #tpu.memory_space<vmem>>
          %dma_wait3A_489 = arith.constant 0 : i32
          %dma_wait3A_490 = tpu.memref_slice %arg7[%mul3A_6, %dma_wait3A_489] : memref<65536x128xf32, #tpu.memory_space<hbm>> -> memref<128x128xf32, #tpu.memory_space<hbm>>
          %dma_wait3A_491 = arith.constant 0 : i32
          %dma_wait3A_492 = tpu.memref_slice %arg7[%mul3A_6, %dma_wait3A_491] : memref<65536x128xf32, #tpu.memory_space<hbm>> -> memref<128x128xf32, #tpu.memory_space<hbm>>
          %dma_wait3A_493 = arith.constant 0 : i32
          %dma_wait3A_494 = arith.constant 0 : i32
          %dma_wait3A_495 = tpu.memref_slice %arg12[%rem3A_468, %dma_wait3A_493, %dma_wait3A_494] : memref<5x128x128xf32, #tpu.memory_space<vmem>> -> memref<1x128x128xf32, #tpu.memory_space<vmem>>
          %dma_wait3A_496 = tpu.memref_squeeze %dma_wait3A_495 : memref<1x128x128xf32, #tpu.memory_space<vmem>> -> memref<128x128xf32, #tpu.memory_space<vmem>>
          tpu.wait_dma2 semaphore(%arg15 : memref<!tpu.dma_semaphore, #tpu.memory_space<semaphore_mem>>) src(%dma_wait3A_496 : memref<128x128xf32, #tpu.memory_space<vmem>>) dst(%dma_wait3A_492 : memref<128x128xf32, #tpu.memory_space<hbm>>)
        } else {
        }
        %add3A_473 = arith.constant 3 : i32
        %add3A_474 = arith.addi %scan3A_432, %add3A_473 : i32
        %dma_start3A_475 = arith.constant 0 : i32
        %dma_start3A_476 = arith.constant 0 : i32
        %dma_start3A_477 = tpu.memref_slice %arg12[%rem3A_468, %dma_start3A_475, %dma_start3A_476] : memref<5x128x128xf32, #tpu.memory_space<vmem>> -> memref<1x128x128xf32, #tpu.memory_space<vmem>>
        %dma_start3A_478 = tpu.memref_squeeze %dma_start3A_477 : memref<1x128x128xf32, #tpu.memory_space<vmem>> -> memref<128x128xf32, #tpu.memory_space<vmem>>
        %dma_start3A_479 = arith.constant 0 : i32
        %dma_start3A_480 = tpu.memref_slice %arg11[%add3A_474, %dma_start3A_479] : memref<16x128xi32, #tpu.memory_space<vmem>> -> memref<1x128xi32, #tpu.memory_space<vmem>>
        %dma_start3A_481 = tpu.memref_squeeze %dma_start3A_480 : memref<1x128xi32, #tpu.memory_space<vmem>> -> memref<128xi32, #tpu.memory_space<vmem>>
        %dma_start3A_482 = arith.constant 0 : i32
        %dma_start3A_483 = arith.constant 0 : i32
        %dma_start3A_484 = tpu.memref_slice %arg13[%dma_start3A_482, %dma_start3A_483] : memref<4096x128xf32, #tpu.memory_space<vmem_shared>> -> memref<4096x128xf32, #tpu.memory_space<vmem_shared>>
        tpu.enqueue_indirect_dma source(%dma_start3A_484 : memref<4096x128xf32, #tpu.memory_space<vmem_shared>>) target(%dma_start3A_478 : memref<128x128xf32, #tpu.memory_space<vmem>>) offsets(%dma_start3A_481 : memref<128xi32, #tpu.memory_space<vmem>>) semaphore(%arg14 : memref<!tpu.dma_semaphore, #tpu.memory_space<semaphore_mem>>)
      } else {
      }
    }
    %scan3A_46 = arith.constant 16 : i32
    %dma_wait3A = arith.constant 0 : i32
    %dma_wait3A_47 = arith.constant 0 : i32
    %dma_wait3A_48 = arith.constant 0 : i32
    %dma_wait3A_49 = tpu.memref_slice %arg12[%dma_wait3A, %dma_wait3A_47, %dma_wait3A_48] : memref<5x128x128xf32, #tpu.memory_space<vmem>> -> memref<1x128x128xf32, #tpu.memory_space<vmem>>
    %dma_wait3A_50 = tpu.memref_squeeze %dma_wait3A_49 : memref<1x128x128xf32, #tpu.memory_space<vmem>> -> memref<128x128xf32, #tpu.memory_space<vmem>>
    %dma_wait3A_51 = arith.constant 0 : i32
    %dma_wait3A_52 = tpu.memref_slice %arg7[%mul3A_6, %dma_wait3A_51] : memref<65536x128xf32, #tpu.memory_space<hbm>> -> memref<128x128xf32, #tpu.memory_space<hbm>>
    %dma_wait3A_53 = arith.constant 0 : i32
    %dma_wait3A_54 = tpu.memref_slice %arg7[%mul3A_6, %dma_wait3A_53] : memref<65536x128xf32, #tpu.memory_space<hbm>> -> memref<128x128xf32, #tpu.memory_space<hbm>>
    %dma_wait3A_55 = arith.constant 0 : i32
    %dma_wait3A_56 = arith.constant 0 : i32
    %dma_wait3A_57 = tpu.memref_slice %arg12[%dma_wait3A, %dma_wait3A_55, %dma_wait3A_56] : memref<5x128x128xf32, #tpu.memory_space<vmem>> -> memref<1x128x128xf32, #tpu.memory_space<vmem>>
    %dma_wait3A_58 = tpu.memref_squeeze %dma_wait3A_57 : memref<1x128x128xf32, #tpu.memory_space<vmem>> -> memref<128x128xf32, #tpu.memory_space<vmem>>
    tpu.wait_dma2 semaphore(%arg15 : memref<!tpu.dma_semaphore, #tpu.memory_space<semaphore_mem>>) src(%dma_wait3A_58 : memref<128x128xf32, #tpu.memory_space<vmem>>) dst(%dma_wait3A_54 : memref<128x128xf32, #tpu.memory_space<hbm>>)
    %dma_wait3A_59 = arith.constant 0 : i32
    %dma_wait3A_60 = arith.constant 0 : i32
    %dma_wait3A_61 = arith.constant 0 : i32
    %dma_wait3A_62 = tpu.memref_slice %arg12[%dma_wait3A_59, %dma_wait3A_60, %dma_wait3A_61] : memref<5x128x128xf32, #tpu.memory_space<vmem>> -> memref<1x128x128xf32, #tpu.memory_space<vmem>>
    %dma_wait3A_63 = tpu.memref_squeeze %dma_wait3A_62 : memref<1x128x128xf32, #tpu.memory_space<vmem>> -> memref<128x128xf32, #tpu.memory_space<vmem>>
    %dma_wait3A_64 = arith.constant 0 : i32
    %dma_wait3A_65 = tpu.memref_slice %arg7[%mul3A_6, %dma_wait3A_64] : memref<65536x128xf32, #tpu.memory_space<hbm>> -> memref<128x128xf32, #tpu.memory_space<hbm>>
    %dma_wait3A_66 = arith.constant 0 : i32
    %dma_wait3A_67 = tpu.memref_slice %arg7[%mul3A_6, %dma_wait3A_66] : memref<65536x128xf32, #tpu.memory_space<hbm>> -> memref<128x128xf32, #tpu.memory_space<hbm>>
    %dma_wait3A_68 = arith.constant 0 : i32
    %dma_wait3A_69 = arith.constant 0 : i32
    %dma_wait3A_70 = tpu.memref_slice %arg12[%dma_wait3A_59, %dma_wait3A_68, %dma_wait3A_69] : memref<5x128x128xf32, #tpu.memory_space<vmem>> -> memref<1x128x128xf32, #tpu.memory_space<vmem>>
    %dma_wait3A_71 = tpu.memref_squeeze %dma_wait3A_70 : memref<1x128x128xf32, #tpu.memory_space<vmem>> -> memref<128x128xf32, #tpu.memory_space<vmem>>
    tpu.wait_dma2 semaphore(%arg15 : memref<!tpu.dma_semaphore, #tpu.memory_space<semaphore_mem>>) src(%dma_wait3A_71 : memref<128x128xf32, #tpu.memory_space<vmem>>) dst(%dma_wait3A_67 : memref<128x128xf32, #tpu.memory_space<hbm>>)
    %dma_wait3A_72 = arith.constant 0 : i32
    %dma_wait3A_73 = arith.constant 0 : i32
    %dma_wait3A_74 = arith.constant 0 : i32
    %dma_wait3A_75 = tpu.memref_slice %arg12[%dma_wait3A_72, %dma_wait3A_73, %dma_wait3A_74] : memref<5x128x128xf32, #tpu.memory_space<vmem>> -> memref<1x128x128xf32, #tpu.memory_space<vmem>>
    %dma_wait3A_76 = tpu.memref_squeeze %dma_wait3A_75 : memref<1x128x128xf32, #tpu.memory_space<vmem>> -> memref<128x128xf32, #tpu.memory_space<vmem>>
    %dma_wait3A_77 = arith.constant 0 : i32
    %dma_wait3A_78 = tpu.memref_slice %arg7[%mul3A_6, %dma_wait3A_77] : memref<65536x128xf32, #tpu.memory_space<hbm>> -> memref<128x128xf32, #tpu.memory_space<hbm>>
    %dma_wait3A_79 = arith.constant 0 : i32
    %dma_wait3A_80 = tpu.memref_slice %arg7[%mul3A_6, %dma_wait3A_79] : memref<65536x128xf32, #tpu.memory_space<hbm>> -> memref<128x128xf32, #tpu.memory_space<hbm>>
    %dma_wait3A_81 = arith.constant 0 : i32
    %dma_wait3A_82 = arith.constant 0 : i32
    %dma_wait3A_83 = tpu.memref_slice %arg12[%dma_wait3A_72, %dma_wait3A_81, %dma_wait3A_82] : memref<5x128x128xf32, #tpu.memory_space<vmem>> -> memref<1x128x128xf32, #tpu.memory_space<vmem>>
    %dma_wait3A_84 = tpu.memref_squeeze %dma_wait3A_83 : memref<1x128x128xf32, #tpu.memory_space<vmem>> -> memref<128x128xf32, #tpu.memory_space<vmem>>
    tpu.wait_dma2 semaphore(%arg15 : memref<!tpu.dma_semaphore, #tpu.memory_space<semaphore_mem>>) src(%dma_wait3A_84 : memref<128x128xf32, #tpu.memory_space<vmem>>) dst(%dma_wait3A_80 : memref<128x128xf32, #tpu.memory_space<hbm>>)
    %dma_wait3A_85 = arith.constant 0 : i32
    %dma_wait3A_86 = arith.constant 0 : i32
    %dma_wait3A_87 = arith.constant 0 : i32
    %dma_wait3A_88 = tpu.memref_slice %arg12[%dma_wait3A_85, %dma_wait3A_86, %dma_wait3A_87] : memref<5x128x128xf32, #tpu.memory_space<vmem>> -> memref<1x128x128xf32, #tpu.memory_space<vmem>>
    %dma_wait3A_89 = tpu.memref_squeeze %dma_wait3A_88 : memref<1x128x128xf32, #tpu.memory_space<vmem>> -> memref<128x128xf32, #tpu.memory_space<vmem>>
    %dma_wait3A_90 = arith.constant 0 : i32
    %dma_wait3A_91 = tpu.memref_slice %arg7[%mul3A_6, %dma_wait3A_90] : memref<65536x128xf32, #tpu.memory_space<hbm>> -> memref<128x128xf32, #tpu.memory_space<hbm>>
    %dma_wait3A_92 = arith.constant 0 : i32
    %dma_wait3A_93 = tpu.memref_slice %arg7[%mul3A_6, %dma_wait3A_92] : memref<65536x128xf32, #tpu.memory_space<hbm>> -> memref<128x128xf32, #tpu.memory_space<hbm>>
    %dma_wait3A_94 = arith.constant 0 : i32
    %dma_wait3A_95 = arith.constant 0 : i32
    %dma_wait3A_96 = tpu.memref_slice %arg12[%dma_wait3A_85, %dma_wait3A_94, %dma_wait3A_95] : memref<5x128x128xf32, #tpu.memory_space<vmem>> -> memref<1x128x128xf32, #tpu.memory_space<vmem>>
    %dma_wait3A_97 = tpu.memref_squeeze %dma_wait3A_96 : memref<1x128x128xf32, #tpu.memory_space<vmem>> -> memref<128x128xf32, #tpu.memory_space<vmem>>
    tpu.wait_dma2 semaphore(%arg15 : memref<!tpu.dma_semaphore, #tpu.memory_space<semaphore_mem>>) src(%dma_wait3A_97 : memref<128x128xf32, #tpu.memory_space<vmem>>) dst(%dma_wait3A_93 : memref<128x128xf32, #tpu.memory_space<hbm>>)
    %dma_wait3A_98 = arith.constant 0 : i32
    %dma_wait3A_99 = arith.constant 0 : i32
    %dma_wait3A_100 = arith.constant 0 : i32
    %dma_wait3A_101 = tpu.memref_slice %arg12[%dma_wait3A_98, %dma_wait3A_99, %dma_wait3A_100] : memref<5x128x128xf32, #tpu.memory_space<vmem>> -> memref<1x128x128xf32, #tpu.memory_space<vmem>>
    %dma_wait3A_102 = tpu.memref_squeeze %dma_wait3A_101 : memref<1x128x128xf32, #tpu.memory_space<vmem>> -> memref<128x128xf32, #tpu.memory_space<vmem>>
    %dma_wait3A_103 = arith.constant 0 : i32
    %dma_wait3A_104 = tpu.memref_slice %arg7[%mul3A_6, %dma_wait3A_103] : memref<65536x128xf32, #tpu.memory_space<hbm>> -> memref<128x128xf32, #tpu.memory_space<hbm>>
    %dma_wait3A_105 = arith.constant 0 : i32
    %dma_wait3A_106 = tpu.memref_slice %arg7[%mul3A_6, %dma_wait3A_105] : memref<65536x128xf32, #tpu.memory_space<hbm>> -> memref<128x128xf32, #tpu.memory_space<hbm>>
    %dma_wait3A_107 = arith.constant 0 : i32
    %dma_wait3A_108 = arith.constant 0 : i32
    %dma_wait3A_109 = tpu.memref_slice %arg12[%dma_wait3A_98, %dma_wait3A_107, %dma_wait3A_108] : memref<5x128x128xf32, #tpu.memory_space<vmem>> -> memref<1x128x128xf32, #tpu.memory_space<vmem>>
    %dma_wait3A_110 = tpu.memref_squeeze %dma_wait3A_109 : memref<1x128x128xf32, #tpu.memory_space<vmem>> -> memref<128x128xf32, #tpu.memory_space<vmem>>
    tpu.wait_dma2 semaphore(%arg15 : memref<!tpu.dma_semaphore, #tpu.memory_space<semaphore_mem>>) src(%dma_wait3A_110 : memref<128x128xf32, #tpu.memory_space<vmem>>) dst(%dma_wait3A_106 : memref<128x128xf32, #tpu.memory_space<hbm>>)
    "tpu.region"() ({
      %run_scoped3A = tpu.sem_alloc : memref<!tpu.dma_semaphore, #tpu.memory_space<semaphore_mem>>
      %dma_start3A_432 = arith.constant 0 : i32
      %dma_start3A_433 = tpu.memref_slice %arg4[%mul3A_4, %dma_start3A_432] : memref<512x128xi32, #tpu.memory_space<hbm>> -> memref<16x128xi32, #tpu.memory_space<hbm>>
      %dma_start3A_434 = arith.constant 0 : i32
      %dma_start3A_435 = tpu.memref_slice %arg4[%mul3A_4, %dma_start3A_434] : memref<512x128xi32, #tpu.memory_space<hbm>> -> memref<16x128xi32, #tpu.memory_space<hbm>>
      tpu.enqueue_dma source(%dma_start3A_435 : memref<16x128xi32, #tpu.memory_space<hbm>>) target(%arg11 : memref<16x128xi32, #tpu.memory_space<vmem>>) target_semaphore(%run_scoped3A : memref<!tpu.dma_semaphore, #tpu.memory_space<semaphore_mem>>)
      %dma_wait3A_436 = arith.constant 0 : i32
      %dma_wait3A_437 = tpu.memref_slice %arg4[%mul3A_4, %dma_wait3A_436] : memref<512x128xi32, #tpu.memory_space<hbm>> -> memref<16x128xi32, #tpu.memory_space<hbm>>
      %dma_wait3A_438 = arith.constant 0 : i32
      %dma_wait3A_439 = tpu.memref_slice %arg4[%mul3A_4, %dma_wait3A_438] : memref<512x128xi32, #tpu.memory_space<hbm>> -> memref<16x128xi32, #tpu.memory_space<hbm>>
      tpu.wait_dma2 semaphore(%run_scoped3A : memref<!tpu.dma_semaphore, #tpu.memory_space<semaphore_mem>>) src(%dma_wait3A_439 : memref<16x128xi32, #tpu.memory_space<hbm>>) dst(%arg11 : memref<16x128xi32, #tpu.memory_space<vmem>>)
      tpu.yield
    }) : () -> ()
    %dma_start3A_111 = arith.constant 0 : i32
    %dma_start3A_112 = arith.constant 0 : i32
    %dma_start3A_113 = arith.constant 0 : i32
    %dma_start3A_114 = arith.constant 0 : i32
    %dma_start3A_115 = tpu.memref_slice %arg12[%dma_start3A_112, %dma_start3A_113, %dma_start3A_114] : memref<5x128x128xf32, #tpu.memory_space<vmem>> -> memref<1x128x128xf32, #tpu.memory_space<vmem>>
    %dma_start3A_116 = tpu.memref_squeeze %dma_start3A_115 : memref<1x128x128xf32, #tpu.memory_space<vmem>> -> memref<128x128xf32, #tpu.memory_space<vmem>>
    %dma_start3A_117 = arith.constant 0 : i32
    %dma_start3A_118 = tpu.memref_slice %arg11[%dma_start3A_111, %dma_start3A_117] : memref<16x128xi32, #tpu.memory_space<vmem>> -> memref<1x128xi32, #tpu.memory_space<vmem>>
    %dma_start3A_119 = tpu.memref_squeeze %dma_start3A_118 : memref<1x128xi32, #tpu.memory_space<vmem>> -> memref<128xi32, #tpu.memory_space<vmem>>
    %dma_start3A_120 = arith.constant 0 : i32
    %dma_start3A_121 = arith.constant 0 : i32
    %dma_start3A_122 = tpu.memref_slice %arg13[%dma_start3A_120, %dma_start3A_121] : memref<4096x128xf32, #tpu.memory_space<vmem_shared>> -> memref<4096x128xf32, #tpu.memory_space<vmem_shared>>
    tpu.enqueue_indirect_dma source(%dma_start3A_122 : memref<4096x128xf32, #tpu.memory_space<vmem_shared>>) target(%dma_start3A_116 : memref<128x128xf32, #tpu.memory_space<vmem>>) offsets(%dma_start3A_119 : memref<128xi32, #tpu.memory_space<vmem>>) semaphore(%arg14 : memref<!tpu.dma_semaphore, #tpu.memory_space<semaphore_mem>>)
    %dma_start3A_123 = arith.constant 1 : i32
    %dma_start3A_124 = arith.constant 1 : i32
    %dma_start3A_125 = arith.constant 0 : i32
    %dma_start3A_126 = arith.constant 0 : i32
    %dma_start3A_127 = tpu.memref_slice %arg12[%dma_start3A_124, %dma_start3A_125, %dma_start3A_126] : memref<5x128x128xf32, #tpu.memory_space<vmem>> -> memref<1x128x128xf32, #tpu.memory_space<vmem>>
    %dma_start3A_128 = tpu.memref_squeeze %dma_start3A_127 : memref<1x128x128xf32, #tpu.memory_space<vmem>> -> memref<128x128xf32, #tpu.memory_space<vmem>>
    %dma_start3A_129 = arith.constant 0 : i32
    %dma_start3A_130 = tpu.memref_slice %arg11[%dma_start3A_123, %dma_start3A_129] : memref<16x128xi32, #tpu.memory_space<vmem>> -> memref<1x128xi32, #tpu.memory_space<vmem>>
    %dma_start3A_131 = tpu.memref_squeeze %dma_start3A_130 : memref<1x128xi32, #tpu.memory_space<vmem>> -> memref<128xi32, #tpu.memory_space<vmem>>
    %dma_start3A_132 = arith.constant 0 : i32
    %dma_start3A_133 = arith.constant 0 : i32
    %dma_start3A_134 = tpu.memref_slice %arg13[%dma_start3A_132, %dma_start3A_133] : memref<4096x128xf32, #tpu.memory_space<vmem_shared>> -> memref<4096x128xf32, #tpu.memory_space<vmem_shared>>
    tpu.enqueue_indirect_dma source(%dma_start3A_134 : memref<4096x128xf32, #tpu.memory_space<vmem_shared>>) target(%dma_start3A_128 : memref<128x128xf32, #tpu.memory_space<vmem>>) offsets(%dma_start3A_131 : memref<128xi32, #tpu.memory_space<vmem>>) semaphore(%arg14 : memref<!tpu.dma_semaphore, #tpu.memory_space<semaphore_mem>>)
    %dma_start3A_135 = arith.constant 2 : i32
    %dma_start3A_136 = arith.constant 2 : i32
    %dma_start3A_137 = arith.constant 0 : i32
    %dma_start3A_138 = arith.constant 0 : i32
    %dma_start3A_139 = tpu.memref_slice %arg12[%dma_start3A_136, %dma_start3A_137, %dma_start3A_138] : memref<5x128x128xf32, #tpu.memory_space<vmem>> -> memref<1x128x128xf32, #tpu.memory_space<vmem>>
    %dma_start3A_140 = tpu.memref_squeeze %dma_start3A_139 : memref<1x128x128xf32, #tpu.memory_space<vmem>> -> memref<128x128xf32, #tpu.memory_space<vmem>>
    %dma_start3A_141 = arith.constant 0 : i32
    %dma_start3A_142 = tpu.memref_slice %arg11[%dma_start3A_135, %dma_start3A_141] : memref<16x128xi32, #tpu.memory_space<vmem>> -> memref<1x128xi32, #tpu.memory_space<vmem>>
    %dma_start3A_143 = tpu.memref_squeeze %dma_start3A_142 : memref<1x128xi32, #tpu.memory_space<vmem>> -> memref<128xi32, #tpu.memory_space<vmem>>
    %dma_start3A_144 = arith.constant 0 : i32
    %dma_start3A_145 = arith.constant 0 : i32
    %dma_start3A_146 = tpu.memref_slice %arg13[%dma_start3A_144, %dma_start3A_145] : memref<4096x128xf32, #tpu.memory_space<vmem_shared>> -> memref<4096x128xf32, #tpu.memory_space<vmem_shared>>
    tpu.enqueue_indirect_dma source(%dma_start3A_146 : memref<4096x128xf32, #tpu.memory_space<vmem_shared>>) target(%dma_start3A_140 : memref<128x128xf32, #tpu.memory_space<vmem>>) offsets(%dma_start3A_143 : memref<128xi32, #tpu.memory_space<vmem>>) semaphore(%arg14 : memref<!tpu.dma_semaphore, #tpu.memory_space<semaphore_mem>>)
    %scan3A_147 = arith.constant 0 : i32
    %scan3A_148 = arith.constant 0 : i32
    %scan3A_149 = arith.constant 16 : i32
    %scan3A_150 = arith.addi %scan3A_148, %scan3A_149 : i32
    %scan3A_151 = arith.constant 1 : i32
    scf.for %scan3A_432 = %scan3A_148 to %scan3A_150 step %scan3A_151  : i32 {
      %rem3A = arith.constant 5 : i32
      %rem3A_433 = arith.remsi %scan3A_432, %rem3A : i32
      %dma_wait3A_434 = arith.constant 0 : i32
      %dma_wait3A_435 = arith.constant 0 : i32
      %dma_wait3A_436 = tpu.memref_slice %arg12[%rem3A_433, %dma_wait3A_434, %dma_wait3A_435] : memref<5x128x128xf32, #tpu.memory_space<vmem>> -> memref<1x128x128xf32, #tpu.memory_space<vmem>>
      %dma_wait3A_437 = tpu.memref_squeeze %dma_wait3A_436 : memref<1x128x128xf32, #tpu.memory_space<vmem>> -> memref<128x128xf32, #tpu.memory_space<vmem>>
      %dma_wait3A_438 = arith.constant 0 : i32
      %dma_wait3A_439 = tpu.memref_slice %arg11[%scan3A_432, %dma_wait3A_438] : memref<16x128xi32, #tpu.memory_space<vmem>> -> memref<1x128xi32, #tpu.memory_space<vmem>>
      %dma_wait3A_440 = tpu.memref_squeeze %dma_wait3A_439 : memref<1x128xi32, #tpu.memory_space<vmem>> -> memref<128xi32, #tpu.memory_space<vmem>>
      %dma_wait3A_441 = arith.constant 0 : i32
      %dma_wait3A_442 = arith.constant 0 : i32
      %dma_wait3A_443 = tpu.memref_slice %arg13[%dma_wait3A_441, %dma_wait3A_442] : memref<4096x128xf32, #tpu.memory_space<vmem_shared>> -> memref<4096x128xf32, #tpu.memory_space<vmem_shared>>
      tpu.wait_indirect_dma semaphore(%arg14 : memref<!tpu.dma_semaphore, #tpu.memory_space<semaphore_mem>>) src(%dma_wait3A_443 : memref<4096x128xf32, #tpu.memory_space<vmem_shared>>) dst(%dma_wait3A_437 : memref<128x128xf32, #tpu.memory_space<vmem>>)
      %mul3A_444 = arith.constant 128 : i32
      %mul3A_445 = arith.muli %scan3A_432, %mul3A_444 : i32
      %add3A_446 = arith.addi %mul3A_6, %mul3A_445 : i32
      %dma_start3A_447 = arith.constant 0 : i32
      %dma_start3A_448 = arith.constant 0 : i32
      %dma_start3A_449 = tpu.memref_slice %arg12[%rem3A_433, %dma_start3A_447, %dma_start3A_448] : memref<5x128x128xf32, #tpu.memory_space<vmem>> -> memref<1x128x128xf32, #tpu.memory_space<vmem>>
      %dma_start3A_450 = tpu.memref_squeeze %dma_start3A_449 : memref<1x128x128xf32, #tpu.memory_space<vmem>> -> memref<128x128xf32, #tpu.memory_space<vmem>>
      %dma_start3A_451 = arith.constant 0 : i32
      %dma_start3A_452 = tpu.memref_slice %arg8[%add3A_446, %dma_start3A_451] : memref<65536x128xf32, #tpu.memory_space<hbm>> -> memref<128x128xf32, #tpu.memory_space<hbm>>
      %dma_start3A_453 = arith.constant 0 : i32
      %dma_start3A_454 = tpu.memref_slice %arg8[%add3A_446, %dma_start3A_453] : memref<65536x128xf32, #tpu.memory_space<hbm>> -> memref<128x128xf32, #tpu.memory_space<hbm>>
      %dma_start3A_455 = arith.constant 0 : i32
      %dma_start3A_456 = arith.constant 0 : i32
      %dma_start3A_457 = tpu.memref_slice %arg12[%rem3A_433, %dma_start3A_455, %dma_start3A_456] : memref<5x128x128xf32, #tpu.memory_space<vmem>> -> memref<1x128x128xf32, #tpu.memory_space<vmem>>
      %dma_start3A_458 = tpu.memref_squeeze %dma_start3A_457 : memref<1x128x128xf32, #tpu.memory_space<vmem>> -> memref<128x128xf32, #tpu.memory_space<vmem>>
      tpu.enqueue_dma source(%dma_start3A_458 : memref<128x128xf32, #tpu.memory_space<vmem>>) target(%dma_start3A_454 : memref<128x128xf32, #tpu.memory_space<hbm>>) target_semaphore(%arg15 : memref<!tpu.dma_semaphore, #tpu.memory_space<semaphore_mem>>)
      %add3A_459 = arith.constant 3 : i32
      %add3A_460 = arith.addi %scan3A_432, %add3A_459 : i32
      %lt3A = arith.constant 16 : i32
      %lt3A_461 = arith.cmpi slt, %add3A_460, %lt3A : i32
      %convert_element_type3A_462 = arith.extui %lt3A_461 : i1 to i32
      %cond3A_463 = arith.constant 0 : i32
      %cond3A_464 = arith.cmpi ne, %convert_element_type3A_462, %cond3A_463 : i32
      scf.if %cond3A_464 {
        %add3A_465 = arith.constant 3 : i32
        %add3A_466 = arith.addi %scan3A_432, %add3A_465 : i32
        %rem3A_467 = arith.constant 5 : i32
        %rem3A_468 = arith.remsi %add3A_466, %rem3A_467 : i32
        %ge3A = arith.constant 2 : i32
        %ge3A_469 = arith.cmpi sge, %scan3A_432, %ge3A : i32
        %convert_element_type3A_470 = arith.extui %ge3A_469 : i1 to i32
        %cond3A_471 = arith.constant 0 : i32
        %cond3A_472 = arith.cmpi ne, %convert_element_type3A_470, %cond3A_471 : i32
        scf.if %cond3A_472 {
          %dma_wait3A_485 = arith.constant 0 : i32
          %dma_wait3A_486 = arith.constant 0 : i32
          %dma_wait3A_487 = tpu.memref_slice %arg12[%rem3A_468, %dma_wait3A_485, %dma_wait3A_486] : memref<5x128x128xf32, #tpu.memory_space<vmem>> -> memref<1x128x128xf32, #tpu.memory_space<vmem>>
          %dma_wait3A_488 = tpu.memref_squeeze %dma_wait3A_487 : memref<1x128x128xf32, #tpu.memory_space<vmem>> -> memref<128x128xf32, #tpu.memory_space<vmem>>
          %dma_wait3A_489 = arith.constant 0 : i32
          %dma_wait3A_490 = tpu.memref_slice %arg8[%mul3A_6, %dma_wait3A_489] : memref<65536x128xf32, #tpu.memory_space<hbm>> -> memref<128x128xf32, #tpu.memory_space<hbm>>
          %dma_wait3A_491 = arith.constant 0 : i32
          %dma_wait3A_492 = tpu.memref_slice %arg8[%mul3A_6, %dma_wait3A_491] : memref<65536x128xf32, #tpu.memory_space<hbm>> -> memref<128x128xf32, #tpu.memory_space<hbm>>
          %dma_wait3A_493 = arith.constant 0 : i32
          %dma_wait3A_494 = arith.constant 0 : i32
          %dma_wait3A_495 = tpu.memref_slice %arg12[%rem3A_468, %dma_wait3A_493, %dma_wait3A_494] : memref<5x128x128xf32, #tpu.memory_space<vmem>> -> memref<1x128x128xf32, #tpu.memory_space<vmem>>
          %dma_wait3A_496 = tpu.memref_squeeze %dma_wait3A_495 : memref<1x128x128xf32, #tpu.memory_space<vmem>> -> memref<128x128xf32, #tpu.memory_space<vmem>>
          tpu.wait_dma2 semaphore(%arg15 : memref<!tpu.dma_semaphore, #tpu.memory_space<semaphore_mem>>) src(%dma_wait3A_496 : memref<128x128xf32, #tpu.memory_space<vmem>>) dst(%dma_wait3A_492 : memref<128x128xf32, #tpu.memory_space<hbm>>)
        } else {
        }
        %add3A_473 = arith.constant 3 : i32
        %add3A_474 = arith.addi %scan3A_432, %add3A_473 : i32
        %dma_start3A_475 = arith.constant 0 : i32
        %dma_start3A_476 = arith.constant 0 : i32
        %dma_start3A_477 = tpu.memref_slice %arg12[%rem3A_468, %dma_start3A_475, %dma_start3A_476] : memref<5x128x128xf32, #tpu.memory_space<vmem>> -> memref<1x128x128xf32, #tpu.memory_space<vmem>>
        %dma_start3A_478 = tpu.memref_squeeze %dma_start3A_477 : memref<1x128x128xf32, #tpu.memory_space<vmem>> -> memref<128x128xf32, #tpu.memory_space<vmem>>
        %dma_start3A_479 = arith.constant 0 : i32
        %dma_start3A_480 = tpu.memref_slice %arg11[%add3A_474, %dma_start3A_479] : memref<16x128xi32, #tpu.memory_space<vmem>> -> memref<1x128xi32, #tpu.memory_space<vmem>>
        %dma_start3A_481 = tpu.memref_squeeze %dma_start3A_480 : memref<1x128xi32, #tpu.memory_space<vmem>> -> memref<128xi32, #tpu.memory_space<vmem>>
        %dma_start3A_482 = arith.constant 0 : i32
        %dma_start3A_483 = arith.constant 0 : i32
        %dma_start3A_484 = tpu.memref_slice %arg13[%dma_start3A_482, %dma_start3A_483] : memref<4096x128xf32, #tpu.memory_space<vmem_shared>> -> memref<4096x128xf32, #tpu.memory_space<vmem_shared>>
        tpu.enqueue_indirect_dma source(%dma_start3A_484 : memref<4096x128xf32, #tpu.memory_space<vmem_shared>>) target(%dma_start3A_478 : memref<128x128xf32, #tpu.memory_space<vmem>>) offsets(%dma_start3A_481 : memref<128xi32, #tpu.memory_space<vmem>>) semaphore(%arg14 : memref<!tpu.dma_semaphore, #tpu.memory_space<semaphore_mem>>)
      } else {
      }
    }
    %scan3A_152 = arith.constant 16 : i32
    %dma_wait3A_153 = arith.constant 0 : i32
    %dma_wait3A_154 = arith.constant 0 : i32
    %dma_wait3A_155 = arith.constant 0 : i32
    %dma_wait3A_156 = tpu.memref_slice %arg12[%dma_wait3A_153, %dma_wait3A_154, %dma_wait3A_155] : memref<5x128x128xf32, #tpu.memory_space<vmem>> -> memref<1x128x128xf32, #tpu.memory_space<vmem>>
    %dma_wait3A_157 = tpu.memref_squeeze %dma_wait3A_156 : memref<1x128x128xf32, #tpu.memory_space<vmem>> -> memref<128x128xf32, #tpu.memory_space<vmem>>
    %dma_wait3A_158 = arith.constant 0 : i32
    %dma_wait3A_159 = tpu.memref_slice %arg8[%mul3A_6, %dma_wait3A_158] : memref<65536x128xf32, #tpu.memory_space<hbm>> -> memref<128x128xf32, #tpu.memory_space<hbm>>
    %dma_wait3A_160 = arith.constant 0 : i32
    %dma_wait3A_161 = tpu.memref_slice %arg8[%mul3A_6, %dma_wait3A_160] : memref<65536x128xf32, #tpu.memory_space<hbm>> -> memref<128x128xf32, #tpu.memory_space<hbm>>
    %dma_wait3A_162 = arith.constant 0 : i32
    %dma_wait3A_163 = arith.constant 0 : i32
    %dma_wait3A_164 = tpu.memref_slice %arg12[%dma_wait3A_153, %dma_wait3A_162, %dma_wait3A_163] : memref<5x128x128xf32, #tpu.memory_space<vmem>> -> memref<1x128x128xf32, #tpu.memory_space<vmem>>
    %dma_wait3A_165 = tpu.memref_squeeze %dma_wait3A_164 : memref<1x128x128xf32, #tpu.memory_space<vmem>> -> memref<128x128xf32, #tpu.memory_space<vmem>>
    tpu.wait_dma2 semaphore(%arg15 : memref<!tpu.dma_semaphore, #tpu.memory_space<semaphore_mem>>) src(%dma_wait3A_165 : memref<128x128xf32, #tpu.memory_space<vmem>>) dst(%dma_wait3A_161 : memref<128x128xf32, #tpu.memory_space<hbm>>)
    %dma_wait3A_166 = arith.constant 0 : i32
    %dma_wait3A_167 = arith.constant 0 : i32
    %dma_wait3A_168 = arith.constant 0 : i32
    %dma_wait3A_169 = tpu.memref_slice %arg12[%dma_wait3A_166, %dma_wait3A_167, %dma_wait3A_168] : memref<5x128x128xf32, #tpu.memory_space<vmem>> -> memref<1x128x128xf32, #tpu.memory_space<vmem>>
    %dma_wait3A_170 = tpu.memref_squeeze %dma_wait3A_169 : memref<1x128x128xf32, #tpu.memory_space<vmem>> -> memref<128x128xf32, #tpu.memory_space<vmem>>
    %dma_wait3A_171 = arith.constant 0 : i32
    %dma_wait3A_172 = tpu.memref_slice %arg8[%mul3A_6, %dma_wait3A_171] : memref<65536x128xf32, #tpu.memory_space<hbm>> -> memref<128x128xf32, #tpu.memory_space<hbm>>
    %dma_wait3A_173 = arith.constant 0 : i32
    %dma_wait3A_174 = tpu.memref_slice %arg8[%mul3A_6, %dma_wait3A_173] : memref<65536x128xf32, #tpu.memory_space<hbm>> -> memref<128x128xf32, #tpu.memory_space<hbm>>
    %dma_wait3A_175 = arith.constant 0 : i32
    %dma_wait3A_176 = arith.constant 0 : i32
    %dma_wait3A_177 = tpu.memref_slice %arg12[%dma_wait3A_166, %dma_wait3A_175, %dma_wait3A_176] : memref<5x128x128xf32, #tpu.memory_space<vmem>> -> memref<1x128x128xf32, #tpu.memory_space<vmem>>
    %dma_wait3A_178 = tpu.memref_squeeze %dma_wait3A_177 : memref<1x128x128xf32, #tpu.memory_space<vmem>> -> memref<128x128xf32, #tpu.memory_space<vmem>>
    tpu.wait_dma2 semaphore(%arg15 : memref<!tpu.dma_semaphore, #tpu.memory_space<semaphore_mem>>) src(%dma_wait3A_178 : memref<128x128xf32, #tpu.memory_space<vmem>>) dst(%dma_wait3A_174 : memref<128x128xf32, #tpu.memory_space<hbm>>)
    %dma_wait3A_179 = arith.constant 0 : i32
    %dma_wait3A_180 = arith.constant 0 : i32
    %dma_wait3A_181 = arith.constant 0 : i32
    %dma_wait3A_182 = tpu.memref_slice %arg12[%dma_wait3A_179, %dma_wait3A_180, %dma_wait3A_181] : memref<5x128x128xf32, #tpu.memory_space<vmem>> -> memref<1x128x128xf32, #tpu.memory_space<vmem>>
    %dma_wait3A_183 = tpu.memref_squeeze %dma_wait3A_182 : memref<1x128x128xf32, #tpu.memory_space<vmem>> -> memref<128x128xf32, #tpu.memory_space<vmem>>
    %dma_wait3A_184 = arith.constant 0 : i32
    %dma_wait3A_185 = tpu.memref_slice %arg8[%mul3A_6, %dma_wait3A_184] : memref<65536x128xf32, #tpu.memory_space<hbm>> -> memref<128x128xf32, #tpu.memory_space<hbm>>
    %dma_wait3A_186 = arith.constant 0 : i32
    %dma_wait3A_187 = tpu.memref_slice %arg8[%mul3A_6, %dma_wait3A_186] : memref<65536x128xf32, #tpu.memory_space<hbm>> -> memref<128x128xf32, #tpu.memory_space<hbm>>
    %dma_wait3A_188 = arith.constant 0 : i32
    %dma_wait3A_189 = arith.constant 0 : i32
    %dma_wait3A_190 = tpu.memref_slice %arg12[%dma_wait3A_179, %dma_wait3A_188, %dma_wait3A_189] : memref<5x128x128xf32, #tpu.memory_space<vmem>> -> memref<1x128x128xf32, #tpu.memory_space<vmem>>
    %dma_wait3A_191 = tpu.memref_squeeze %dma_wait3A_190 : memref<1x128x128xf32, #tpu.memory_space<vmem>> -> memref<128x128xf32, #tpu.memory_space<vmem>>
    tpu.wait_dma2 semaphore(%arg15 : memref<!tpu.dma_semaphore, #tpu.memory_space<semaphore_mem>>) src(%dma_wait3A_191 : memref<128x128xf32, #tpu.memory_space<vmem>>) dst(%dma_wait3A_187 : memref<128x128xf32, #tpu.memory_space<hbm>>)
    %dma_wait3A_192 = arith.constant 0 : i32
    %dma_wait3A_193 = arith.constant 0 : i32
    %dma_wait3A_194 = arith.constant 0 : i32
    %dma_wait3A_195 = tpu.memref_slice %arg12[%dma_wait3A_192, %dma_wait3A_193, %dma_wait3A_194] : memref<5x128x128xf32, #tpu.memory_space<vmem>> -> memref<1x128x128xf32, #tpu.memory_space<vmem>>
    %dma_wait3A_196 = tpu.memref_squeeze %dma_wait3A_195 : memref<1x128x128xf32, #tpu.memory_space<vmem>> -> memref<128x128xf32, #tpu.memory_space<vmem>>
    %dma_wait3A_197 = arith.constant 0 : i32
    %dma_wait3A_198 = tpu.memref_slice %arg8[%mul3A_6, %dma_wait3A_197] : memref<65536x128xf32, #tpu.memory_space<hbm>> -> memref<128x128xf32, #tpu.memory_space<hbm>>
    %dma_wait3A_199 = arith.constant 0 : i32
    %dma_wait3A_200 = tpu.memref_slice %arg8[%mul3A_6, %dma_wait3A_199] : memref<65536x128xf32, #tpu.memory_space<hbm>> -> memref<128x128xf32, #tpu.memory_space<hbm>>
    %dma_wait3A_201 = arith.constant 0 : i32
    %dma_wait3A_202 = arith.constant 0 : i32
    %dma_wait3A_203 = tpu.memref_slice %arg12[%dma_wait3A_192, %dma_wait3A_201, %dma_wait3A_202] : memref<5x128x128xf32, #tpu.memory_space<vmem>> -> memref<1x128x128xf32, #tpu.memory_space<vmem>>
    %dma_wait3A_204 = tpu.memref_squeeze %dma_wait3A_203 : memref<1x128x128xf32, #tpu.memory_space<vmem>> -> memref<128x128xf32, #tpu.memory_space<vmem>>
    tpu.wait_dma2 semaphore(%arg15 : memref<!tpu.dma_semaphore, #tpu.memory_space<semaphore_mem>>) src(%dma_wait3A_204 : memref<128x128xf32, #tpu.memory_space<vmem>>) dst(%dma_wait3A_200 : memref<128x128xf32, #tpu.memory_space<hbm>>)
    %dma_wait3A_205 = arith.constant 0 : i32
    %dma_wait3A_206 = arith.constant 0 : i32
    %dma_wait3A_207 = arith.constant 0 : i32
    %dma_wait3A_208 = tpu.memref_slice %arg12[%dma_wait3A_205, %dma_wait3A_206, %dma_wait3A_207] : memref<5x128x128xf32, #tpu.memory_space<vmem>> -> memref<1x128x128xf32, #tpu.memory_space<vmem>>
    %dma_wait3A_209 = tpu.memref_squeeze %dma_wait3A_208 : memref<1x128x128xf32, #tpu.memory_space<vmem>> -> memref<128x128xf32, #tpu.memory_space<vmem>>
    %dma_wait3A_210 = arith.constant 0 : i32
    %dma_wait3A_211 = tpu.memref_slice %arg8[%mul3A_6, %dma_wait3A_210] : memref<65536x128xf32, #tpu.memory_space<hbm>> -> memref<128x128xf32, #tpu.memory_space<hbm>>
    %dma_wait3A_212 = arith.constant 0 : i32
    %dma_wait3A_213 = tpu.memref_slice %arg8[%mul3A_6, %dma_wait3A_212] : memref<65536x128xf32, #tpu.memory_space<hbm>> -> memref<128x128xf32, #tpu.memory_space<hbm>>
    %dma_wait3A_214 = arith.constant 0 : i32
    %dma_wait3A_215 = arith.constant 0 : i32
    %dma_wait3A_216 = tpu.memref_slice %arg12[%dma_wait3A_205, %dma_wait3A_214, %dma_wait3A_215] : memref<5x128x128xf32, #tpu.memory_space<vmem>> -> memref<1x128x128xf32, #tpu.memory_space<vmem>>
    %dma_wait3A_217 = tpu.memref_squeeze %dma_wait3A_216 : memref<1x128x128xf32, #tpu.memory_space<vmem>> -> memref<128x128xf32, #tpu.memory_space<vmem>>
    tpu.wait_dma2 semaphore(%arg15 : memref<!tpu.dma_semaphore, #tpu.memory_space<semaphore_mem>>) src(%dma_wait3A_217 : memref<128x128xf32, #tpu.memory_space<vmem>>) dst(%dma_wait3A_213 : memref<128x128xf32, #tpu.memory_space<hbm>>)
    "tpu.region"() ({
      %run_scoped3A = tpu.sem_alloc : memref<!tpu.dma_semaphore, #tpu.memory_space<semaphore_mem>>
      %dma_start3A_432 = arith.constant 0 : i32
      %dma_start3A_433 = tpu.memref_slice %arg5[%mul3A_4, %dma_start3A_432] : memref<512x128xi32, #tpu.memory_space<hbm>> -> memref<16x128xi32, #tpu.memory_space<hbm>>
      %dma_start3A_434 = arith.constant 0 : i32
      %dma_start3A_435 = tpu.memref_slice %arg5[%mul3A_4, %dma_start3A_434] : memref<512x128xi32, #tpu.memory_space<hbm>> -> memref<16x128xi32, #tpu.memory_space<hbm>>
      tpu.enqueue_dma source(%dma_start3A_435 : memref<16x128xi32, #tpu.memory_space<hbm>>) target(%arg11 : memref<16x128xi32, #tpu.memory_space<vmem>>) target_semaphore(%run_scoped3A : memref<!tpu.dma_semaphore, #tpu.memory_space<semaphore_mem>>)
      %dma_wait3A_436 = arith.constant 0 : i32
      %dma_wait3A_437 = tpu.memref_slice %arg5[%mul3A_4, %dma_wait3A_436] : memref<512x128xi32, #tpu.memory_space<hbm>> -> memref<16x128xi32, #tpu.memory_space<hbm>>
      %dma_wait3A_438 = arith.constant 0 : i32
      %dma_wait3A_439 = tpu.memref_slice %arg5[%mul3A_4, %dma_wait3A_438] : memref<512x128xi32, #tpu.memory_space<hbm>> -> memref<16x128xi32, #tpu.memory_space<hbm>>
      tpu.wait_dma2 semaphore(%run_scoped3A : memref<!tpu.dma_semaphore, #tpu.memory_space<semaphore_mem>>) src(%dma_wait3A_439 : memref<16x128xi32, #tpu.memory_space<hbm>>) dst(%arg11 : memref<16x128xi32, #tpu.memory_space<vmem>>)
      tpu.yield
    }) : () -> ()
    %dma_start3A_218 = arith.constant 0 : i32
    %dma_start3A_219 = arith.constant 0 : i32
    %dma_start3A_220 = arith.constant 0 : i32
    %dma_start3A_221 = arith.constant 0 : i32
    %dma_start3A_222 = tpu.memref_slice %arg12[%dma_start3A_219, %dma_start3A_220, %dma_start3A_221] : memref<5x128x128xf32, #tpu.memory_space<vmem>> -> memref<1x128x128xf32, #tpu.memory_space<vmem>>
    %dma_start3A_223 = tpu.memref_squeeze %dma_start3A_222 : memref<1x128x128xf32, #tpu.memory_space<vmem>> -> memref<128x128xf32, #tpu.memory_space<vmem>>
    %dma_start3A_224 = arith.constant 0 : i32
    %dma_start3A_225 = tpu.memref_slice %arg11[%dma_start3A_218, %dma_start3A_224] : memref<16x128xi32, #tpu.memory_space<vmem>> -> memref<1x128xi32, #tpu.memory_space<vmem>>
    %dma_start3A_226 = tpu.memref_squeeze %dma_start3A_225 : memref<1x128xi32, #tpu.memory_space<vmem>> -> memref<128xi32, #tpu.memory_space<vmem>>
    %dma_start3A_227 = arith.constant 0 : i32
    %dma_start3A_228 = arith.constant 0 : i32
    %dma_start3A_229 = tpu.memref_slice %arg13[%dma_start3A_227, %dma_start3A_228] : memref<4096x128xf32, #tpu.memory_space<vmem_shared>> -> memref<4096x128xf32, #tpu.memory_space<vmem_shared>>
    tpu.enqueue_indirect_dma source(%dma_start3A_229 : memref<4096x128xf32, #tpu.memory_space<vmem_shared>>) target(%dma_start3A_223 : memref<128x128xf32, #tpu.memory_space<vmem>>) offsets(%dma_start3A_226 : memref<128xi32, #tpu.memory_space<vmem>>) semaphore(%arg14 : memref<!tpu.dma_semaphore, #tpu.memory_space<semaphore_mem>>)
    %dma_start3A_230 = arith.constant 1 : i32
    %dma_start3A_231 = arith.constant 1 : i32
    %dma_start3A_232 = arith.constant 0 : i32
    %dma_start3A_233 = arith.constant 0 : i32
    %dma_start3A_234 = tpu.memref_slice %arg12[%dma_start3A_231, %dma_start3A_232, %dma_start3A_233] : memref<5x128x128xf32, #tpu.memory_space<vmem>> -> memref<1x128x128xf32, #tpu.memory_space<vmem>>
    %dma_start3A_235 = tpu.memref_squeeze %dma_start3A_234 : memref<1x128x128xf32, #tpu.memory_space<vmem>> -> memref<128x128xf32, #tpu.memory_space<vmem>>
    %dma_start3A_236 = arith.constant 0 : i32
    %dma_start3A_237 = tpu.memref_slice %arg11[%dma_start3A_230, %dma_start3A_236] : memref<16x128xi32, #tpu.memory_space<vmem>> -> memref<1x128xi32, #tpu.memory_space<vmem>>
    %dma_start3A_238 = tpu.memref_squeeze %dma_start3A_237 : memref<1x128xi32, #tpu.memory_space<vmem>> -> memref<128xi32, #tpu.memory_space<vmem>>
    %dma_start3A_239 = arith.constant 0 : i32
    %dma_start3A_240 = arith.constant 0 : i32
    %dma_start3A_241 = tpu.memref_slice %arg13[%dma_start3A_239, %dma_start3A_240] : memref<4096x128xf32, #tpu.memory_space<vmem_shared>> -> memref<4096x128xf32, #tpu.memory_space<vmem_shared>>
    tpu.enqueue_indirect_dma source(%dma_start3A_241 : memref<4096x128xf32, #tpu.memory_space<vmem_shared>>) target(%dma_start3A_235 : memref<128x128xf32, #tpu.memory_space<vmem>>) offsets(%dma_start3A_238 : memref<128xi32, #tpu.memory_space<vmem>>) semaphore(%arg14 : memref<!tpu.dma_semaphore, #tpu.memory_space<semaphore_mem>>)
    %dma_start3A_242 = arith.constant 2 : i32
    %dma_start3A_243 = arith.constant 2 : i32
    %dma_start3A_244 = arith.constant 0 : i32
    %dma_start3A_245 = arith.constant 0 : i32
    %dma_start3A_246 = tpu.memref_slice %arg12[%dma_start3A_243, %dma_start3A_244, %dma_start3A_245] : memref<5x128x128xf32, #tpu.memory_space<vmem>> -> memref<1x128x128xf32, #tpu.memory_space<vmem>>
    %dma_start3A_247 = tpu.memref_squeeze %dma_start3A_246 : memref<1x128x128xf32, #tpu.memory_space<vmem>> -> memref<128x128xf32, #tpu.memory_space<vmem>>
    %dma_start3A_248 = arith.constant 0 : i32
    %dma_start3A_249 = tpu.memref_slice %arg11[%dma_start3A_242, %dma_start3A_248] : memref<16x128xi32, #tpu.memory_space<vmem>> -> memref<1x128xi32, #tpu.memory_space<vmem>>
    %dma_start3A_250 = tpu.memref_squeeze %dma_start3A_249 : memref<1x128xi32, #tpu.memory_space<vmem>> -> memref<128xi32, #tpu.memory_space<vmem>>
    %dma_start3A_251 = arith.constant 0 : i32
    %dma_start3A_252 = arith.constant 0 : i32
    %dma_start3A_253 = tpu.memref_slice %arg13[%dma_start3A_251, %dma_start3A_252] : memref<4096x128xf32, #tpu.memory_space<vmem_shared>> -> memref<4096x128xf32, #tpu.memory_space<vmem_shared>>
    tpu.enqueue_indirect_dma source(%dma_start3A_253 : memref<4096x128xf32, #tpu.memory_space<vmem_shared>>) target(%dma_start3A_247 : memref<128x128xf32, #tpu.memory_space<vmem>>) offsets(%dma_start3A_250 : memref<128xi32, #tpu.memory_space<vmem>>) semaphore(%arg14 : memref<!tpu.dma_semaphore, #tpu.memory_space<semaphore_mem>>)
    %scan3A_254 = arith.constant 0 : i32
    %scan3A_255 = arith.constant 0 : i32
    %scan3A_256 = arith.constant 16 : i32
    %scan3A_257 = arith.addi %scan3A_255, %scan3A_256 : i32
    %scan3A_258 = arith.constant 1 : i32
    scf.for %scan3A_432 = %scan3A_255 to %scan3A_257 step %scan3A_258  : i32 {
      %rem3A = arith.constant 5 : i32
      %rem3A_433 = arith.remsi %scan3A_432, %rem3A : i32
      %dma_wait3A_434 = arith.constant 0 : i32
      %dma_wait3A_435 = arith.constant 0 : i32
      %dma_wait3A_436 = tpu.memref_slice %arg12[%rem3A_433, %dma_wait3A_434, %dma_wait3A_435] : memref<5x128x128xf32, #tpu.memory_space<vmem>> -> memref<1x128x128xf32, #tpu.memory_space<vmem>>
      %dma_wait3A_437 = tpu.memref_squeeze %dma_wait3A_436 : memref<1x128x128xf32, #tpu.memory_space<vmem>> -> memref<128x128xf32, #tpu.memory_space<vmem>>
      %dma_wait3A_438 = arith.constant 0 : i32
      %dma_wait3A_439 = tpu.memref_slice %arg11[%scan3A_432, %dma_wait3A_438] : memref<16x128xi32, #tpu.memory_space<vmem>> -> memref<1x128xi32, #tpu.memory_space<vmem>>
      %dma_wait3A_440 = tpu.memref_squeeze %dma_wait3A_439 : memref<1x128xi32, #tpu.memory_space<vmem>> -> memref<128xi32, #tpu.memory_space<vmem>>
      %dma_wait3A_441 = arith.constant 0 : i32
      %dma_wait3A_442 = arith.constant 0 : i32
      %dma_wait3A_443 = tpu.memref_slice %arg13[%dma_wait3A_441, %dma_wait3A_442] : memref<4096x128xf32, #tpu.memory_space<vmem_shared>> -> memref<4096x128xf32, #tpu.memory_space<vmem_shared>>
      tpu.wait_indirect_dma semaphore(%arg14 : memref<!tpu.dma_semaphore, #tpu.memory_space<semaphore_mem>>) src(%dma_wait3A_443 : memref<4096x128xf32, #tpu.memory_space<vmem_shared>>) dst(%dma_wait3A_437 : memref<128x128xf32, #tpu.memory_space<vmem>>)
      %mul3A_444 = arith.constant 128 : i32
      %mul3A_445 = arith.muli %scan3A_432, %mul3A_444 : i32
      %add3A_446 = arith.addi %mul3A_6, %mul3A_445 : i32
      %dma_start3A_447 = arith.constant 0 : i32
      %dma_start3A_448 = arith.constant 0 : i32
      %dma_start3A_449 = tpu.memref_slice %arg12[%rem3A_433, %dma_start3A_447, %dma_start3A_448] : memref<5x128x128xf32, #tpu.memory_space<vmem>> -> memref<1x128x128xf32, #tpu.memory_space<vmem>>
      %dma_start3A_450 = tpu.memref_squeeze %dma_start3A_449 : memref<1x128x128xf32, #tpu.memory_space<vmem>> -> memref<128x128xf32, #tpu.memory_space<vmem>>
      %dma_start3A_451 = arith.constant 0 : i32
      %dma_start3A_452 = tpu.memref_slice %arg9[%add3A_446, %dma_start3A_451] : memref<65536x128xf32, #tpu.memory_space<hbm>> -> memref<128x128xf32, #tpu.memory_space<hbm>>
      %dma_start3A_453 = arith.constant 0 : i32
      %dma_start3A_454 = tpu.memref_slice %arg9[%add3A_446, %dma_start3A_453] : memref<65536x128xf32, #tpu.memory_space<hbm>> -> memref<128x128xf32, #tpu.memory_space<hbm>>
      %dma_start3A_455 = arith.constant 0 : i32
      %dma_start3A_456 = arith.constant 0 : i32
      %dma_start3A_457 = tpu.memref_slice %arg12[%rem3A_433, %dma_start3A_455, %dma_start3A_456] : memref<5x128x128xf32, #tpu.memory_space<vmem>> -> memref<1x128x128xf32, #tpu.memory_space<vmem>>
      %dma_start3A_458 = tpu.memref_squeeze %dma_start3A_457 : memref<1x128x128xf32, #tpu.memory_space<vmem>> -> memref<128x128xf32, #tpu.memory_space<vmem>>
      tpu.enqueue_dma source(%dma_start3A_458 : memref<128x128xf32, #tpu.memory_space<vmem>>) target(%dma_start3A_454 : memref<128x128xf32, #tpu.memory_space<hbm>>) target_semaphore(%arg15 : memref<!tpu.dma_semaphore, #tpu.memory_space<semaphore_mem>>)
      %add3A_459 = arith.constant 3 : i32
      %add3A_460 = arith.addi %scan3A_432, %add3A_459 : i32
      %lt3A = arith.constant 16 : i32
      %lt3A_461 = arith.cmpi slt, %add3A_460, %lt3A : i32
      %convert_element_type3A_462 = arith.extui %lt3A_461 : i1 to i32
      %cond3A_463 = arith.constant 0 : i32
      %cond3A_464 = arith.cmpi ne, %convert_element_type3A_462, %cond3A_463 : i32
      scf.if %cond3A_464 {
        %add3A_465 = arith.constant 3 : i32
        %add3A_466 = arith.addi %scan3A_432, %add3A_465 : i32
        %rem3A_467 = arith.constant 5 : i32
        %rem3A_468 = arith.remsi %add3A_466, %rem3A_467 : i32
        %ge3A = arith.constant 2 : i32
        %ge3A_469 = arith.cmpi sge, %scan3A_432, %ge3A : i32
        %convert_element_type3A_470 = arith.extui %ge3A_469 : i1 to i32
        %cond3A_471 = arith.constant 0 : i32
        %cond3A_472 = arith.cmpi ne, %convert_element_type3A_470, %cond3A_471 : i32
        scf.if %cond3A_472 {
          %dma_wait3A_485 = arith.constant 0 : i32
          %dma_wait3A_486 = arith.constant 0 : i32
          %dma_wait3A_487 = tpu.memref_slice %arg12[%rem3A_468, %dma_wait3A_485, %dma_wait3A_486] : memref<5x128x128xf32, #tpu.memory_space<vmem>> -> memref<1x128x128xf32, #tpu.memory_space<vmem>>
          %dma_wait3A_488 = tpu.memref_squeeze %dma_wait3A_487 : memref<1x128x128xf32, #tpu.memory_space<vmem>> -> memref<128x128xf32, #tpu.memory_space<vmem>>
          %dma_wait3A_489 = arith.constant 0 : i32
          %dma_wait3A_490 = tpu.memref_slice %arg9[%mul3A_6, %dma_wait3A_489] : memref<65536x128xf32, #tpu.memory_space<hbm>> -> memref<128x128xf32, #tpu.memory_space<hbm>>
          %dma_wait3A_491 = arith.constant 0 : i32
          %dma_wait3A_492 = tpu.memref_slice %arg9[%mul3A_6, %dma_wait3A_491] : memref<65536x128xf32, #tpu.memory_space<hbm>> -> memref<128x128xf32, #tpu.memory_space<hbm>>
          %dma_wait3A_493 = arith.constant 0 : i32
          %dma_wait3A_494 = arith.constant 0 : i32
          %dma_wait3A_495 = tpu.memref_slice %arg12[%rem3A_468, %dma_wait3A_493, %dma_wait3A_494] : memref<5x128x128xf32, #tpu.memory_space<vmem>> -> memref<1x128x128xf32, #tpu.memory_space<vmem>>
          %dma_wait3A_496 = tpu.memref_squeeze %dma_wait3A_495 : memref<1x128x128xf32, #tpu.memory_space<vmem>> -> memref<128x128xf32, #tpu.memory_space<vmem>>
          tpu.wait_dma2 semaphore(%arg15 : memref<!tpu.dma_semaphore, #tpu.memory_space<semaphore_mem>>) src(%dma_wait3A_496 : memref<128x128xf32, #tpu.memory_space<vmem>>) dst(%dma_wait3A_492 : memref<128x128xf32, #tpu.memory_space<hbm>>)
        } else {
        }
        %add3A_473 = arith.constant 3 : i32
        %add3A_474 = arith.addi %scan3A_432, %add3A_473 : i32
        %dma_start3A_475 = arith.constant 0 : i32
        %dma_start3A_476 = arith.constant 0 : i32
        %dma_start3A_477 = tpu.memref_slice %arg12[%rem3A_468, %dma_start3A_475, %dma_start3A_476] : memref<5x128x128xf32, #tpu.memory_space<vmem>> -> memref<1x128x128xf32, #tpu.memory_space<vmem>>
        %dma_start3A_478 = tpu.memref_squeeze %dma_start3A_477 : memref<1x128x128xf32, #tpu.memory_space<vmem>> -> memref<128x128xf32, #tpu.memory_space<vmem>>
        %dma_start3A_479 = arith.constant 0 : i32
        %dma_start3A_480 = tpu.memref_slice %arg11[%add3A_474, %dma_start3A_479] : memref<16x128xi32, #tpu.memory_space<vmem>> -> memref<1x128xi32, #tpu.memory_space<vmem>>
        %dma_start3A_481 = tpu.memref_squeeze %dma_start3A_480 : memref<1x128xi32, #tpu.memory_space<vmem>> -> memref<128xi32, #tpu.memory_space<vmem>>
        %dma_start3A_482 = arith.constant 0 : i32
        %dma_start3A_483 = arith.constant 0 : i32
        %dma_start3A_484 = tpu.memref_slice %arg13[%dma_start3A_482, %dma_start3A_483] : memref<4096x128xf32, #tpu.memory_space<vmem_shared>> -> memref<4096x128xf32, #tpu.memory_space<vmem_shared>>
        tpu.enqueue_indirect_dma source(%dma_start3A_484 : memref<4096x128xf32, #tpu.memory_space<vmem_shared>>) target(%dma_start3A_478 : memref<128x128xf32, #tpu.memory_space<vmem>>) offsets(%dma_start3A_481 : memref<128xi32, #tpu.memory_space<vmem>>) semaphore(%arg14 : memref<!tpu.dma_semaphore, #tpu.memory_space<semaphore_mem>>)
      } else {
      }
    }
    %scan3A_259 = arith.constant 16 : i32
    %dma_wait3A_260 = arith.constant 0 : i32
    %dma_wait3A_261 = arith.constant 0 : i32
    %dma_wait3A_262 = arith.constant 0 : i32
    %dma_wait3A_263 = tpu.memref_slice %arg12[%dma_wait3A_260, %dma_wait3A_261, %dma_wait3A_262] : memref<5x128x128xf32, #tpu.memory_space<vmem>> -> memref<1x128x128xf32, #tpu.memory_space<vmem>>
    %dma_wait3A_264 = tpu.memref_squeeze %dma_wait3A_263 : memref<1x128x128xf32, #tpu.memory_space<vmem>> -> memref<128x128xf32, #tpu.memory_space<vmem>>
    %dma_wait3A_265 = arith.constant 0 : i32
    %dma_wait3A_266 = tpu.memref_slice %arg9[%mul3A_6, %dma_wait3A_265] : memref<65536x128xf32, #tpu.memory_space<hbm>> -> memref<128x128xf32, #tpu.memory_space<hbm>>
    %dma_wait3A_267 = arith.constant 0 : i32
    %dma_wait3A_268 = tpu.memref_slice %arg9[%mul3A_6, %dma_wait3A_267] : memref<65536x128xf32, #tpu.memory_space<hbm>> -> memref<128x128xf32, #tpu.memory_space<hbm>>
    %dma_wait3A_269 = arith.constant 0 : i32
    %dma_wait3A_270 = arith.constant 0 : i32
    %dma_wait3A_271 = tpu.memref_slice %arg12[%dma_wait3A_260, %dma_wait3A_269, %dma_wait3A_270] : memref<5x128x128xf32, #tpu.memory_space<vmem>> -> memref<1x128x128xf32, #tpu.memory_space<vmem>>
    %dma_wait3A_272 = tpu.memref_squeeze %dma_wait3A_271 : memref<1x128x128xf32, #tpu.memory_space<vmem>> -> memref<128x128xf32, #tpu.memory_space<vmem>>
    tpu.wait_dma2 semaphore(%arg15 : memref<!tpu.dma_semaphore, #tpu.memory_space<semaphore_mem>>) src(%dma_wait3A_272 : memref<128x128xf32, #tpu.memory_space<vmem>>) dst(%dma_wait3A_268 : memref<128x128xf32, #tpu.memory_space<hbm>>)
    %dma_wait3A_273 = arith.constant 0 : i32
    %dma_wait3A_274 = arith.constant 0 : i32
    %dma_wait3A_275 = arith.constant 0 : i32
    %dma_wait3A_276 = tpu.memref_slice %arg12[%dma_wait3A_273, %dma_wait3A_274, %dma_wait3A_275] : memref<5x128x128xf32, #tpu.memory_space<vmem>> -> memref<1x128x128xf32, #tpu.memory_space<vmem>>
    %dma_wait3A_277 = tpu.memref_squeeze %dma_wait3A_276 : memref<1x128x128xf32, #tpu.memory_space<vmem>> -> memref<128x128xf32, #tpu.memory_space<vmem>>
    %dma_wait3A_278 = arith.constant 0 : i32
    %dma_wait3A_279 = tpu.memref_slice %arg9[%mul3A_6, %dma_wait3A_278] : memref<65536x128xf32, #tpu.memory_space<hbm>> -> memref<128x128xf32, #tpu.memory_space<hbm>>
    %dma_wait3A_280 = arith.constant 0 : i32
    %dma_wait3A_281 = tpu.memref_slice %arg9[%mul3A_6, %dma_wait3A_280] : memref<65536x128xf32, #tpu.memory_space<hbm>> -> memref<128x128xf32, #tpu.memory_space<hbm>>
    %dma_wait3A_282 = arith.constant 0 : i32
    %dma_wait3A_283 = arith.constant 0 : i32
    %dma_wait3A_284 = tpu.memref_slice %arg12[%dma_wait3A_273, %dma_wait3A_282, %dma_wait3A_283] : memref<5x128x128xf32, #tpu.memory_space<vmem>> -> memref<1x128x128xf32, #tpu.memory_space<vmem>>
    %dma_wait3A_285 = tpu.memref_squeeze %dma_wait3A_284 : memref<1x128x128xf32, #tpu.memory_space<vmem>> -> memref<128x128xf32, #tpu.memory_space<vmem>>
    tpu.wait_dma2 semaphore(%arg15 : memref<!tpu.dma_semaphore, #tpu.memory_space<semaphore_mem>>) src(%dma_wait3A_285 : memref<128x128xf32, #tpu.memory_space<vmem>>) dst(%dma_wait3A_281 : memref<128x128xf32, #tpu.memory_space<hbm>>)
    %dma_wait3A_286 = arith.constant 0 : i32
    %dma_wait3A_287 = arith.constant 0 : i32
    %dma_wait3A_288 = arith.constant 0 : i32
    %dma_wait3A_289 = tpu.memref_slice %arg12[%dma_wait3A_286, %dma_wait3A_287, %dma_wait3A_288] : memref<5x128x128xf32, #tpu.memory_space<vmem>> -> memref<1x128x128xf32, #tpu.memory_space<vmem>>
    %dma_wait3A_290 = tpu.memref_squeeze %dma_wait3A_289 : memref<1x128x128xf32, #tpu.memory_space<vmem>> -> memref<128x128xf32, #tpu.memory_space<vmem>>
    %dma_wait3A_291 = arith.constant 0 : i32
    %dma_wait3A_292 = tpu.memref_slice %arg9[%mul3A_6, %dma_wait3A_291] : memref<65536x128xf32, #tpu.memory_space<hbm>> -> memref<128x128xf32, #tpu.memory_space<hbm>>
    %dma_wait3A_293 = arith.constant 0 : i32
    %dma_wait3A_294 = tpu.memref_slice %arg9[%mul3A_6, %dma_wait3A_293] : memref<65536x128xf32, #tpu.memory_space<hbm>> -> memref<128x128xf32, #tpu.memory_space<hbm>>
    %dma_wait3A_295 = arith.constant 0 : i32
    %dma_wait3A_296 = arith.constant 0 : i32
    %dma_wait3A_297 = tpu.memref_slice %arg12[%dma_wait3A_286, %dma_wait3A_295, %dma_wait3A_296] : memref<5x128x128xf32, #tpu.memory_space<vmem>> -> memref<1x128x128xf32, #tpu.memory_space<vmem>>
    %dma_wait3A_298 = tpu.memref_squeeze %dma_wait3A_297 : memref<1x128x128xf32, #tpu.memory_space<vmem>> -> memref<128x128xf32, #tpu.memory_space<vmem>>
    tpu.wait_dma2 semaphore(%arg15 : memref<!tpu.dma_semaphore, #tpu.memory_space<semaphore_mem>>) src(%dma_wait3A_298 : memref<128x128xf32, #tpu.memory_space<vmem>>) dst(%dma_wait3A_294 : memref<128x128xf32, #tpu.memory_space<hbm>>)
    %dma_wait3A_299 = arith.constant 0 : i32
    %dma_wait3A_300 = arith.constant 0 : i32
    %dma_wait3A_301 = arith.constant 0 : i32
    %dma_wait3A_302 = tpu.memref_slice %arg12[%dma_wait3A_299, %dma_wait3A_300, %dma_wait3A_301] : memref<5x128x128xf32, #tpu.memory_space<vmem>> -> memref<1x128x128xf32, #tpu.memory_space<vmem>>
    %dma_wait3A_303 = tpu.memref_squeeze %dma_wait3A_302 : memref<1x128x128xf32, #tpu.memory_space<vmem>> -> memref<128x128xf32, #tpu.memory_space<vmem>>
    %dma_wait3A_304 = arith.constant 0 : i32
    %dma_wait3A_305 = tpu.memref_slice %arg9[%mul3A_6, %dma_wait3A_304] : memref<65536x128xf32, #tpu.memory_space<hbm>> -> memref<128x128xf32, #tpu.memory_space<hbm>>
    %dma_wait3A_306 = arith.constant 0 : i32
    %dma_wait3A_307 = tpu.memref_slice %arg9[%mul3A_6, %dma_wait3A_306] : memref<65536x128xf32, #tpu.memory_space<hbm>> -> memref<128x128xf32, #tpu.memory_space<hbm>>
    %dma_wait3A_308 = arith.constant 0 : i32
    %dma_wait3A_309 = arith.constant 0 : i32
    %dma_wait3A_310 = tpu.memref_slice %arg12[%dma_wait3A_299, %dma_wait3A_308, %dma_wait3A_309] : memref<5x128x128xf32, #tpu.memory_space<vmem>> -> memref<1x128x128xf32, #tpu.memory_space<vmem>>
    %dma_wait3A_311 = tpu.memref_squeeze %dma_wait3A_310 : memref<1x128x128xf32, #tpu.memory_space<vmem>> -> memref<128x128xf32, #tpu.memory_space<vmem>>
    tpu.wait_dma2 semaphore(%arg15 : memref<!tpu.dma_semaphore, #tpu.memory_space<semaphore_mem>>) src(%dma_wait3A_311 : memref<128x128xf32, #tpu.memory_space<vmem>>) dst(%dma_wait3A_307 : memref<128x128xf32, #tpu.memory_space<hbm>>)
    %dma_wait3A_312 = arith.constant 0 : i32
    %dma_wait3A_313 = arith.constant 0 : i32
    %dma_wait3A_314 = arith.constant 0 : i32
    %dma_wait3A_315 = tpu.memref_slice %arg12[%dma_wait3A_312, %dma_wait3A_313, %dma_wait3A_314] : memref<5x128x128xf32, #tpu.memory_space<vmem>> -> memref<1x128x128xf32, #tpu.memory_space<vmem>>
    %dma_wait3A_316 = tpu.memref_squeeze %dma_wait3A_315 : memref<1x128x128xf32, #tpu.memory_space<vmem>> -> memref<128x128xf32, #tpu.memory_space<vmem>>
    %dma_wait3A_317 = arith.constant 0 : i32
    %dma_wait3A_318 = tpu.memref_slice %arg9[%mul3A_6, %dma_wait3A_317] : memref<65536x128xf32, #tpu.memory_space<hbm>> -> memref<128x128xf32, #tpu.memory_space<hbm>>
    %dma_wait3A_319 = arith.constant 0 : i32
    %dma_wait3A_320 = tpu.memref_slice %arg9[%mul3A_6, %dma_wait3A_319] : memref<65536x128xf32, #tpu.memory_space<hbm>> -> memref<128x128xf32, #tpu.memory_space<hbm>>
    %dma_wait3A_321 = arith.constant 0 : i32
    %dma_wait3A_322 = arith.constant 0 : i32
    %dma_wait3A_323 = tpu.memref_slice %arg12[%dma_wait3A_312, %dma_wait3A_321, %dma_wait3A_322] : memref<5x128x128xf32, #tpu.memory_space<vmem>> -> memref<1x128x128xf32, #tpu.memory_space<vmem>>
    %dma_wait3A_324 = tpu.memref_squeeze %dma_wait3A_323 : memref<1x128x128xf32, #tpu.memory_space<vmem>> -> memref<128x128xf32, #tpu.memory_space<vmem>>
    tpu.wait_dma2 semaphore(%arg15 : memref<!tpu.dma_semaphore, #tpu.memory_space<semaphore_mem>>) src(%dma_wait3A_324 : memref<128x128xf32, #tpu.memory_space<vmem>>) dst(%dma_wait3A_320 : memref<128x128xf32, #tpu.memory_space<hbm>>)
    "tpu.region"() ({
      %run_scoped3A = tpu.sem_alloc : memref<!tpu.dma_semaphore, #tpu.memory_space<semaphore_mem>>
      %dma_start3A_432 = arith.constant 0 : i32
      %dma_start3A_433 = tpu.memref_slice %arg6[%mul3A_4, %dma_start3A_432] : memref<512x128xi32, #tpu.memory_space<hbm>> -> memref<16x128xi32, #tpu.memory_space<hbm>>
      %dma_start3A_434 = arith.constant 0 : i32
      %dma_start3A_435 = tpu.memref_slice %arg6[%mul3A_4, %dma_start3A_434] : memref<512x128xi32, #tpu.memory_space<hbm>> -> memref<16x128xi32, #tpu.memory_space<hbm>>
      tpu.enqueue_dma source(%dma_start3A_435 : memref<16x128xi32, #tpu.memory_space<hbm>>) target(%arg11 : memref<16x128xi32, #tpu.memory_space<vmem>>) target_semaphore(%run_scoped3A : memref<!tpu.dma_semaphore, #tpu.memory_space<semaphore_mem>>)
      %dma_wait3A_436 = arith.constant 0 : i32
      %dma_wait3A_437 = tpu.memref_slice %arg6[%mul3A_4, %dma_wait3A_436] : memref<512x128xi32, #tpu.memory_space<hbm>> -> memref<16x128xi32, #tpu.memory_space<hbm>>
      %dma_wait3A_438 = arith.constant 0 : i32
      %dma_wait3A_439 = tpu.memref_slice %arg6[%mul3A_4, %dma_wait3A_438] : memref<512x128xi32, #tpu.memory_space<hbm>> -> memref<16x128xi32, #tpu.memory_space<hbm>>
      tpu.wait_dma2 semaphore(%run_scoped3A : memref<!tpu.dma_semaphore, #tpu.memory_space<semaphore_mem>>) src(%dma_wait3A_439 : memref<16x128xi32, #tpu.memory_space<hbm>>) dst(%arg11 : memref<16x128xi32, #tpu.memory_space<vmem>>)
      tpu.yield
    }) : () -> ()
    %dma_start3A_325 = arith.constant 0 : i32
    %dma_start3A_326 = arith.constant 0 : i32
    %dma_start3A_327 = arith.constant 0 : i32
    %dma_start3A_328 = arith.constant 0 : i32
    %dma_start3A_329 = tpu.memref_slice %arg12[%dma_start3A_326, %dma_start3A_327, %dma_start3A_328] : memref<5x128x128xf32, #tpu.memory_space<vmem>> -> memref<1x128x128xf32, #tpu.memory_space<vmem>>
    %dma_start3A_330 = tpu.memref_squeeze %dma_start3A_329 : memref<1x128x128xf32, #tpu.memory_space<vmem>> -> memref<128x128xf32, #tpu.memory_space<vmem>>
    %dma_start3A_331 = arith.constant 0 : i32
    %dma_start3A_332 = tpu.memref_slice %arg11[%dma_start3A_325, %dma_start3A_331] : memref<16x128xi32, #tpu.memory_space<vmem>> -> memref<1x128xi32, #tpu.memory_space<vmem>>
    %dma_start3A_333 = tpu.memref_squeeze %dma_start3A_332 : memref<1x128xi32, #tpu.memory_space<vmem>> -> memref<128xi32, #tpu.memory_space<vmem>>
    %dma_start3A_334 = arith.constant 0 : i32
    %dma_start3A_335 = arith.constant 0 : i32
    %dma_start3A_336 = tpu.memref_slice %arg13[%dma_start3A_334, %dma_start3A_335] : memref<4096x128xf32, #tpu.memory_space<vmem_shared>> -> memref<4096x128xf32, #tpu.memory_space<vmem_shared>>
    tpu.enqueue_indirect_dma source(%dma_start3A_336 : memref<4096x128xf32, #tpu.memory_space<vmem_shared>>) target(%dma_start3A_330 : memref<128x128xf32, #tpu.memory_space<vmem>>) offsets(%dma_start3A_333 : memref<128xi32, #tpu.memory_space<vmem>>) semaphore(%arg14 : memref<!tpu.dma_semaphore, #tpu.memory_space<semaphore_mem>>)
    %dma_start3A_337 = arith.constant 1 : i32
    %dma_start3A_338 = arith.constant 1 : i32
    %dma_start3A_339 = arith.constant 0 : i32
    %dma_start3A_340 = arith.constant 0 : i32
    %dma_start3A_341 = tpu.memref_slice %arg12[%dma_start3A_338, %dma_start3A_339, %dma_start3A_340] : memref<5x128x128xf32, #tpu.memory_space<vmem>> -> memref<1x128x128xf32, #tpu.memory_space<vmem>>
    %dma_start3A_342 = tpu.memref_squeeze %dma_start3A_341 : memref<1x128x128xf32, #tpu.memory_space<vmem>> -> memref<128x128xf32, #tpu.memory_space<vmem>>
    %dma_start3A_343 = arith.constant 0 : i32
    %dma_start3A_344 = tpu.memref_slice %arg11[%dma_start3A_337, %dma_start3A_343] : memref<16x128xi32, #tpu.memory_space<vmem>> -> memref<1x128xi32, #tpu.memory_space<vmem>>
    %dma_start3A_345 = tpu.memref_squeeze %dma_start3A_344 : memref<1x128xi32, #tpu.memory_space<vmem>> -> memref<128xi32, #tpu.memory_space<vmem>>
    %dma_start3A_346 = arith.constant 0 : i32
    %dma_start3A_347 = arith.constant 0 : i32
    %dma_start3A_348 = tpu.memref_slice %arg13[%dma_start3A_346, %dma_start3A_347] : memref<4096x128xf32, #tpu.memory_space<vmem_shared>> -> memref<4096x128xf32, #tpu.memory_space<vmem_shared>>
    tpu.enqueue_indirect_dma source(%dma_start3A_348 : memref<4096x128xf32, #tpu.memory_space<vmem_shared>>) target(%dma_start3A_342 : memref<128x128xf32, #tpu.memory_space<vmem>>) offsets(%dma_start3A_345 : memref<128xi32, #tpu.memory_space<vmem>>) semaphore(%arg14 : memref<!tpu.dma_semaphore, #tpu.memory_space<semaphore_mem>>)
    %dma_start3A_349 = arith.constant 2 : i32
    %dma_start3A_350 = arith.constant 2 : i32
    %dma_start3A_351 = arith.constant 0 : i32
    %dma_start3A_352 = arith.constant 0 : i32
    %dma_start3A_353 = tpu.memref_slice %arg12[%dma_start3A_350, %dma_start3A_351, %dma_start3A_352] : memref<5x128x128xf32, #tpu.memory_space<vmem>> -> memref<1x128x128xf32, #tpu.memory_space<vmem>>
    %dma_start3A_354 = tpu.memref_squeeze %dma_start3A_353 : memref<1x128x128xf32, #tpu.memory_space<vmem>> -> memref<128x128xf32, #tpu.memory_space<vmem>>
    %dma_start3A_355 = arith.constant 0 : i32
    %dma_start3A_356 = tpu.memref_slice %arg11[%dma_start3A_349, %dma_start3A_355] : memref<16x128xi32, #tpu.memory_space<vmem>> -> memref<1x128xi32, #tpu.memory_space<vmem>>
    %dma_start3A_357 = tpu.memref_squeeze %dma_start3A_356 : memref<1x128xi32, #tpu.memory_space<vmem>> -> memref<128xi32, #tpu.memory_space<vmem>>
    %dma_start3A_358 = arith.constant 0 : i32
    %dma_start3A_359 = arith.constant 0 : i32
    %dma_start3A_360 = tpu.memref_slice %arg13[%dma_start3A_358, %dma_start3A_359] : memref<4096x128xf32, #tpu.memory_space<vmem_shared>> -> memref<4096x128xf32, #tpu.memory_space<vmem_shared>>
    tpu.enqueue_indirect_dma source(%dma_start3A_360 : memref<4096x128xf32, #tpu.memory_space<vmem_shared>>) target(%dma_start3A_354 : memref<128x128xf32, #tpu.memory_space<vmem>>) offsets(%dma_start3A_357 : memref<128xi32, #tpu.memory_space<vmem>>) semaphore(%arg14 : memref<!tpu.dma_semaphore, #tpu.memory_space<semaphore_mem>>)
    %scan3A_361 = arith.constant 0 : i32
    %scan3A_362 = arith.constant 0 : i32
    %scan3A_363 = arith.constant 16 : i32
    %scan3A_364 = arith.addi %scan3A_362, %scan3A_363 : i32
    %scan3A_365 = arith.constant 1 : i32
    scf.for %scan3A_432 = %scan3A_362 to %scan3A_364 step %scan3A_365  : i32 {
      %rem3A = arith.constant 5 : i32
      %rem3A_433 = arith.remsi %scan3A_432, %rem3A : i32
      %dma_wait3A_434 = arith.constant 0 : i32
      %dma_wait3A_435 = arith.constant 0 : i32
      %dma_wait3A_436 = tpu.memref_slice %arg12[%rem3A_433, %dma_wait3A_434, %dma_wait3A_435] : memref<5x128x128xf32, #tpu.memory_space<vmem>> -> memref<1x128x128xf32, #tpu.memory_space<vmem>>
      %dma_wait3A_437 = tpu.memref_squeeze %dma_wait3A_436 : memref<1x128x128xf32, #tpu.memory_space<vmem>> -> memref<128x128xf32, #tpu.memory_space<vmem>>
      %dma_wait3A_438 = arith.constant 0 : i32
      %dma_wait3A_439 = tpu.memref_slice %arg11[%scan3A_432, %dma_wait3A_438] : memref<16x128xi32, #tpu.memory_space<vmem>> -> memref<1x128xi32, #tpu.memory_space<vmem>>
      %dma_wait3A_440 = tpu.memref_squeeze %dma_wait3A_439 : memref<1x128xi32, #tpu.memory_space<vmem>> -> memref<128xi32, #tpu.memory_space<vmem>>
      %dma_wait3A_441 = arith.constant 0 : i32
      %dma_wait3A_442 = arith.constant 0 : i32
      %dma_wait3A_443 = tpu.memref_slice %arg13[%dma_wait3A_441, %dma_wait3A_442] : memref<4096x128xf32, #tpu.memory_space<vmem_shared>> -> memref<4096x128xf32, #tpu.memory_space<vmem_shared>>
      tpu.wait_indirect_dma semaphore(%arg14 : memref<!tpu.dma_semaphore, #tpu.memory_space<semaphore_mem>>) src(%dma_wait3A_443 : memref<4096x128xf32, #tpu.memory_space<vmem_shared>>) dst(%dma_wait3A_437 : memref<128x128xf32, #tpu.memory_space<vmem>>)
      %mul3A_444 = arith.constant 128 : i32
      %mul3A_445 = arith.muli %scan3A_432, %mul3A_444 : i32
      %add3A_446 = arith.addi %mul3A_6, %mul3A_445 : i32
      %dma_start3A_447 = arith.constant 0 : i32
      %dma_start3A_448 = arith.constant 0 : i32
      %dma_start3A_449 = tpu.memref_slice %arg12[%rem3A_433, %dma_start3A_447, %dma_start3A_448] : memref<5x128x128xf32, #tpu.memory_space<vmem>> -> memref<1x128x128xf32, #tpu.memory_space<vmem>>
      %dma_start3A_450 = tpu.memref_squeeze %dma_start3A_449 : memref<1x128x128xf32, #tpu.memory_space<vmem>> -> memref<128x128xf32, #tpu.memory_space<vmem>>
      %dma_start3A_451 = arith.constant 0 : i32
      %dma_start3A_452 = tpu.memref_slice %arg10[%add3A_446, %dma_start3A_451] : memref<65536x128xf32, #tpu.memory_space<hbm>> -> memref<128x128xf32, #tpu.memory_space<hbm>>
      %dma_start3A_453 = arith.constant 0 : i32
      %dma_start3A_454 = tpu.memref_slice %arg10[%add3A_446, %dma_start3A_453] : memref<65536x128xf32, #tpu.memory_space<hbm>> -> memref<128x128xf32, #tpu.memory_space<hbm>>
      %dma_start3A_455 = arith.constant 0 : i32
      %dma_start3A_456 = arith.constant 0 : i32
      %dma_start3A_457 = tpu.memref_slice %arg12[%rem3A_433, %dma_start3A_455, %dma_start3A_456] : memref<5x128x128xf32, #tpu.memory_space<vmem>> -> memref<1x128x128xf32, #tpu.memory_space<vmem>>
      %dma_start3A_458 = tpu.memref_squeeze %dma_start3A_457 : memref<1x128x128xf32, #tpu.memory_space<vmem>> -> memref<128x128xf32, #tpu.memory_space<vmem>>
      tpu.enqueue_dma source(%dma_start3A_458 : memref<128x128xf32, #tpu.memory_space<vmem>>) target(%dma_start3A_454 : memref<128x128xf32, #tpu.memory_space<hbm>>) target_semaphore(%arg15 : memref<!tpu.dma_semaphore, #tpu.memory_space<semaphore_mem>>)
      %add3A_459 = arith.constant 3 : i32
      %add3A_460 = arith.addi %scan3A_432, %add3A_459 : i32
      %lt3A = arith.constant 16 : i32
      %lt3A_461 = arith.cmpi slt, %add3A_460, %lt3A : i32
      %convert_element_type3A_462 = arith.extui %lt3A_461 : i1 to i32
      %cond3A_463 = arith.constant 0 : i32
      %cond3A_464 = arith.cmpi ne, %convert_element_type3A_462, %cond3A_463 : i32
      scf.if %cond3A_464 {
        %add3A_465 = arith.constant 3 : i32
        %add3A_466 = arith.addi %scan3A_432, %add3A_465 : i32
        %rem3A_467 = arith.constant 5 : i32
        %rem3A_468 = arith.remsi %add3A_466, %rem3A_467 : i32
        %ge3A = arith.constant 2 : i32
        %ge3A_469 = arith.cmpi sge, %scan3A_432, %ge3A : i32
        %convert_element_type3A_470 = arith.extui %ge3A_469 : i1 to i32
        %cond3A_471 = arith.constant 0 : i32
        %cond3A_472 = arith.cmpi ne, %convert_element_type3A_470, %cond3A_471 : i32
        scf.if %cond3A_472 {
          %dma_wait3A_485 = arith.constant 0 : i32
          %dma_wait3A_486 = arith.constant 0 : i32
          %dma_wait3A_487 = tpu.memref_slice %arg12[%rem3A_468, %dma_wait3A_485, %dma_wait3A_486] : memref<5x128x128xf32, #tpu.memory_space<vmem>> -> memref<1x128x128xf32, #tpu.memory_space<vmem>>
          %dma_wait3A_488 = tpu.memref_squeeze %dma_wait3A_487 : memref<1x128x128xf32, #tpu.memory_space<vmem>> -> memref<128x128xf32, #tpu.memory_space<vmem>>
          %dma_wait3A_489 = arith.constant 0 : i32
          %dma_wait3A_490 = tpu.memref_slice %arg10[%mul3A_6, %dma_wait3A_489] : memref<65536x128xf32, #tpu.memory_space<hbm>> -> memref<128x128xf32, #tpu.memory_space<hbm>>
          %dma_wait3A_491 = arith.constant 0 : i32
          %dma_wait3A_492 = tpu.memref_slice %arg10[%mul3A_6, %dma_wait3A_491] : memref<65536x128xf32, #tpu.memory_space<hbm>> -> memref<128x128xf32, #tpu.memory_space<hbm>>
          %dma_wait3A_493 = arith.constant 0 : i32
          %dma_wait3A_494 = arith.constant 0 : i32
          %dma_wait3A_495 = tpu.memref_slice %arg12[%rem3A_468, %dma_wait3A_493, %dma_wait3A_494] : memref<5x128x128xf32, #tpu.memory_space<vmem>> -> memref<1x128x128xf32, #tpu.memory_space<vmem>>
          %dma_wait3A_496 = tpu.memref_squeeze %dma_wait3A_495 : memref<1x128x128xf32, #tpu.memory_space<vmem>> -> memref<128x128xf32, #tpu.memory_space<vmem>>
          tpu.wait_dma2 semaphore(%arg15 : memref<!tpu.dma_semaphore, #tpu.memory_space<semaphore_mem>>) src(%dma_wait3A_496 : memref<128x128xf32, #tpu.memory_space<vmem>>) dst(%dma_wait3A_492 : memref<128x128xf32, #tpu.memory_space<hbm>>)
        } else {
        }
        %add3A_473 = arith.constant 3 : i32
        %add3A_474 = arith.addi %scan3A_432, %add3A_473 : i32
        %dma_start3A_475 = arith.constant 0 : i32
        %dma_start3A_476 = arith.constant 0 : i32
        %dma_start3A_477 = tpu.memref_slice %arg12[%rem3A_468, %dma_start3A_475, %dma_start3A_476] : memref<5x128x128xf32, #tpu.memory_space<vmem>> -> memref<1x128x128xf32, #tpu.memory_space<vmem>>
        %dma_start3A_478 = tpu.memref_squeeze %dma_start3A_477 : memref<1x128x128xf32, #tpu.memory_space<vmem>> -> memref<128x128xf32, #tpu.memory_space<vmem>>
        %dma_start3A_479 = arith.constant 0 : i32
        %dma_start3A_480 = tpu.memref_slice %arg11[%add3A_474, %dma_start3A_479] : memref<16x128xi32, #tpu.memory_space<vmem>> -> memref<1x128xi32, #tpu.memory_space<vmem>>
        %dma_start3A_481 = tpu.memref_squeeze %dma_start3A_480 : memref<1x128xi32, #tpu.memory_space<vmem>> -> memref<128xi32, #tpu.memory_space<vmem>>
        %dma_start3A_482 = arith.constant 0 : i32
        %dma_start3A_483 = arith.constant 0 : i32
        %dma_start3A_484 = tpu.memref_slice %arg13[%dma_start3A_482, %dma_start3A_483] : memref<4096x128xf32, #tpu.memory_space<vmem_shared>> -> memref<4096x128xf32, #tpu.memory_space<vmem_shared>>
        tpu.enqueue_indirect_dma source(%dma_start3A_484 : memref<4096x128xf32, #tpu.memory_space<vmem_shared>>) target(%dma_start3A_478 : memref<128x128xf32, #tpu.memory_space<vmem>>) offsets(%dma_start3A_481 : memref<128xi32, #tpu.memory_space<vmem>>) semaphore(%arg14 : memref<!tpu.dma_semaphore, #tpu.memory_space<semaphore_mem>>)
      } else {
      }
    }
    %scan3A_366 = arith.constant 16 : i32
    %dma_wait3A_367 = arith.constant 0 : i32
    %dma_wait3A_368 = arith.constant 0 : i32
    %dma_wait3A_369 = arith.constant 0 : i32
    %dma_wait3A_370 = tpu.memref_slice %arg12[%dma_wait3A_367, %dma_wait3A_368, %dma_wait3A_369] : memref<5x128x128xf32, #tpu.memory_space<vmem>> -> memref<1x128x128xf32, #tpu.memory_space<vmem>>
    %dma_wait3A_371 = tpu.memref_squeeze %dma_wait3A_370 : memref<1x128x128xf32, #tpu.memory_space<vmem>> -> memref<128x128xf32, #tpu.memory_space<vmem>>
    %dma_wait3A_372 = arith.constant 0 : i32
    %dma_wait3A_373 = tpu.memref_slice %arg10[%mul3A_6, %dma_wait3A_372] : memref<65536x128xf32, #tpu.memory_space<hbm>> -> memref<128x128xf32, #tpu.memory_space<hbm>>
    %dma_wait3A_374 = arith.constant 0 : i32
    %dma_wait3A_375 = tpu.memref_slice %arg10[%mul3A_6, %dma_wait3A_374] : memref<65536x128xf32, #tpu.memory_space<hbm>> -> memref<128x128xf32, #tpu.memory_space<hbm>>
    %dma_wait3A_376 = arith.constant 0 : i32
    %dma_wait3A_377 = arith.constant 0 : i32
    %dma_wait3A_378 = tpu.memref_slice %arg12[%dma_wait3A_367, %dma_wait3A_376, %dma_wait3A_377] : memref<5x128x128xf32, #tpu.memory_space<vmem>> -> memref<1x128x128xf32, #tpu.memory_space<vmem>>
    %dma_wait3A_379 = tpu.memref_squeeze %dma_wait3A_378 : memref<1x128x128xf32, #tpu.memory_space<vmem>> -> memref<128x128xf32, #tpu.memory_space<vmem>>
    tpu.wait_dma2 semaphore(%arg15 : memref<!tpu.dma_semaphore, #tpu.memory_space<semaphore_mem>>) src(%dma_wait3A_379 : memref<128x128xf32, #tpu.memory_space<vmem>>) dst(%dma_wait3A_375 : memref<128x128xf32, #tpu.memory_space<hbm>>)
    %dma_wait3A_380 = arith.constant 0 : i32
    %dma_wait3A_381 = arith.constant 0 : i32
    %dma_wait3A_382 = arith.constant 0 : i32
    %dma_wait3A_383 = tpu.memref_slice %arg12[%dma_wait3A_380, %dma_wait3A_381, %dma_wait3A_382] : memref<5x128x128xf32, #tpu.memory_space<vmem>> -> memref<1x128x128xf32, #tpu.memory_space<vmem>>
    %dma_wait3A_384 = tpu.memref_squeeze %dma_wait3A_383 : memref<1x128x128xf32, #tpu.memory_space<vmem>> -> memref<128x128xf32, #tpu.memory_space<vmem>>
    %dma_wait3A_385 = arith.constant 0 : i32
    %dma_wait3A_386 = tpu.memref_slice %arg10[%mul3A_6, %dma_wait3A_385] : memref<65536x128xf32, #tpu.memory_space<hbm>> -> memref<128x128xf32, #tpu.memory_space<hbm>>
    %dma_wait3A_387 = arith.constant 0 : i32
    %dma_wait3A_388 = tpu.memref_slice %arg10[%mul3A_6, %dma_wait3A_387] : memref<65536x128xf32, #tpu.memory_space<hbm>> -> memref<128x128xf32, #tpu.memory_space<hbm>>
    %dma_wait3A_389 = arith.constant 0 : i32
    %dma_wait3A_390 = arith.constant 0 : i32
    %dma_wait3A_391 = tpu.memref_slice %arg12[%dma_wait3A_380, %dma_wait3A_389, %dma_wait3A_390] : memref<5x128x128xf32, #tpu.memory_space<vmem>> -> memref<1x128x128xf32, #tpu.memory_space<vmem>>
    %dma_wait3A_392 = tpu.memref_squeeze %dma_wait3A_391 : memref<1x128x128xf32, #tpu.memory_space<vmem>> -> memref<128x128xf32, #tpu.memory_space<vmem>>
    tpu.wait_dma2 semaphore(%arg15 : memref<!tpu.dma_semaphore, #tpu.memory_space<semaphore_mem>>) src(%dma_wait3A_392 : memref<128x128xf32, #tpu.memory_space<vmem>>) dst(%dma_wait3A_388 : memref<128x128xf32, #tpu.memory_space<hbm>>)
    %dma_wait3A_393 = arith.constant 0 : i32
    %dma_wait3A_394 = arith.constant 0 : i32
    %dma_wait3A_395 = arith.constant 0 : i32
    %dma_wait3A_396 = tpu.memref_slice %arg12[%dma_wait3A_393, %dma_wait3A_394, %dma_wait3A_395] : memref<5x128x128xf32, #tpu.memory_space<vmem>> -> memref<1x128x128xf32, #tpu.memory_space<vmem>>
    %dma_wait3A_397 = tpu.memref_squeeze %dma_wait3A_396 : memref<1x128x128xf32, #tpu.memory_space<vmem>> -> memref<128x128xf32, #tpu.memory_space<vmem>>
    %dma_wait3A_398 = arith.constant 0 : i32
    %dma_wait3A_399 = tpu.memref_slice %arg10[%mul3A_6, %dma_wait3A_398] : memref<65536x128xf32, #tpu.memory_space<hbm>> -> memref<128x128xf32, #tpu.memory_space<hbm>>
    %dma_wait3A_400 = arith.constant 0 : i32
    %dma_wait3A_401 = tpu.memref_slice %arg10[%mul3A_6, %dma_wait3A_400] : memref<65536x128xf32, #tpu.memory_space<hbm>> -> memref<128x128xf32, #tpu.memory_space<hbm>>
    %dma_wait3A_402 = arith.constant 0 : i32
    %dma_wait3A_403 = arith.constant 0 : i32
    %dma_wait3A_404 = tpu.memref_slice %arg12[%dma_wait3A_393, %dma_wait3A_402, %dma_wait3A_403] : memref<5x128x128xf32, #tpu.memory_space<vmem>> -> memref<1x128x128xf32, #tpu.memory_space<vmem>>
    %dma_wait3A_405 = tpu.memref_squeeze %dma_wait3A_404 : memref<1x128x128xf32, #tpu.memory_space<vmem>> -> memref<128x128xf32, #tpu.memory_space<vmem>>
    tpu.wait_dma2 semaphore(%arg15 : memref<!tpu.dma_semaphore, #tpu.memory_space<semaphore_mem>>) src(%dma_wait3A_405 : memref<128x128xf32, #tpu.memory_space<vmem>>) dst(%dma_wait3A_401 : memref<128x128xf32, #tpu.memory_space<hbm>>)
    %dma_wait3A_406 = arith.constant 0 : i32
    %dma_wait3A_407 = arith.constant 0 : i32
    %dma_wait3A_408 = arith.constant 0 : i32
    %dma_wait3A_409 = tpu.memref_slice %arg12[%dma_wait3A_406, %dma_wait3A_407, %dma_wait3A_408] : memref<5x128x128xf32, #tpu.memory_space<vmem>> -> memref<1x128x128xf32, #tpu.memory_space<vmem>>
    %dma_wait3A_410 = tpu.memref_squeeze %dma_wait3A_409 : memref<1x128x128xf32, #tpu.memory_space<vmem>> -> memref<128x128xf32, #tpu.memory_space<vmem>>
    %dma_wait3A_411 = arith.constant 0 : i32
    %dma_wait3A_412 = tpu.memref_slice %arg10[%mul3A_6, %dma_wait3A_411] : memref<65536x128xf32, #tpu.memory_space<hbm>> -> memref<128x128xf32, #tpu.memory_space<hbm>>
    %dma_wait3A_413 = arith.constant 0 : i32
    %dma_wait3A_414 = tpu.memref_slice %arg10[%mul3A_6, %dma_wait3A_413] : memref<65536x128xf32, #tpu.memory_space<hbm>> -> memref<128x128xf32, #tpu.memory_space<hbm>>
    %dma_wait3A_415 = arith.constant 0 : i32
    %dma_wait3A_416 = arith.constant 0 : i32
    %dma_wait3A_417 = tpu.memref_slice %arg12[%dma_wait3A_406, %dma_wait3A_415, %dma_wait3A_416] : memref<5x128x128xf32, #tpu.memory_space<vmem>> -> memref<1x128x128xf32, #tpu.memory_space<vmem>>
    %dma_wait3A_418 = tpu.memref_squeeze %dma_wait3A_417 : memref<1x128x128xf32, #tpu.memory_space<vmem>> -> memref<128x128xf32, #tpu.memory_space<vmem>>
    tpu.wait_dma2 semaphore(%arg15 : memref<!tpu.dma_semaphore, #tpu.memory_space<semaphore_mem>>) src(%dma_wait3A_418 : memref<128x128xf32, #tpu.memory_space<vmem>>) dst(%dma_wait3A_414 : memref<128x128xf32, #tpu.memory_space<hbm>>)
    %dma_wait3A_419 = arith.constant 0 : i32
    %dma_wait3A_420 = arith.constant 0 : i32
    %dma_wait3A_421 = arith.constant 0 : i32
    %dma_wait3A_422 = tpu.memref_slice %arg12[%dma_wait3A_419, %dma_wait3A_420, %dma_wait3A_421] : memref<5x128x128xf32, #tpu.memory_space<vmem>> -> memref<1x128x128xf32, #tpu.memory_space<vmem>>
    %dma_wait3A_423 = tpu.memref_squeeze %dma_wait3A_422 : memref<1x128x128xf32, #tpu.memory_space<vmem>> -> memref<128x128xf32, #tpu.memory_space<vmem>>
    %dma_wait3A_424 = arith.constant 0 : i32
    %dma_wait3A_425 = tpu.memref_slice %arg10[%mul3A_6, %dma_wait3A_424] : memref<65536x128xf32, #tpu.memory_space<hbm>> -> memref<128x128xf32, #tpu.memory_space<hbm>>
    %dma_wait3A_426 = arith.constant 0 : i32
    %dma_wait3A_427 = tpu.memref_slice %arg10[%mul3A_6, %dma_wait3A_426] : memref<65536x128xf32, #tpu.memory_space<hbm>> -> memref<128x128xf32, #tpu.memory_space<hbm>>
    %dma_wait3A_428 = arith.constant 0 : i32
    %dma_wait3A_429 = arith.constant 0 : i32
    %dma_wait3A_430 = tpu.memref_slice %arg12[%dma_wait3A_419, %dma_wait3A_428, %dma_wait3A_429] : memref<5x128x128xf32, #tpu.memory_space<vmem>> -> memref<1x128x128xf32, #tpu.memory_space<vmem>>
    %dma_wait3A_431 = tpu.memref_squeeze %dma_wait3A_430 : memref<1x128x128xf32, #tpu.memory_space<vmem>> -> memref<128x128xf32, #tpu.memory_space<vmem>>
    tpu.wait_dma2 semaphore(%arg15 : memref<!tpu.dma_semaphore, #tpu.memory_space<semaphore_mem>>) src(%dma_wait3A_431 : memref<128x128xf32, #tpu.memory_space<vmem>>) dst(%dma_wait3A_427 : memref<128x128xf32, #tpu.memory_space<hbm>>)
    return
  }
}

module attributes {stable_mosaic.version = 14 : i64} {
  func.func @_k3_body(%arg0: i32, %arg1: memref<512x4096xf32, #tpu.memory_space<vmem>>, %arg2: memref<4096x128xf32, #tpu.memory_space<vmem>>, %arg3: memref<512x128xf32, #tpu.memory_space<vmem>>) attributes {dimension_semantics = [#tpu.dimension_semantics<arbitrary>], iteration_bounds = array<i64: 8>, scalar_prefetch = 0 : i64, scratch_operands = 0 : i64, tpu.core_type = #tpu.core_type<tc>, window_params = [{transform_indices = @transform_0, window_bounds = array<i64: 512, 4096>}, {pipeline_mode = #tpu.pipeline_mode<synchronous>, transform_indices = @transform_1, window_bounds = array<i64: 4096, 128>}, {transform_indices = @transform_2, window_bounds = array<i64: 512, 128>}]} {
    %get3A = arith.constant 0 : index
    %get3A_0 = arith.constant 0 : index
    %get3A_1 = vector.load %arg1[%get3A, %get3A_0] : memref<512x4096xf32, #tpu.memory_space<vmem>>, vector<512x4096xf32>
    %get3A_2 = arith.constant 0 : index
    %get3A_3 = arith.constant 0 : index
    %get3A_4 = vector.load %arg2[%get3A_2, %get3A_3] : memref<4096x128xf32, #tpu.memory_space<vmem>>, vector<4096x128xf32>
    %dot_general3A = arith.constant dense<0.000000e+00> : vector<512x128xf32>
    %dot_general3A_5 = tpu.matmul %get3A_1, %get3A_4, %dot_general3A {dimension_numbers = #tpu.dot_dimension_numbers<[1], [0], [0], [1], [0, 0, 1, 1], [], []>, transpose_lhs_hint = false} : vector<512x4096xf32>, vector<4096x128xf32>, vector<512x128xf32> -> vector<512x128xf32>
    %mul3A = arith.mulf %dot_general3A_5, %dot_general3A_5 : vector<512x128xf32>
    %reduce_sum3A = arith.constant dense<0.000000e+00> : vector<512xf32>
    %reduce_sum3A_6 = vector.multi_reduction <add>, %mul3A, %reduce_sum3A [1] : vector<512x128xf32> to vector<512xf32>
    %broadcast_in_dim3A = vector.shape_cast %reduce_sum3A_6 : vector<512xf32> to vector<512x1xf32>
    %sqrt3A = math.sqrt %broadcast_in_dim3A : vector<512x1xf32>
    %max3A = arith.constant 9.99999996E-13 : f32
    %max3A_7 = vector.broadcast %max3A : f32 to vector<512x1xf32>
    %max3A_8 = arith.maximumf %sqrt3A, %max3A_7 : vector<512x1xf32>
    %div3A = vector.broadcast %max3A_8 : vector<512x1xf32> to vector<512x128xf32>
    %div3A_9 = arith.divf %dot_general3A_5, %div3A : vector<512x128xf32>
    %swap3A = arith.constant 0 : index
    %swap3A_10 = arith.constant 0 : index
    %swap3A_11 = vector.load %arg3[%swap3A, %swap3A_10] : memref<512x128xf32, #tpu.memory_space<vmem>>, vector<512x128xf32>
    tpu.vector_store %arg3[%swap3A, %swap3A_10], %div3A_9 {strides = array<i32>} : memref<512x128xf32, #tpu.memory_space<vmem>>, vector<512x128xf32>,
    return
  }
  func.func @transform_0(%arg0: i32) -> (i32, i32) {
    %c0_i32 = arith.constant 0 : i32
    %c0_i32_0 = arith.constant 0 : i32
    return %arg0, %c0_i32 : i32, i32
  }
  func.func @transform_1(%arg0: i32) -> (i32, i32) {
    %c0_i32 = arith.constant 0 : i32
    %c0_i32_0 = arith.constant 0 : i32
    %c0_i32_1 = arith.constant 0 : i32
    return %c0_i32, %c0_i32_0 : i32, i32
  }
  func.func @transform_2(%arg0: i32) -> (i32, i32) {
    %c0_i32 = arith.constant 0 : i32
    %c0_i32_0 = arith.constant 0 : i32
    return %arg0, %c0_i32 : i32, i32
  }
}

module attributes {stable_mosaic.version = 14 : i64} {
  func.func @_k1_body(%arg0: i32, %arg1: memref<1024x1024xf32, #tpu.memory_space<vmem>>, %arg2: memref<1024x128xf32, #tpu.memory_space<vmem>>, %arg3: memref<1024x128xf32, #tpu.memory_space<vmem>>, %arg4: memref<128x128xf32, #tpu.memory_space<vmem>>, %arg5: memref<128x128xf32, #tpu.memory_space<vmem>>, %arg6: memref<1x128xf32, #tpu.memory_space<vmem>>, %arg7: memref<1024x128xf32, #tpu.memory_space<vmem>>, %arg8: memref<1x1xf32, #tpu.memory_space<vmem>>, %arg9: memref<1xf32, #tpu.memory_space<smem>>) attributes {dimension_semantics = [#tpu.dimension_semantics<arbitrary>], iteration_bounds = array<i64: 4>, scalar_prefetch = 0 : i64, scratch_operands = 1 : i64, tpu.core_type = #tpu.core_type<tc>, window_params = [{transform_indices = @transform_0, window_bounds = array<i64: 1024, 1024>}, {pipeline_mode = #tpu.pipeline_mode<synchronous>, transform_indices = @transform_1, window_bounds = array<i64: 1024, 128>}, {transform_indices = @transform_2, window_bounds = array<i64: 1024, 128>}, {pipeline_mode = #tpu.pipeline_mode<synchronous>, transform_indices = @transform_3, window_bounds = array<i64: 128, 128>}, {pipeline_mode = #tpu.pipeline_mode<synchronous>, transform_indices = @transform_4, window_bounds = array<i64: 128, 128>}, {pipeline_mode = #tpu.pipeline_mode<synchronous>, transform_indices = @transform_5, window_bounds = array<i64: 1, 128>}, {transform_indices = @transform_6, window_bounds = array<i64: 1024, 128>}, {pipeline_mode = #tpu.pipeline_mode<synchronous>, transform_indices = @transform_7, window_bounds = array<i64: 1, 1>}]} {
    %get3A = arith.constant 0 : index
    %get3A_0 = arith.constant 0 : index
    %get3A_1 = vector.load %arg1[%get3A, %get3A_0] : memref<1024x1024xf32, #tpu.memory_space<vmem>>, vector<1024x1024xf32>
    %get3A_2 = arith.constant 0 : index
    %get3A_3 = arith.constant 0 : index
    %get3A_4 = vector.load %arg2[%get3A_2, %get3A_3] : memref<1024x128xf32, #tpu.memory_space<vmem>>, vector<1024x128xf32>
    %get3A_5 = arith.constant 0 : index
    %get3A_6 = arith.constant 0 : index
    %get3A_7 = vector.load %arg3[%get3A_5, %get3A_6] : memref<1024x128xf32, #tpu.memory_space<vmem>>, vector<1024x128xf32>
    %dot_general3A = arith.constant dense<0.000000e+00> : vector<1024x1024xf32>
    %dot_general3A_8 = tpu.matmul %get3A_4, %get3A_7, %dot_general3A {dimension_numbers = #tpu.dot_dimension_numbers<[1], [1], [0], [0], [0, 0, 1, 0], [], []>, transpose_lhs_hint = false} : vector<1024x128xf32>, vector<1024x128xf32>, vector<1024x1024xf32> -> vector<1024x1024xf32>
    %logistic3A = arith.negf %dot_general3A_8 : vector<1024x1024xf32>
    %logistic3A_9 = math.exp %logistic3A : vector<1024x1024xf32>
    %logistic3A_10 = arith.constant 1.000000e+00 : f32
    %logistic3A_11 = vector.broadcast %logistic3A_10 : f32 to vector<1024x1024xf32>
    %logistic3A_12 = arith.addf %logistic3A_11, %logistic3A_9 : vector<1024x1024xf32>
    %logistic3A_13 = arith.divf %logistic3A_11, %logistic3A_12 : vector<1024x1024xf32>
    %sub3A = arith.subf %get3A_1, %logistic3A_13 : vector<1024x1024xf32>
    %integer_pow3A = arith.mulf %sub3A, %sub3A : vector<1024x1024xf32>
    %eq3A = arith.constant 1.000000e+00 : f32
    %eq3A_14 = vector.broadcast %eq3A : f32 to vector<1024x1024xf32>
    %eq3A_15 = arith.cmpf oeq, %get3A_1, %eq3A_14 : vector<1024x1024xf32>
    %eq3A_16 = arith.constant 0.000000e+00 : f32
    %eq3A_17 = vector.broadcast %eq3A_16 : f32 to vector<1024x1024xf32>
    %eq3A_18 = arith.cmpf oeq, %get3A_1, %eq3A_17 : vector<1024x1024xf32>
    %jit3A = arith.constant 1.000000e-01 : f32
    %jit3A_19 = arith.constant 0.000000e+00 : f32
    %broadcast_in_dim3A = vector.broadcast %jit3A : f32 to vector<1024x1024xf32>
    %broadcast_in_dim3A_20 = vector.broadcast %jit3A_19 : f32 to vector<1024x1024xf32>
    %select_n3A = arith.select %eq3A_18, %broadcast_in_dim3A, %broadcast_in_dim3A_20 : vector<1024x1024xi1>, vector<1024x1024xf32>
    %jit3A_21 = arith.constant 2.000000e+00 : f32
    %broadcast_in_dim3A_22 = vector.broadcast %jit3A_21 : f32 to vector<1024x1024xf32>
    %select_n3A_23 = arith.select %eq3A_15, %broadcast_in_dim3A_22, %select_n3A : vector<1024x1024xi1>, vector<1024x1024xf32>
    %mul3A = arith.mulf %select_n3A_23, %integer_pow3A : vector<1024x1024xf32>
    %reduce_sum3A = vector.shape_cast %mul3A : vector<1024x1024xf32> to vector<1x1024x1024xf32>
    %reduce_sum3A_24 = arith.constant dense<0.000000e+00> : vector<1xf32>
    %reduce_sum3A_25 = vector.multi_reduction <add>, %reduce_sum3A, %reduce_sum3A_24 [1, 2] : vector<1x1024x1024xf32> to vector<1xf32>
    %reduce_sum3A_26 = vector.shape_cast %reduce_sum3A_25 : vector<1xf32> to vector<1x1x1xf32>
    %reduce_sum3A_27 = vector.extract %reduce_sum3A_26[0, 0, 0] : f32 from vector<1x1x1xf32>
    %dot_general3A_28 = arith.constant dense<0.000000e+00> : vector<1024x128xf32>
    %dot_general3A_29 = tpu.matmul %get3A_1, %get3A_4, %dot_general3A_28 {dimension_numbers = #tpu.dot_dimension_numbers<[0], [0], [1], [1], [0, 1, 1, 1], [], []>, transpose_lhs_hint = false} : vector<1024x1024xf32>, vector<1024x128xf32>, vector<1024x128xf32> -> vector<1024x128xf32>
    %get3A_30 = arith.constant 0 : index
    %get3A_31 = arith.constant 0 : index
    %get3A_32 = vector.load %arg4[%get3A_30, %get3A_31] : memref<128x128xf32, #tpu.memory_space<vmem>>, vector<128x128xf32>
    %dot_general3A_33 = arith.constant dense<0.000000e+00> : vector<1024x128xf32>
    %dot_general3A_34 = tpu.matmul %get3A_7, %get3A_32, %dot_general3A_33 {dimension_numbers = #tpu.dot_dimension_numbers<[1], [0], [0], [1], [0, 0, 1, 1], [], []>, transpose_lhs_hint = false} : vector<1024x128xf32>, vector<128x128xf32>, vector<1024x128xf32> -> vector<1024x128xf32>
    %get3A_35 = arith.constant 0 : index
    %get3A_36 = arith.constant 0 : index
    %get3A_37 = vector.load %arg5[%get3A_35, %get3A_36] : memref<128x128xf32, #tpu.memory_space<vmem>>, vector<128x128xf32>
    %dot_general3A_38 = arith.constant dense<0.000000e+00> : vector<1024x128xf32>
    %dot_general3A_39 = tpu.matmul %dot_general3A_29, %get3A_37, %dot_general3A_38 {dimension_numbers = #tpu.dot_dimension_numbers<[1], [0], [0], [1], [0, 0, 1, 1], [], []>, transpose_lhs_hint = false} : vector<1024x128xf32>, vector<128x128xf32>, vector<1024x128xf32> -> vector<1024x128xf32>
    %add3A = arith.addf %dot_general3A_34, %dot_general3A_39 : vector<1024x128xf32>
    %get3A_40 = arith.constant 0 : index
    %get3A_41 = arith.constant 0 : index
    %get3A_42 = vector.load %arg6[%get3A_40, %get3A_41] : memref<1x128xf32, #tpu.memory_space<vmem>>, vector<1x128xf32>
    %add3A_43 = vector.broadcast %get3A_42 : vector<1x128xf32> to vector<1024x128xf32>
    %add3A_44 = arith.addf %add3A, %add3A_43 : vector<1024x128xf32>
    %swap3A = arith.constant 0 : index
    %swap3A_45 = arith.constant 0 : index
    %swap3A_46 = vector.load %arg7[%swap3A, %swap3A_45] : memref<1024x128xf32, #tpu.memory_space<vmem>>, vector<1024x128xf32>
    tpu.vector_store %arg7[%swap3A, %swap3A_45], %add3A_44 {strides = array<i32>} : memref<1024x128xf32, #tpu.memory_space<vmem>>, vector<1024x128xf32>,
    %eq3A_47 = arith.constant 0 : i32
    %eq3A_48 = arith.cmpi eq, %arg0, %eq3A_47 : i32
    %convert_element_type3A = arith.extui %eq3A_48 : i1 to i32
    %cond3A = arith.constant 0 : i32
    %cond3A_49 = arith.cmpi ne, %convert_element_type3A, %cond3A : i32
    scf.if %cond3A_49 {
      %swap3A_60 = arith.constant 0.000000e+00 : f32
      %swap3A_61 = arith.constant 0 : index
      %swap3A_62 = memref.load %arg9[%swap3A_61] : memref<1xf32, #tpu.memory_space<smem>>
      memref.store %swap3A_60, %arg9[%swap3A_61] : memref<1xf32, #tpu.memory_space<smem>>
    } else {
    }
    %get3A_50 = arith.constant 0 : index
    %get3A_51 = memref.load %arg9[%get3A_50] : memref<1xf32, #tpu.memory_space<smem>>
    %add3A_52 = arith.addf %get3A_51, %reduce_sum3A_27 : f32
    %swap3A_53 = arith.constant 0 : index
    %swap3A_54 = memref.load %arg9[%swap3A_53] : memref<1xf32, #tpu.memory_space<smem>>
    memref.store %add3A_52, %arg9[%swap3A_53] : memref<1xf32, #tpu.memory_space<smem>>
    %eq3A_55 = arith.constant 3 : i32
    %eq3A_56 = arith.cmpi eq, %arg0, %eq3A_55 : i32
    %convert_element_type3A_57 = arith.extui %eq3A_56 : i1 to i32
    %cond3A_58 = arith.constant 0 : i32
    %cond3A_59 = arith.cmpi ne, %convert_element_type3A_57, %cond3A_58 : i32
    scf.if %cond3A_59 {
      %get3A_60 = arith.constant 0 : index
      %get3A_61 = memref.load %arg9[%get3A_60] : memref<1xf32, #tpu.memory_space<smem>>
      %div3A = arith.constant 0x4A800000 : f32
      %div3A_62 = arith.divf %get3A_61, %div3A : f32
      %broadcast_in_dim3A_63 = vector.broadcast %div3A_62 : f32 to vector<1x1xf32>
      %swap3A_64 = arith.constant 0 : index
      %swap3A_65 = arith.constant 0 : index
      %swap3A_66 = vector.load %arg8[%swap3A_64, %swap3A_65] : memref<1x1xf32, #tpu.memory_space<vmem>>, vector<1x1xf32>
      tpu.vector_store %arg8[%swap3A_64, %swap3A_65], %broadcast_in_dim3A_63 {strides = array<i32>} : memref<1x1xf32, #tpu.memory_space<vmem>>, vector<1x1xf32>,
    } else {
    }
    return
  }
  func.func @transform_0(%arg0: i32) -> (i32, i32) {
    %c0_i32 = arith.constant 0 : i32
    %c0_i32_0 = arith.constant 0 : i32
    return %c0_i32, %arg0 : i32, i32
  }
  func.func @transform_1(%arg0: i32) -> (i32, i32) {
    %c0_i32 = arith.constant 0 : i32
    %c0_i32_0 = arith.constant 0 : i32
    %c0_i32_1 = arith.constant 0 : i32
    return %c0_i32, %c0_i32_0 : i32, i32
  }
  func.func @transform_2(%arg0: i32) -> (i32, i32) {
    %c0_i32 = arith.constant 0 : i32
    %c0_i32_0 = arith.constant 0 : i32
    return %arg0, %c0_i32 : i32, i32
  }
  func.func @transform_3(%arg0: i32) -> (i32, i32) {
    %c0_i32 = arith.constant 0 : i32
    %c0_i32_0 = arith.constant 0 : i32
    %c0_i32_1 = arith.constant 0 : i32
    return %c0_i32, %c0_i32_0 : i32, i32
  }
  func.func @transform_4(%arg0: i32) -> (i32, i32) {
    %c0_i32 = arith.constant 0 : i32
    %c0_i32_0 = arith.constant 0 : i32
    %c0_i32_1 = arith.constant 0 : i32
    return %c0_i32, %c0_i32_0 : i32, i32
  }
  func.func @transform_5(%arg0: i32) -> (i32, i32) {
    %c0_i32 = arith.constant 0 : i32
    %c0_i32_0 = arith.constant 0 : i32
    %c0_i32_1 = arith.constant 0 : i32
    return %c0_i32, %c0_i32_0 : i32, i32
  }
  func.func @transform_6(%arg0: i32) -> (i32, i32) {
    %c0_i32 = arith.constant 0 : i32
    %c0_i32_0 = arith.constant 0 : i32
    return %arg0, %c0_i32 : i32, i32
  }
  func.func @transform_7(%arg0: i32) -> (i32, i32) {
    %c0_i32 = arith.constant 0 : i32
    %c0_i32_0 = arith.constant 0 : i32
    %c0_i32_1 = arith.constant 0 : i32
    return %c0_i32, %c0_i32_0 : i32, i32
  }
}

module attributes {stable_mosaic.version = 14 : i64} {
  func.func @_k2_body(%arg0: i32, %arg1: memref<512x4096xf32, #tpu.memory_space<vmem>>, %arg2: memref<4096x128xf32, #tpu.memory_space<vmem>>, %arg3: memref<128x128xf32, #tpu.memory_space<vmem>>, %arg4: memref<1x128xf32, #tpu.memory_space<vmem>>, %arg5: memref<512x128xf32, #tpu.memory_space<vmem>>, %arg6: memref<512x128xf32, #tpu.memory_space<vmem>>) attributes {dimension_semantics = [#tpu.dimension_semantics<arbitrary>], iteration_bounds = array<i64: 8>, scalar_prefetch = 0 : i64, scratch_operands = 0 : i64, tpu.core_type = #tpu.core_type<tc>, window_params = [{transform_indices = @transform_0, window_bounds = array<i64: 512, 4096>}, {pipeline_mode = #tpu.pipeline_mode<synchronous>, transform_indices = @transform_1, window_bounds = array<i64: 4096, 128>}, {pipeline_mode = #tpu.pipeline_mode<synchronous>, transform_indices = @transform_2, window_bounds = array<i64: 128, 128>}, {pipeline_mode = #tpu.pipeline_mode<synchronous>, transform_indices = @transform_3, window_bounds = array<i64: 1, 128>}, {transform_indices = @transform_4, window_bounds = array<i64: 512, 128>}, {transform_indices = @transform_5, window_bounds = array<i64: 512, 128>}]} {
    %get3A = arith.constant 0 : index
    %get3A_0 = arith.constant 0 : index
    %get3A_1 = vector.load %arg1[%get3A, %get3A_0] : memref<512x4096xf32, #tpu.memory_space<vmem>>, vector<512x4096xf32>
    %get3A_2 = arith.constant 0 : index
    %get3A_3 = arith.constant 0 : index
    %get3A_4 = vector.load %arg2[%get3A_2, %get3A_3] : memref<4096x128xf32, #tpu.memory_space<vmem>>, vector<4096x128xf32>
    %dot_general3A = arith.constant dense<0.000000e+00> : vector<512x128xf32>
    %dot_general3A_5 = tpu.matmul %get3A_1, %get3A_4, %dot_general3A {dimension_numbers = #tpu.dot_dimension_numbers<[1], [0], [0], [1], [0, 0, 1, 1], [], []>, transpose_lhs_hint = false} : vector<512x4096xf32>, vector<4096x128xf32>, vector<512x128xf32> -> vector<512x128xf32>
    %mul3A = arith.mulf %dot_general3A_5, %dot_general3A_5 : vector<512x128xf32>
    %reduce_sum3A = arith.constant dense<0.000000e+00> : vector<512xf32>
    %reduce_sum3A_6 = vector.multi_reduction <add>, %mul3A, %reduce_sum3A [1] : vector<512x128xf32> to vector<512xf32>
    %broadcast_in_dim3A = vector.shape_cast %reduce_sum3A_6 : vector<512xf32> to vector<512x1xf32>
    %sqrt3A = math.sqrt %broadcast_in_dim3A : vector<512x1xf32>
    %max3A = arith.constant 9.99999996E-13 : f32
    %max3A_7 = vector.broadcast %max3A : f32 to vector<512x1xf32>
    %max3A_8 = arith.maximumf %sqrt3A, %max3A_7 : vector<512x1xf32>
    %div3A = vector.broadcast %max3A_8 : vector<512x1xf32> to vector<512x128xf32>
    %div3A_9 = arith.divf %dot_general3A_5, %div3A : vector<512x128xf32>
    %swap3A = arith.constant 0 : index
    %swap3A_10 = arith.constant 0 : index
    %swap3A_11 = vector.load %arg5[%swap3A, %swap3A_10] : memref<512x128xf32, #tpu.memory_space<vmem>>, vector<512x128xf32>
    tpu.vector_store %arg5[%swap3A, %swap3A_10], %div3A_9 {strides = array<i32>} : memref<512x128xf32, #tpu.memory_space<vmem>>, vector<512x128xf32>,
    %get3A_12 = arith.constant 0 : index
    %get3A_13 = arith.constant 0 : index
    %get3A_14 = vector.load %arg3[%get3A_12, %get3A_13] : memref<128x128xf32, #tpu.memory_space<vmem>>, vector<128x128xf32>
    %dot_general3A_15 = arith.constant dense<0.000000e+00> : vector<512x128xf32>
    %dot_general3A_16 = tpu.matmul %dot_general3A_5, %get3A_14, %dot_general3A_15 {dimension_numbers = #tpu.dot_dimension_numbers<[1], [0], [0], [1], [0, 0, 1, 1], [], []>, transpose_lhs_hint = false} : vector<512x128xf32>, vector<128x128xf32>, vector<512x128xf32> -> vector<512x128xf32>
    %get3A_17 = arith.constant 0 : index
    %get3A_18 = arith.constant 0 : index
    %get3A_19 = vector.load %arg4[%get3A_17, %get3A_18] : memref<1x128xf32, #tpu.memory_space<vmem>>, vector<1x128xf32>
    %add3A = vector.broadcast %get3A_19 : vector<1x128xf32> to vector<512x128xf32>
    %add3A_20 = arith.addf %dot_general3A_16, %add3A : vector<512x128xf32>
    %swap3A_21 = arith.constant 0 : index
    %swap3A_22 = arith.constant 0 : index
    %swap3A_23 = vector.load %arg6[%swap3A_21, %swap3A_22] : memref<512x128xf32, #tpu.memory_space<vmem>>, vector<512x128xf32>
    tpu.vector_store %arg6[%swap3A_21, %swap3A_22], %add3A_20 {strides = array<i32>} : memref<512x128xf32, #tpu.memory_space<vmem>>, vector<512x128xf32>,
    return
  }
  func.func @transform_0(%arg0: i32) -> (i32, i32) {
    %c0_i32 = arith.constant 0 : i32
    %c0_i32_0 = arith.constant 0 : i32
    return %arg0, %c0_i32 : i32, i32
  }
  func.func @transform_1(%arg0: i32) -> (i32, i32) {
    %c0_i32 = arith.constant 0 : i32
    %c0_i32_0 = arith.constant 0 : i32
    %c0_i32_1 = arith.constant 0 : i32
    return %c0_i32, %c0_i32_0 : i32, i32
  }
  func.func @transform_2(%arg0: i32) -> (i32, i32) {
    %c0_i32 = arith.constant 0 : i32
    %c0_i32_0 = arith.constant 0 : i32
    %c0_i32_1 = arith.constant 0 : i32
    return %c0_i32, %c0_i32_0 : i32, i32
  }
  func.func @transform_3(%arg0: i32) -> (i32, i32) {
    %c0_i32 = arith.constant 0 : i32
    %c0_i32_0 = arith.constant 0 : i32
    %c0_i32_1 = arith.constant 0 : i32
    return %c0_i32, %c0_i32_0 : i32, i32
  }
  func.func @transform_4(%arg0: i32) -> (i32, i32) {
    %c0_i32 = arith.constant 0 : i32
    %c0_i32_0 = arith.constant 0 : i32
    return %arg0, %c0_i32 : i32, i32
  }
  func.func @transform_5(%arg0: i32) -> (i32, i32) {
    %c0_i32 = arith.constant 0 : i32
    %c0_i32_0 = arith.constant 0 : i32
    return %arg0, %c0_i32 : i32, i32
  }
}

</mosaic_0001>

<sc_bundles>
// kernel: kernel.10.cloned.1.call-start
scs
__scs_entry_jumppad:
0x0: {  	(pc) =	sbr.rel $0x88, $3  }
0x1: {  	(tag) =	ssettag $0x0;
	lr =	simm.s32 $0x1  }
0x2: {  	[smem:$0x3F95] =	sst lr;
	_ =	strace $0xD0000000  }
0x3: {  	_ = 	snop  }
0x4: {  	_ = 	snop  }
0x5: {  	_ = 	snop  }
0x6: {  	_ = 	snop  }
0x7: {  	_ = 	snop  }
__scs_overlays_trampoline_lowered:
0x8: {  	[smem:$0x3FA4] =	sst s0  }
0x9: {  	[smem:$0x3FA5] =	sst s1  }
0xa: {  	[smem:$0x3FA6] =	sst s2  }
0xb: {  	[smem:$0x3FA7] =	sst s3  }
0xc: {  	[smem:$0x3FA8] =	sst s4  }
0xd: {  	[smem:$0x3FA9] =	sst s5  }
0xe: {  	[smem:$0x3FAA] =	sst s6  }
0xf: {  	[smem:$0x3FAB] =	sst s7  }
0x10: {  	[smem:$0x3FAC] =	sst s8  }
0x11: {  	[smem:$0x3FAD] =	sst s9;
	s0 =	simm.s32 @!p0 $0x0  }
0x12: {  	s1 =	sld [smem:$0x3F93];
	s0 =	simm.s32 @p0 $0x1  }
0x13: {  	[smem:$0x3FAE] =	sst s0;
	s0 =	simm.s32 @!p1 $0x0  }
0x14: {  	s2 =	sld [smem:$0x3F92];
	s0 =	simm.s32 @p1 $0x1  }
0x15: {  	[smem:$0x3FAF] =	sst s0;
	s0 =	simm.s32 @!p2 $0x0  }
0x16: {  	s3 =	sld [smem:$0x3FDB];
	s0 =	simm.s32 @p2 $0x1  }
0x17: {  	s4 =	simm.s32 $0x1BF5;
	[smem:$0x3FB1] =	sst s0  }
0x18: {  	s0 =	sld [smem:$0x3F94];
	_ =	swait.ge [sflag:s4], $0x0  }
0x19: {  	s7 =	sld [smem:$0x3F95]  }
0x1a: {  	s8 =	sadd.s32 $0xFFFFE003, lr  }
0x1b: {  	s9 =	sadd.s32 $0xFFFFFEF7, lr;
	s5 =	simm.s32 $0xFFFFFFFF;
	p2 =	slt.u32 s8, $0xFFFFF086  }
0x1c: {  	p1 =	slt.u32 s9, $0xF7A;
	s5 =	simm.s32 @!p2 $0x0  }
0x1d: {  	s5 =	simm.s32 @p1 $0x1;
	p0 =	seq.s32 s7, s2  }
0x1e: {  	s7 =	smul.u32 @!p0 $0xF7A, s2;
	p2 =	seq.s32 @!p0 s5, $0x0  }
0x1f: {  	s9 =	smul.u32 $0xF7A, s1;
	s8 =	simm.s32 @!p0 $0x1BF5;
	p2 =	por !p2, p0  }
0x20: {  	[sflag:s8] =	ssyncset.s32 @!p0 $0xFFFFF086;
	s6 =	sadd.s32 @!p0 s3, s7;
	s7 =	simm.s32 @!p0 $0x108  }
0x21: {  	s3 =	sadd.s32 s3, s9;
	s6 =	sadd.s32 @!p0 $0x88, s6;
	s7 =	simm.s32 @p2 $0x1082  }
0x22: {  	[simem:s7], [sflag:s8] =	dma.local @!p0 [hbm:s6], $0xF7A  }
0x23: {  	s9 =	sor.u32 $0xD0000000, s2;
	s6 =	simm.s32 $0x108;
	_ =	swait.ge @!p0 [sflag:s8], $0x0  }
0x24: {  	s3 =	sadd.s32 $0x88, s3;
	s6 =	simm.s32 @!p1 $0x1082;
	[sflag:s4] =	ssyncset.s32 $0xFFFFF086  }
0x25: {  	[simem:s6], [sflag:s4] =	dma.local [hbm:s3], $0xF7A  }
0x26: {  	[smem:$0x3F95] =	sst s1;
	(tag) =	ssettag s2;
	_ =	strace s9  }
0x27: {  	s1 =	sld [smem:$0x3FA5]  }
0x28: {  	s2 =	sld [smem:$0x3FA6]  }
0x29: {  	s4 =	sld [smem:$0x3FA8]  }
0x2a: {  	p0 =	seq.s32 s5, $0x0;
	s5 =	sld [smem:$0x3FA9]  }
0x2b: {  	s6 =	sld [smem:$0x3FAA]  }
0x2c: {  	s7 =	sld [smem:$0x3FAB]  }
0x2d: {  	s3 =	simm.s32 $0x108;
	s8 =	sld [smem:$0x3FAC]  }
0x2e: {  	s3 =	simm.s32 @!p0 $0x1082;
	s9 =	sld [smem:$0x3FAD]  }
0x2f: {  	lr =	sadd.s32 s0, s3;
	s0 =	sld [smem:$0x3FA4]  }
0x30: {  	s3 =	sld [smem:$0x3FA7]  }
0x31: {  	[smem:$0x3FB0] =	sst s10  }
0x32: {  	s10 =	sld [smem:$0x3FAE];
	_ =	sdelay $0x3  }
0x33: {  	p0 =	seq.s32 s10, $0x1;
	s10 =	sld [smem:$0x3FB0];
	_ =	sdelay $0x3  }
0x34: {  	[smem:$0x3FB0] =	sst s10  }
0x35: {  	s10 =	sld [smem:$0x3FAF];
	_ =	sdelay $0x3  }
0x36: {  	p1 =	seq.s32 s10, $0x1;
	s10 =	sld [smem:$0x3FB0];
	_ =	sdelay $0x3  }
0x37: {  	[smem:$0x3FB0] =	sst s10  }
0x38: {  	s10 =	sld [smem:$0x3FB1]  }
0x39: {  	_ = 	snop;
	(pc) =	sbr.ind lr, $3  }
0x3a: {  	_ = 	snop  }
0x3b: {  	_ = 	snop  }
0x3c: {  	p2 =	seq.s32 s10, $0x1;
	s10 =	sld [smem:$0x3FB0]  }
0x3d: {  	_ =	shalt  }
0x3e: {  	_ =	shalt  }
0x3f: {  	_ =	shalt  }
0x40: {  	_ =	shalt  }
0x41: {  	_ =	shalt  }
0x42: {  	_ =	shalt  }
0x43: {  	_ =	shalt  }
0x44: {  	_ =	shalt  }
0x45: {  	_ =	shalt  }
0x46: {  	_ =	shalt  }
0x47: {  	_ =	shalt  }
0x48: {  	_ =	shalt  }
0x49: {  	_ =	shalt  }
0x4a: {  	_ =	shalt  }
0x4b: {  	_ =	shalt  }
0x4c: {  	_ =	shalt  }
0x4d: {  	_ =	shalt  }
0x4e: {  	_ =	shalt  }
0x4f: {  	_ =	shalt  }
0x50: {  	_ =	shalt  }
0x51: {  	_ =	shalt  }
0x52: {  	_ =	shalt  }
0x53: {  	_ =	shalt  }
0x54: {  	_ =	shalt  }
0x55: {  	_ =	shalt  }
0x56: {  	_ =	shalt  }
0x57: {  	_ =	shalt  }
0x58: {  	_ =	shalt  }
0x59: {  	_ =	shalt  }
0x5a: {  	_ =	shalt  }
0x5b: {  	_ =	shalt  }
0x5c: {  	_ =	shalt  }
0x5d: {  	_ =	shalt  }
0x5e: {  	_ =	shalt  }
0x5f: {  	_ =	shalt  }
0x60: {  	_ =	shalt  }
0x61: {  	_ =	shalt  }
0x62: {  	_ =	shalt  }
0x63: {  	_ =	shalt  }
0x64: {  	_ =	shalt  }
0x65: {  	_ =	shalt  }
0x66: {  	_ =	shalt  }
0x67: {  	_ =	shalt  }
0x68: {  	_ =	shalt  }
0x69: {  	_ =	shalt  }
0x6a: {  	_ =	shalt  }
0x6b: {  	_ =	shalt  }
0x6c: {  	_ =	shalt  }
0x6d: {  	_ =	shalt  }
0x6e: {  	_ =	shalt  }
0x6f: {  	_ =	shalt  }
0x70: {  	_ =	shalt  }
0x71: {  	_ =	shalt  }
0x72: {  	_ =	shalt  }
0x73: {  	_ =	shalt  }
0x74: {  	_ =	shalt  }
0x75: {  	_ =	shalt  }
0x76: {  	_ =	shalt  }
0x77: {  	_ =	shalt  }
0x78: {  	_ =	shalt  }
0x79: {  	_ =	shalt  }
0x7a: {  	_ =	shalt  }
0x7b: {  	_ =	shalt  }
0x7c: {  	_ =	shalt  }
0x7d: {  	_ =	shalt  }
0x7e: {  	_ =	shalt  }
0x7f: {  	_ =	shalt  }
0x80: {  	_ =	shalt  }
0x81: {  	_ =	shalt  }
0x82: {  	_ =	shalt  }
0x83: {  	_ =	shalt  }
0x84: {  	_ =	shalt  }
0x85: {  	_ =	shalt  }
0x86: {  	_ =	shalt  }
0x87: {  	_ =	shalt  }
.Lfunc_end0:
.L_simem_size_0:
called_computation.1_lowered:
.L_overlay_start_0:
0x88: {  	s2 =	sld [smem:$0x3FD9]  }
0x89: {  	s3 =	sld [smem:$0x3FFE];
	_ =	sdelay $0x1  }
0x8a: {  	s1 =	srdreg.scid  }
0x8b: {  	s0 =	sand.u32 $0x1, s1  }
0x8c: {  	s14 =	sshll.u32 s0, $0xA;
	s2 =	sadd.s32 s3, s2  }
0x8d: {  	s2 =	sadd.s32 s2, s14  }
0x8e: {  	[smem:$0x3FBC] =	sst s2  }
0x8f: {  	_ = 	snop  }
0x90: {  	s2 =	sld [smem:$0x3FC8]  }
0x91: {  	s15 =	sld [smem:$0x3FD0]  }
0x92: {  	s4 =	sld [smem:$0x3FC7]  }
0x93: {  	s5 =	sld [smem:$0x3FC6]  }
0x94: {  	s7 =	simm.s32 $0xB;
	s8 =	simm.s32 $0x10;
	s6 =	sld [smem:$0x3FC5]  }
0x95: {  	[smem:s8], [sflag:s7] =	dma.local [hbm:s15], $0x1  }
0x96: {  	_ =	swait.eq [sflag:s7], $0x1  }
0x97: {  	s16 =	sld [smem:$0x11]  }
0x98: {  	s17 =	sld [smem:$0x13];
	[sflag:s7] =	ssyncset.done $0x0  }
0x99: {  	s9 =	sld [smem:$0x15];
	[sflag:s7] =	ssyncadd.s32 $0xFFFFFFFF  }
0x9a: {  	s18 =	sld [smem:$0x17];
	(tm) =	ssettm $0x1  }
0x9b: {  	s10 =	sld [smem:$0x3FFB];
	_ =	sdelay $0x3  }
0x9c: {  	_ =	strace s10  }
0x9d: {  	s10 =	sld [smem:$0x3FFC];
	_ =	sdelay $0x3  }
0x9e: {  	_ =	strace s10  }
0x9f: {  	s10 =	sld [smem:$0x3FFD];
	_ =	sdelay $0x3  }
0xa0: {  	_ =	strace s10  }
0xa1: {  	_ =	strace $0x8FFFFFFF  }
0xa2: {  	s19 =	sld [smem:$0x3FDB];
	_ =	sdelay $0x1  }
0xa3: {  	s11 =	simm.s32 $_scs_section_size  }
0xa4: {  	s12 =	simm.s32 $_size__tile_overlayer_lowered;
	s13 =	simm.s32 $_tile_overlayer_lowered  }
0xa5: {  	s22 =	simm.s32 $0x1BFF;
	s21 =	sshll.u32 s13, $0x1;
	s10 =	sadd.s32 s11, s19  }
0xa6: {  	s20 =	sshll.u32 s12, $0x1;
	s14 =	simm.s32 $0x0;
	s12 =	sadd.s32 s21, s10  }
0xa7: {  	[timem:s14], [sflag:s22] =	dma.local [hbm:s12], s20  }
0xa8: {  	_ =	swait.ge [sflag:s22], s20  }
0xa9: {  	s11 =	ssub.s32 $0x0, s20;
	[sflag:s22] =	ssyncset.done $0x0  }
0xaa: {  	[sflag:s22] =	ssyncadd.s32 s11;
	_ =	sdelay $0x1  }
0xab: {  	s23 =	simm.s32 $0x1B8B  }
0xac: {  	_ =	swait.ge [sflag:s23], $0x1  }
0xad: {  	[sflag:s23] =	ssyncset.done $0x0  }
0xae: {  	s25 =	simm.s32 $0x1B8E;
	s24 =	sld [smem:$0x3FFE];
	[sflag:s23] =	ssyncadd.s32 $0xFFFFFFFF  }
0xaf: {  	s26 =	simm.s32 $execute0_lowered;
	[smem:$0x3FD2] =	sst s25  }
0xb0: {  	s12 =	sshll.u32 s26, $0x1;
	_ =	strace $0x80000046;
	[dreg:$0x1] =	wrdreg $0xFFFFFFFF  }
0xb1: {  	s28 =	simm.s32 $_size_execute0_lowered;
	s10 =	sadd.s32 s10, s12;
	[dreg:$0x0] =	wrdreg $0x0  }
0xb2: {  	s12 =	sshll.u32 s28, $0x1;
	[dreg:$0x2] =	wrdreg s10  }
0xb3: {  	[dreg:$0x3] =	wrdreg s12  }
0xb4: {  	[dreg:$0x4] =	wrdreg $0xC0  }
0xb5: {  	_ =	task [dreg:s14], $0x5FFFF  }
0xb6: {  	[dreg:$0x1] =	wrdreg $0xFFFFFFFF  }
0xb7: {  	[dreg:$0x0] =	wrdreg $0x60  }
0xb8: {  	[dreg:$0x2] =	wrdreg s24  }
0xb9: {  	[dreg:$0x3] =	wrdreg s2  }
0xba: {  	[dreg:$0x4] =	wrdreg s4  }
0xbb: {  	[dreg:$0x5] =	wrdreg s5  }
0xbc: {  	[dreg:$0x6] =	wrdreg s6  }
0xbd: {  	[dreg:$0x7] =	wrdreg s16  }
0xbe: {  	[dreg:$0x8] =	wrdreg s17  }
0xbf: {  	[dreg:$0x9] =	wrdreg s9  }
0xc0: {  	[dreg:$0xa] =	wrdreg s18  }
0xc1: {  	[dreg:$0xb] =	wrdreg $0x148000  }
0xc2: {  	[dreg:$0xc] =	wrdreg $0xA  }
0xc3: {  	_ =	task.clear_ibuf [dreg:s14], $0xDFFFF;
	_ =	strace $0x90000046  }
0xc4: {  	s29 =	simm.s32 $0xA;
	_ =	strace $0x80000048  }
0xc5: {  	_ =	swait.ge [sflag:s29], $0x1  }
0xc6: {  	[sflag:s29] =	ssyncadd.s32 $0xFFFFFFFF  }
0xc7: {  	_ =	strace $0x90000048  }
0xc8: {  	_ =	sfence  }
0xc9: {  	s30 =	sld [smem:$0x0];
	_ =	sdelay $0x2  }
0xca: {  	s31 =	sshll.u32 s1, $0xD;
	s1 =	sshrl.u32 s1, $0x2  }
0xcb: {  	s3 =	sand.u32 $0x4000, s31;
	s1 =	sadd.s32 s1, s30  }
0xcc: {  	s0 =	sor.u32 s3, s0;
	s1 =	sshll.u32 s1, $0x11  }
0xcd: {  	s0 =	sor.u32 s1, s0  }
0xce: {  	s0 =	sadd.s32 $0x8F2B, s0  }
0xcf: {  	[sflag:s0] =	ssyncadd.remote.s32 $0x1  }
0xd0: {  	_ =	sfence.sel $0xFFFF  }
0xd1: {  	[dreg:$0x0] =	wrdreg $0xFFFFFFFF;
	(pc) =	sbr.abs _section_cstart, $3  }
0xd2: {  	[dreg:$0x1] =	wrdreg $0xFFFFFFFF  }
0xd3: {  	_ =	task.clear_ibuf [dreg:s14], $0x2FFFF;
	_ =	strace $0x9FFFFFFF  }
0xd4: {  	(tm) =	ssettm $0x7FFFFFFF  }
0xd5: {  	_ =	shalt  }
tec
execute0_lowered:
.L_overlay_start_1:
0x0: {  	(tag) =	ssettag $0x1  }
0x1: {  	s0 =	rddreg [dreg:$0x0]  }
0x2: {  	s4 =	rddreg [dreg:$0x1]  }
0x3: {  	s5 =	rddreg [dreg:$0x2]  }
0x4: {  	s6 =	rddreg [dreg:$0x3]  }
0x5: {  	s7 =	rddreg [dreg:$0x4]  }
0x6: {  	s8 =	rddreg [dreg:$0x5]  }
0x7: {  	s9 =	rddreg [dreg:$0x6]  }
0x8: {  	s11 =	rddreg [dreg:$0x7]  }
0x9: {  	s12 =	rddreg [dreg:$0x8]  }
0xa: {  	s1 =	rddreg [dreg:$0x9]  }
0xb: {  	s2 =	simm.s32 $0x0;
	s3 =	srdreg.scid;
	s13 =	stileid.u32  }
0xc: {  	s17 =	simm.s32 $0x4800;
	s18 =	simm.s32 $0x100;
	s19 =	simm.s32 $0x8800  }
0xd: {  	s20 =	simm.s32 $0x1;
	s21 =	simm.s32 $0x2;
	s22 =	simm.s32 $0x0  }
0xe: {  	[smem:$0x7FF] =	sst s2;
	s10 =	sand.u32 $0x1, s3;
	s15 =	sshll.u32 s13, $0x9  }
0xf: {  	s0 =	sadd.s32 $0x12600, s0;
	s26 =	sshll.u32 s13, $0x10;
	p0 =	sne.s32 s13, $0x0  }
0x10: {  	_ =	strace $0x80000047;
	s14 =	ssub.s32 $0x2, s10;
	s16 =	sshll.u32 s10, $0x8  }
0x11: {  	[dreg:$0xb] =	wrdreg s0;
	s28 =	sadd.s32 s26, s8;
	s29 =	sshll.u32 s10, $0xF  }
0x12: {  	s30 =	sadd.s32 s26, s9;
	s31 =	sadd.s32 s26, s11;
	s12 =	sadd.s32 s26, s12  }
0x13: {  	s13 =	sshrl.u32 @!p0 s1, $0x3;
	s23 =	sshrl.u32 s14, $0x1;
	s15 =	sor.u32 s16, s15  }
0x14: {  	s9 =	sadd.s32 s29, s28;
	s10 =	sadd.s32 s29, s30;
	s11 =	sadd.s32 s29, s31  }
0x15: {  	s12 =	sadd.s32 s29, s12;
	s16 =	simm.s32 $0x800;
	s0 =	ssub.s32 s14, s23  }
0x16: {  	s24 =	sadd.s32 s4, s15;
	s25 =	sadd.s32 s5, s15;
	s6 =	sadd.s32 s6, s15  }
0x17: {  	s7 =	sadd.s32 s7, s15;
	s14 =	simm.s32 $0x3;
	[dreg:$0xc] =	wrdreg s24  }
0x18: {  	s15 =	simm.s32 $0x80;
	[dreg:$0xd] =	wrdreg s25;
	s8 =	smax.u32 s0, $0x1  }
.LBB2_1:
0x19: {  	s0 =	simm.s32 @!p0 $0x1C03;
	s3 =	rddreg [dreg:$0xb]  }
0x1a: {  	[spmem:s13], [sflag:s0] =	dma.local @!p0 [hbm:s3], $0x10000  }
0x1b: {  	s0 =	simm.s32 @!p0 $0x3  }
0x1c: {  	_ =	swait.ge @!p0 [sflag:s0], $0x10000  }
0x1d: {  	[sflag:s0] =	ssyncset.done @!p0 $0x0  }
0x1e: {  	[sflag:s0] =	ssyncadd.s32 @!p0 $0xFFFF0000  }
0x1f: {  	[bflag:$0x0] =	sbarrier.arrive $0xFFFF  }
0x20: {  	s26 =	smul.u32 $0xCD, s2;
	s23 =	simm.s32 $0x1;
	s25 =	rddreg [dreg:$0xc]  }
0x21: {  	[tilespmem:s2], [sflag:$0x3] =	stream.linear.gather [hbm4b:s25+s2], $0x800, $0x38;
	[tilespmem:$0x1C800] =	vst v63  }
0x22: {  	s24 =	simm.s32 $0x3;
	p1 =	por $0x0, $0x0;
	_ =	swait.ge [sflag:s14], $0x800  }
0x23: {  	s28 =	smul.u32 $0xCD, s23;
	s0 =	sshrl.u32 s26, $0xA;
	[sflag:s14] =	ssyncset.done $0x0  }
0x24: {  	s24 =	smul.u32 @!p1 $0xCD, s24;
	s0 =	sand.u32 $0x3F, s0;
	[sflag:s14] =	ssyncadd.s32 $0xFFFFF800  }
0x25: {  	[tilespmem:s16], [sflag:$0x1] =	stream.indirect.gather [spmem:s1], $0x80, s2, s15, $0xb8;
	[tilespmem:$0x1C800] =	vst v63  }
0x26: {  	s29 =	simm.s32 $0x180;
	p2 =	por @!p1 $0x1, $0x1;
	s0 =	smul.u32 $0x5, s0  }
0x27: {  	[tilespmem:s17], [sflag:$0x1] =	stream.indirect.gather [spmem:s1], $0x80, s15, s15, $0xb8;
	[tilespmem:$0x1C800] =	vst v63  }
0x28: {  	s30 =	simm.s32 @!p1 $0x80;
	p2 =	por p2, p1;
	s0 =	ssub.s32 $0x0, s0  }
0x29: {  	[tilespmem:s19], [sflag:$0x1] =	stream.indirect.gather [spmem:s1], $0x80, s18, s15, $0xb8;
	[tilespmem:$0x1C800] =	vst v63  }
0x2a: {  	s24 =	sshrl.u32 @!p1 s24, $0xA;
	s0 =	sand.u32 $0xFF, s0;
	_ =	swait.ge [sflag:s20], $0x4000  }
0x2b: {  	s24 =	sand.u32 @!p1 $0x3F, s24;
	s0 =	sshll.u32 s0, $0xE;
	[sflag:s20] =	ssyncset.done $0x0  }
0x2c: {  	s24 =	smul.u32 @!p1 $0x5, s24;
	s0 =	sor.u32 $0x800, s0;
	[sflag:s20] =	ssyncadd.s32 $0xFFFFC000  }
0x2d: {  	[hbm4b:s9+s2] =	stream.linear.scatter [tilespmem:s0], [sflag:$0x2], $0x4000, $0x38;
	[tilespmem:$0x1C800] =	vst v63  }
0x2e: {  	s31 =	simm.s32 @!p2 $0x2;
	s26 =	simm.s32 $0x2;
	s0 =	ssub.s32 @!p1 $0x3, s24  }
0x2f: {  	s25 =	sadd.s32 $0x800, s9;
	s0 =	sand.u32 @!p1 $0xFF, s0;
	_ =	swait.ge @!p2 [sflag:s31], $0x4000  }
0x30: {  	s24 =	simm.s32 $0x200;
	[sflag:s31] =	ssyncset.done @!p2 $0x0;
	s0 =	sshll.u32 @!p1 s0, $0xE  }
.LBB2_2:
0x31: {  	s3 =	smul.u32 $0xCD, s26  }
0x32: {  	s0 =	sor.u32 @!p1 $0x800, s0;
	s4 =	smov.u32 s26;
	s26 =	sadd.s32 $0x1, s26  }
0x33: {  	s28 =	sshrl.u32 s28, $0xA;
	p3 =	sne.s32 s26, $0x10;
	[sflag:s31] =	ssyncadd.s32 @!p2 $0xFFFFC000  }
0x34: {  	[tilespmem:s0], [sflag:$0x1] =	stream.indirect.gather @!p1 [spmem:s1], $0x80, s29, s30, $0xb8;
	[tilespmem:$0x1C800] =	vst v63  }
0x35: {  	s0 =	sand.u32 $0x3F, s28  }
0x36: {  	s31 =	sadd.s32 $0x3, s23;
	p1 =	sgt.u32 s23, $0xC;
	s0 =	smul.u32 $0x5, s0  }
0x37: {  	p2 =	slt.u32 @!p1 s23, $0x2;
	s30 =	simm.s32 @!p1 $0x80;
	s5 =	smul.u32 @!p1 $0xCD, s31  }
0x38: {  	s28 =	smov.u32 s3;
	s29 =	smov.u32 s24;
	p2 =	por p2, p1  }
0x39: {  	s0 =	ssub.s32 s23, s0;
	s23 =	smov.u32 s4;
	s3 =	sshrl.u32 @!p1 s5, $0xA  }
0x3a: {  	s0 =	sand.u32 $0xFF, s0;
	s3 =	sand.u32 @!p1 $0x3F, s3;
	_ =	swait.ge [sflag:s20], $0x4000  }
0x3b: {  	s0 =	sshll.u32 s0, $0xE;
	s3 =	smul.u32 @!p1 $0x5, s3;
	[sflag:s20] =	ssyncset.done $0x0  }
.Ltmp0:
0x3c: {  	s0 =	sor.u32 $0x800, s0;
	[sflag:s20] =	ssyncadd.s32 $0xFFFFC000;
	(pc) =	sbr.rel @p3 .LBB2_2-.Ltmp0, $4  }
0x3d: {  	[hbm4b:s25+s2] =	stream.linear.scatter [tilespmem:s0], [sflag:$0x2], $0x4000, $0x38;
	[tilespmem:$0x1C800] =	vst v63  }
0x3e: {  	s0 =	ssub.s32 @!p1 s31, s3;
	s31 =	simm.s32 @!p2 $0x2  }
0x3f: {  	s25 =	sadd.s32 $0x800, s25;
	s0 =	sand.u32 @!p1 $0xFF, s0;
	_ =	swait.ge @!p2 [sflag:s31], $0x4000  }
0x40: {  	s24 =	sadd.s32 $0x80, s24;
	s0 =	sshll.u32 @!p1 s0, $0xE;
	[sflag:s31] =	ssyncset.done @!p2 $0x0  }
0x41: {  	s0 =	sor.u32 @!p1 $0x800, s0;
	s3 =	sshrl.u32 s28, $0xA;
	[sflag:s31] =	ssyncadd.s32 @!p2 $0xFFFFC000  }
0x42: {  	[tilespmem:s0], [sflag:$0x1] =	stream.indirect.gather @!p1 [spmem:s1], $0x80, s29, s30, $0xb8;
	[tilespmem:$0x1C800] =	vst v63  }
0x43: {  	s5 =	sand.u32 $0x3F, s3  }
0x44: {  	s3 =	sadd.s32 $0x3, s23;
	p1 =	sgt.u32 s23, $0xC;
	s0 =	smul.u32 $0x5, s5  }
0x45: {  	s4 =	smul.u32 @!p1 $0xCD, s3  }
0x46: {  	p2 =	slt.u32 @!p1 s23, $0x2;
	_ =	swait.ge [sflag:s20], $0x4000;
	s0 =	ssub.s32 s23, s0  }
0x47: {  	p2 =	por p2, p1;
	s4 =	sshrl.u32 @!p1 s4, $0xA;
	s0 =	sand.u32 $0xFF, s0  }
0x48: {  	[sflag:s20] =	ssyncset.done $0x0;
	s4 =	sand.u32 @!p1 $0x3F, s4;
	s0 =	sshll.u32 s0, $0xE  }
0x49: {  	[sflag:s20] =	ssyncadd.s32 $0xFFFFC000;
	s4 =	smul.u32 @!p1 $0x5, s4;
	s0 =	sor.u32 $0x800, s0  }
0x4a: {  	[hbm4b:s25+s2] =	stream.linear.scatter [tilespmem:s0], [sflag:$0x2], $0x4000, $0x38;
	[tilespmem:$0x1C800] =	vst v63  }
0x4b: {  	s0 =	ssub.s32 @!p1 s3, s4;
	s3 =	simm.s32 @!p2 $0x2  }
0x4c: {  	s0 =	sand.u32 @!p1 $0xFF, s0;
	_ =	swait.ge @!p2 [sflag:s3], $0x4000  }
0x4d: {  	[sflag:s3] =	ssyncset.done @!p2 $0x0;
	s0 =	sshll.u32 @!p1 s0, $0xE  }
0x4e: {  	s4 =	simm.s32 @!p1 $0x80;
	s0 =	sor.u32 @!p1 $0x800, s0;
	[sflag:s3] =	ssyncadd.s32 @!p2 $0xFFFFC000  }
0x4f: {  	[tilespmem:s0], [sflag:$0x1] =	stream.indirect.gather @!p1 [spmem:s1], $0x80, s24, s4, $0xb8;
	[tilespmem:$0x1C800] =	vst v63  }
0x50: {  	_ =	swait.ge [sflag:s21], $0x4000  }
0x51: {  	[sflag:s21] =	ssyncset.done $0x0  }
0x52: {  	[sflag:s21] =	ssyncadd.s32 $0xFFFFC000  }
0x53: {  	_ =	swait.ge [sflag:s21], $0x4000  }
0x54: {  	[sflag:s21] =	ssyncset.done $0x0  }
0x55: {  	[sflag:s21] =	ssyncadd.s32 $0xFFFFC000  }
0x56: {  	_ =	swait.ge [sflag:s21], $0x4000  }
0x57: {  	[sflag:s21] =	ssyncset.done $0x0  }
0x58: {  	[sflag:s21] =	ssyncadd.s32 $0xFFFFC000  }
0x59: {  	_ =	swait.ge [sflag:s21], $0x4000  }
0x5a: {  	[sflag:s21] =	ssyncset.done $0x0  }
0x5b: {  	[sflag:s21] =	ssyncadd.s32 $0xFFFFC000  }
0x5c: {  	_ =	swait.ge [sflag:s21], $0x4000  }
0x5d: {  	s23 =	simm.s32 $0x1;
	s25 =	simm.s32 $0x0;
	[sflag:s21] =	ssyncset.done $0x0  }
0x5e: {  	s0 =	smul.u32 $0xCD, s25;
	s26 =	rddreg [dreg:$0xd];
	[sflag:s21] =	ssyncadd.s32 $0xFFFFC000  }
0x5f: {  	[tilespmem:s25], [sflag:$0x3] =	stream.linear.gather [hbm4b:s26+s25], $0x800, $0x38;
	[tilespmem:$0x1C800] =	vst v63  }
0x60: {  	s29 =	simm.s32 $0x180;
	s28 =	smul.u32 $0xCD, s23;
	_ =	swait.ge [sflag:s14], $0x800  }
0x61: {  	s3 =	simm.s32 $0x3;
	s0 =	sshrl.u32 s0, $0xA;
	[sflag:s14] =	ssyncset.done $0x0  }
0x62: {  	p1 =	por $0x0, $0x0;
	s0 =	sand.u32 $0x3F, s0;
	[sflag:s14] =	ssyncadd.s32 $0xFFFFF800  }
0x63: {  	[tilespmem:s16], [sflag:$0x1] =	stream.indirect.gather [spmem:s1], $0x80, s25, s15, $0xb8;
	[tilespmem:$0x1C800] =	vst v63  }
0x64: {  	s24 =	simm.s32 $0x200;
	p2 =	por @!p1 $0x1, $0x1;
	s0 =	smul.u32 $0x5, s0  }
0x65: {  	[tilespmem:s17], [sflag:$0x1] =	stream.indirect.gather [spmem:s1], $0x80, s15, s15, $0xb8;
	[tilespmem:$0x1C800] =	vst v63  }
0x66: {  	s3 =	smul.u32 @!p1 $0xCD, s3;
	p2 =	por p2, p1;
	s0 =	ssub.s32 $0x0, s0  }
0x67: {  	[tilespmem:s19], [sflag:$0x1] =	stream.indirect.gather [spmem:s1], $0x80, s18, s15, $0xb8;
	[tilespmem:$0x1C800] =	vst v63  }
0x68: {  	s3 =	sshrl.u32 @!p1 s3, $0xA;
	s0 =	sand.u32 $0xFF, s0;
	_ =	swait.ge [sflag:s20], $0x4000  }
0x69: {  	s3 =	sand.u32 @!p1 $0x3F, s3;
	s0 =	sshll.u32 s0, $0xE;
	[sflag:s20] =	ssyncset.done $0x0  }
0x6a: {  	s3 =	smul.u32 @!p1 $0x5, s3;
	s0 =	sor.u32 $0x800, s0;
	[sflag:s20] =	ssyncadd.s32 $0xFFFFC000  }
0x6b: {  	[hbm4b:s10+s2] =	stream.linear.scatter [tilespmem:s0], [sflag:$0x2], $0x4000, $0x38;
	[tilespmem:$0x1C800] =	vst v63  }
0x6c: {  	s30 =	simm.s32 @!p1 $0x80;
	s31 =	simm.s32 @!p2 $0x2;
	s0 =	ssub.s32 @!p1 $0x3, s3  }
0x6d: {  	s26 =	simm.s32 $0x2;
	s0 =	sand.u32 @!p1 $0xFF, s0;
	_ =	swait.ge @!p2 [sflag:s31], $0x4000  }
0x6e: {  	s25 =	sadd.s32 $0x800, s10;
	[sflag:s31] =	ssyncset.done @!p2 $0x0;
	s0 =	sshll.u32 @!p1 s0, $0xE  }
.LBB2_4:
0x6f: {  	s3 =	smul.u32 $0xCD, s26  }
0x70: {  	s0 =	sor.u32 @!p1 $0x800, s0;
	s4 =	smov.u32 s26;
	s26 =	sadd.s32 $0x1, s26  }
0x71: {  	s5 =	sshrl.u32 s28, $0xA;
	p3 =	sne.s32 s26, $0x10;
	[sflag:s31] =	ssyncadd.s32 @!p2 $0xFFFFC000  }
0x72: {  	[tilespmem:s0], [sflag:$0x1] =	stream.indirect.gather @!p1 [spmem:s1], $0x80, s29, s30, $0xb8;
	[tilespmem:$0x1C800] =	vst v63  }
0x73: {  	s0 =	sand.u32 $0x3F, s5  }
0x74: {  	s5 =	sadd.s32 $0x3, s23;
	p1 =	sgt.u32 s23, $0xC;
	s0 =	smul.u32 $0x5, s0  }
0x75: {  	p2 =	slt.u32 @!p1 s23, $0x2;
	s30 =	simm.s32 @!p1 $0x80;
	s31 =	smul.u32 @!p1 $0xCD, s5  }
0x76: {  	s28 =	smov.u32 s3;
	s29 =	smov.u32 s24;
	p2 =	por p2, p1  }
0x77: {  	s0 =	ssub.s32 s23, s0;
	s23 =	smov.u32 s4;
	s3 =	sshrl.u32 @!p1 s31, $0xA  }
0x78: {  	s0 =	sand.u32 $0xFF, s0;
	s3 =	sand.u32 @!p1 $0x3F, s3;
	_ =	swait.ge [sflag:s20], $0x4000  }
0x79: {  	s0 =	sshll.u32 s0, $0xE;
	s3 =	smul.u32 @!p1 $0x5, s3;
	[sflag:s20] =	ssyncset.done $0x0  }
.Ltmp1:
0x7a: {  	s0 =	sor.u32 $0x800, s0;
	[sflag:s20] =	ssyncadd.s32 $0xFFFFC000;
	(pc) =	sbr.rel @p3 .LBB2_4-.Ltmp1, $4  }
0x7b: {  	[hbm4b:s25+s2] =	stream.linear.scatter [tilespmem:s0], [sflag:$0x2], $0x4000, $0x38;
	[tilespmem:$0x1C800] =	vst v63  }
0x7c: {  	s31 =	simm.s32 @!p2 $0x2;
	s0 =	ssub.s32 @!p1 s5, s3  }
0x7d: {  	s25 =	sadd.s32 $0x800, s25;
	s0 =	sand.u32 @!p1 $0xFF, s0;
	_ =	swait.ge @!p2 [sflag:s31], $0x4000  }
0x7e: {  	s24 =	sadd.s32 $0x80, s24;
	s0 =	sshll.u32 @!p1 s0, $0xE;
	[sflag:s31] =	ssyncset.done @!p2 $0x0  }
0x7f: {  	s0 =	sor.u32 @!p1 $0x800, s0;
	s3 =	sshrl.u32 s28, $0xA;
	[sflag:s31] =	ssyncadd.s32 @!p2 $0xFFFFC000  }
0x80: {  	[tilespmem:s0], [sflag:$0x1] =	stream.indirect.gather @!p1 [spmem:s1], $0x80, s29, s30, $0xb8;
	[tilespmem:$0x1C800] =	vst v63  }
0x81: {  	s5 =	sand.u32 $0x3F, s3  }
0x82: {  	s3 =	sadd.s32 $0x3, s23;
	p1 =	sgt.u32 s23, $0xC;
	s0 =	smul.u32 $0x5, s5  }
0x83: {  	s4 =	smul.u32 @!p1 $0xCD, s3  }
0x84: {  	p2 =	slt.u32 @!p1 s23, $0x2;
	_ =	swait.ge [sflag:s20], $0x4000;
	s0 =	ssub.s32 s23, s0  }
0x85: {  	p2 =	por p2, p1;
	s4 =	sshrl.u32 @!p1 s4, $0xA;
	s0 =	sand.u32 $0xFF, s0  }
0x86: {  	[sflag:s20] =	ssyncset.done $0x0;
	s4 =	sand.u32 @!p1 $0x3F, s4;
	s0 =	sshll.u32 s0, $0xE  }
0x87: {  	[sflag:s20] =	ssyncadd.s32 $0xFFFFC000;
	s4 =	smul.u32 @!p1 $0x5, s4;
	s0 =	sor.u32 $0x800, s0  }
0x88: {  	[hbm4b:s25+s2] =	stream.linear.scatter [tilespmem:s0], [sflag:$0x2], $0x4000, $0x38;
	[tilespmem:$0x1C800] =	vst v63  }
0x89: {  	s0 =	ssub.s32 @!p1 s3, s4;
	s3 =	simm.s32 @!p2 $0x2  }
0x8a: {  	s0 =	sand.u32 @!p1 $0xFF, s0;
	_ =	swait.ge @!p2 [sflag:s3], $0x4000  }
0x8b: {  	[sflag:s3] =	ssyncset.done @!p2 $0x0;
	s0 =	sshll.u32 @!p1 s0, $0xE  }
0x8c: {  	s4 =	simm.s32 @!p1 $0x80;
	s0 =	sor.u32 @!p1 $0x800, s0;
	[sflag:s3] =	ssyncadd.s32 @!p2 $0xFFFFC000  }
0x8d: {  	[tilespmem:s0], [sflag:$0x1] =	stream.indirect.gather @!p1 [spmem:s1], $0x80, s24, s4, $0xb8;
	[tilespmem:$0x1C800] =	vst v63  }
0x8e: {  	_ =	swait.ge [sflag:s21], $0x4000  }
0x8f: {  	[sflag:s21] =	ssyncset.done $0x0  }
0x90: {  	[sflag:s21] =	ssyncadd.s32 $0xFFFFC000  }
0x91: {  	_ =	swait.ge [sflag:s21], $0x4000  }
0x92: {  	[sflag:s21] =	ssyncset.done $0x0  }
0x93: {  	[sflag:s21] =	ssyncadd.s32 $0xFFFFC000  }
0x94: {  	_ =	swait.ge [sflag:s21], $0x4000  }
0x95: {  	[sflag:s21] =	ssyncset.done $0x0  }
0x96: {  	[sflag:s21] =	ssyncadd.s32 $0xFFFFC000  }
0x97: {  	_ =	swait.ge [sflag:s21], $0x4000  }
0x98: {  	[sflag:s21] =	ssyncset.done $0x0  }
0x99: {  	[sflag:s21] =	ssyncadd.s32 $0xFFFFC000  }
0x9a: {  	_ =	swait.ge [sflag:s21], $0x4000  }
0x9b: {  	s26 =	simm.s32 $0x0;
	[sflag:s21] =	ssyncset.done $0x0  }
0x9c: {  	s23 =	simm.s32 $0x1;
	s0 =	smul.u32 $0xCD, s26;
	[sflag:s21] =	ssyncadd.s32 $0xFFFFC000  }
0x9d: {  	[tilespmem:s26], [sflag:$0x3] =	stream.linear.gather [hbm4b:s6+s26], $0x800, $0x38;
	[tilespmem:$0x1C800] =	vst v63  }
0x9e: {  	s29 =	simm.s32 $0x180;
	s28 =	smul.u32 $0xCD, s23;
	_ =	swait.ge [sflag:s14], $0x800  }
0x9f: {  	s25 =	sadd.s32 $0x800, s11;
	s0 =	sshrl.u32 s0, $0xA;
	[sflag:s14] =	ssyncset.done $0x0  }
0xa0: {  	p1 =	por $0x0, $0x0;
	s0 =	sand.u32 $0x3F, s0;
	[sflag:s14] =	ssyncadd.s32 $0xFFFFF800  }
0xa1: {  	[tilespmem:s16], [sflag:$0x1] =	stream.indirect.gather [spmem:s1], $0x80, s26, s15, $0xb8;
	[tilespmem:$0x1C800] =	vst v63  }
0xa2: {  	s3 =	simm.s32 $0x3;
	p2 =	por @!p1 $0x1, $0x1;
	s0 =	smul.u32 $0x5, s0  }
0xa3: {  	[tilespmem:s17], [sflag:$0x1] =	stream.indirect.gather [spmem:s1], $0x80, s15, s15, $0xb8;
	[tilespmem:$0x1C800] =	vst v63  }
0xa4: {  	s3 =	smul.u32 @!p1 $0xCD, s3;
	p2 =	por p2, p1;
	s0 =	ssub.s32 $0x0, s0  }
0xa5: {  	[tilespmem:s19], [sflag:$0x1] =	stream.indirect.gather [spmem:s1], $0x80, s18, s15, $0xb8;
	[tilespmem:$0x1C800] =	vst v63  }
0xa6: {  	s3 =	sshrl.u32 @!p1 s3, $0xA;
	s0 =	sand.u32 $0xFF, s0;
	_ =	swait.ge [sflag:s20], $0x4000  }
0xa7: {  	s3 =	sand.u32 @!p1 $0x3F, s3;
	s0 =	sshll.u32 s0, $0xE;
	[sflag:s20] =	ssyncset.done $0x0  }
0xa8: {  	s3 =	smul.u32 @!p1 $0x5, s3;
	s0 =	sor.u32 $0x800, s0;
	[sflag:s20] =	ssyncadd.s32 $0xFFFFC000  }
0xa9: {  	[hbm4b:s11+s2] =	stream.linear.scatter [tilespmem:s0], [sflag:$0x2], $0x4000, $0x38;
	[tilespmem:$0x1C800] =	vst v63  }
0xaa: {  	s24 =	simm.s32 $0x200;
	s31 =	simm.s32 @!p2 $0x2;
	s0 =	ssub.s32 @!p1 $0x3, s3  }
0xab: {  	s30 =	simm.s32 @!p1 $0x80;
	s0 =	sand.u32 @!p1 $0xFF, s0;
	_ =	swait.ge @!p2 [sflag:s31], $0x4000  }
0xac: {  	s26 =	simm.s32 $0x2;
	[sflag:s31] =	ssyncset.done @!p2 $0x0;
	s0 =	sshll.u32 @!p1 s0, $0xE  }
.LBB2_6:
0xad: {  	s3 =	smul.u32 $0xCD, s26  }
0xae: {  	s0 =	sor.u32 @!p1 $0x800, s0;
	s4 =	smov.u32 s26;
	s26 =	sadd.s32 $0x1, s26  }
0xaf: {  	s5 =	sshrl.u32 s28, $0xA;
	p3 =	sne.s32 s26, $0x10;
	[sflag:s31] =	ssyncadd.s32 @!p2 $0xFFFFC000  }
0xb0: {  	[tilespmem:s0], [sflag:$0x1] =	stream.indirect.gather @!p1 [spmem:s1], $0x80, s29, s30, $0xb8;
	[tilespmem:$0x1C800] =	vst v63  }
0xb1: {  	s0 =	sand.u32 $0x3F, s5  }
0xb2: {  	s5 =	sadd.s32 $0x3, s23;
	p1 =	sgt.u32 s23, $0xC;
	s0 =	smul.u32 $0x5, s0  }
0xb3: {  	p2 =	slt.u32 @!p1 s23, $0x2;
	s30 =	simm.s32 @!p1 $0x80;
	s31 =	smul.u32 @!p1 $0xCD, s5  }
0xb4: {  	s28 =	smov.u32 s3;
	s29 =	smov.u32 s24;
	p2 =	por p2, p1  }
0xb5: {  	s0 =	ssub.s32 s23, s0;
	s23 =	smov.u32 s4;
	s3 =	sshrl.u32 @!p1 s31, $0xA  }
0xb6: {  	s0 =	sand.u32 $0xFF, s0;
	s3 =	sand.u32 @!p1 $0x3F, s3;
	_ =	swait.ge [sflag:s20], $0x4000  }
0xb7: {  	s0 =	sshll.u32 s0, $0xE;
	s3 =	smul.u32 @!p1 $0x5, s3;
	[sflag:s20] =	ssyncset.done $0x0  }
.Ltmp2:
0xb8: {  	s0 =	sor.u32 $0x800, s0;
	[sflag:s20] =	ssyncadd.s32 $0xFFFFC000;
	(pc) =	sbr.rel @p3 .LBB2_6-.Ltmp2, $4  }
0xb9: {  	[hbm4b:s25+s2] =	stream.linear.scatter [tilespmem:s0], [sflag:$0x2], $0x4000, $0x38;
	[tilespmem:$0x1C800] =	vst v63  }
0xba: {  	s31 =	simm.s32 @!p2 $0x2;
	s0 =	ssub.s32 @!p1 s5, s3  }
0xbb: {  	s25 =	sadd.s32 $0x800, s25;
	s0 =	sand.u32 @!p1 $0xFF, s0;
	_ =	swait.ge @!p2 [sflag:s31], $0x4000  }
0xbc: {  	s24 =	sadd.s32 $0x80, s24;
	s0 =	sshll.u32 @!p1 s0, $0xE;
	[sflag:s31] =	ssyncset.done @!p2 $0x0  }
0xbd: {  	s0 =	sor.u32 @!p1 $0x800, s0;
	s3 =	sshrl.u32 s28, $0xA;
	[sflag:s31] =	ssyncadd.s32 @!p2 $0xFFFFC000  }
0xbe: {  	[tilespmem:s0], [sflag:$0x1] =	stream.indirect.gather @!p1 [spmem:s1], $0x80, s29, s30, $0xb8;
	[tilespmem:$0x1C800] =	vst v63  }
0xbf: {  	s5 =	sand.u32 $0x3F, s3  }
0xc0: {  	s3 =	sadd.s32 $0x3, s23;
	p1 =	sgt.u32 s23, $0xC;
	s0 =	smul.u32 $0x5, s5  }
0xc1: {  	s4 =	smul.u32 @!p1 $0xCD, s3  }
0xc2: {  	p2 =	slt.u32 @!p1 s23, $0x2;
	_ =	swait.ge [sflag:s20], $0x4000;
	s0 =	ssub.s32 s23, s0  }
0xc3: {  	p2 =	por p2, p1;
	s4 =	sshrl.u32 @!p1 s4, $0xA;
	s0 =	sand.u32 $0xFF, s0  }
0xc4: {  	[sflag:s20] =	ssyncset.done $0x0;
	s4 =	sand.u32 @!p1 $0x3F, s4;
	s0 =	sshll.u32 s0, $0xE  }
0xc5: {  	[sflag:s20] =	ssyncadd.s32 $0xFFFFC000;
	s4 =	smul.u32 @!p1 $0x5, s4;
	s0 =	sor.u32 $0x800, s0  }
0xc6: {  	[hbm4b:s25+s2] =	stream.linear.scatter [tilespmem:s0], [sflag:$0x2], $0x4000, $0x38;
	[tilespmem:$0x1C800] =	vst v63  }
0xc7: {  	s0 =	ssub.s32 @!p1 s3, s4;
	s3 =	simm.s32 @!p2 $0x2  }
0xc8: {  	s0 =	sand.u32 @!p1 $0xFF, s0;
	_ =	swait.ge @!p2 [sflag:s3], $0x4000  }
0xc9: {  	[sflag:s3] =	ssyncset.done @!p2 $0x0;
	s0 =	sshll.u32 @!p1 s0, $0xE  }
0xca: {  	s4 =	simm.s32 @!p1 $0x80;
	s0 =	sor.u32 @!p1 $0x800, s0;
	[sflag:s3] =	ssyncadd.s32 @!p2 $0xFFFFC000  }
0xcb: {  	[tilespmem:s0], [sflag:$0x1] =	stream.indirect.gather @!p1 [spmem:s1], $0x80, s24, s4, $0xb8;
	[tilespmem:$0x1C800] =	vst v63  }
0xcc: {  	_ =	swait.ge [sflag:s21], $0x4000  }
0xcd: {  	[sflag:s21] =	ssyncset.done $0x0  }
0xce: {  	[sflag:s21] =	ssyncadd.s32 $0xFFFFC000  }
0xcf: {  	_ =	swait.ge [sflag:s21], $0x4000  }
0xd0: {  	[sflag:s21] =	ssyncset.done $0x0  }
0xd1: {  	[sflag:s21] =	ssyncadd.s32 $0xFFFFC000  }
0xd2: {  	_ =	swait.ge [sflag:s21], $0x4000  }
0xd3: {  	[sflag:s21] =	ssyncset.done $0x0  }
0xd4: {  	[sflag:s21] =	ssyncadd.s32 $0xFFFFC000  }
0xd5: {  	_ =	swait.ge [sflag:s21], $0x4000  }
0xd6: {  	[sflag:s21] =	ssyncset.done $0x0  }
0xd7: {  	[sflag:s21] =	ssyncadd.s32 $0xFFFFC000  }
0xd8: {  	_ =	swait.ge [sflag:s21], $0x4000  }
0xd9: {  	s26 =	simm.s32 $0x0;
	[sflag:s21] =	ssyncset.done $0x0  }
0xda: {  	s23 =	simm.s32 $0x1;
	s0 =	smul.u32 $0xCD, s26;
	[sflag:s21] =	ssyncadd.s32 $0xFFFFC000  }
0xdb: {  	[tilespmem:s26], [sflag:$0x3] =	stream.linear.gather [hbm4b:s7+s26], $0x800, $0x38;
	[tilespmem:$0x1C800] =	vst v63  }
0xdc: {  	s29 =	simm.s32 $0x180;
	s28 =	smul.u32 $0xCD, s23;
	_ =	swait.ge [sflag:s14], $0x800  }
0xdd: {  	s25 =	sadd.s32 $0x800, s12;
	s0 =	sshrl.u32 s0, $0xA;
	[sflag:s14] =	ssyncset.done $0x0  }
0xde: {  	p1 =	por $0x0, $0x0;
	s0 =	sand.u32 $0x3F, s0;
	[sflag:s14] =	ssyncadd.s32 $0xFFFFF800  }
0xdf: {  	[tilespmem:s16], [sflag:$0x1] =	stream.indirect.gather [spmem:s1], $0x80, s26, s15, $0xb8;
	[tilespmem:$0x1C800] =	vst v63  }
0xe0: {  	s3 =	simm.s32 $0x3;
	p2 =	por @!p1 $0x1, $0x1;
	s0 =	smul.u32 $0x5, s0  }
0xe1: {  	[tilespmem:s17], [sflag:$0x1] =	stream.indirect.gather [spmem:s1], $0x80, s15, s15, $0xb8;
	[tilespmem:$0x1C800] =	vst v63  }
0xe2: {  	s3 =	smul.u32 @!p1 $0xCD, s3;
	p2 =	por p2, p1;
	s0 =	ssub.s32 $0x0, s0  }
0xe3: {  	[tilespmem:s19], [sflag:$0x1] =	stream.indirect.gather [spmem:s1], $0x80, s18, s15, $0xb8;
	[tilespmem:$0x1C800] =	vst v63  }
0xe4: {  	s3 =	sshrl.u32 @!p1 s3, $0xA;
	s0 =	sand.u32 $0xFF, s0;
	_ =	swait.ge [sflag:s20], $0x4000  }
0xe5: {  	s3 =	sand.u32 @!p1 $0x3F, s3;
	s0 =	sshll.u32 s0, $0xE;
	[sflag:s20] =	ssyncset.done $0x0  }
0xe6: {  	s3 =	smul.u32 @!p1 $0x5, s3;
	s0 =	sor.u32 $0x800, s0;
	[sflag:s20] =	ssyncadd.s32 $0xFFFFC000  }
0xe7: {  	[hbm4b:s12+s2] =	stream.linear.scatter [tilespmem:s0], [sflag:$0x2], $0x4000, $0x38;
	[tilespmem:$0x1C800] =	vst v63  }
0xe8: {  	s24 =	simm.s32 $0x200;
	s31 =	simm.s32 @!p2 $0x2;
	s0 =	ssub.s32 @!p1 $0x3, s3  }
0xe9: {  	s30 =	simm.s32 @!p1 $0x80;
	s0 =	sand.u32 @!p1 $0xFF, s0;
	_ =	swait.ge @!p2 [sflag:s31], $0x4000  }
0xea: {  	s26 =	simm.s32 $0x2;
	[sflag:s31] =	ssyncset.done @!p2 $0x0;
	s0 =	sshll.u32 @!p1 s0, $0xE  }
.LBB2_8:
0xeb: {  	s3 =	smul.u32 $0xCD, s26  }
0xec: {  	s0 =	sor.u32 @!p1 $0x800, s0;
	s4 =	smov.u32 s26;
	s26 =	sadd.s32 $0x1, s26  }
0xed: {  	s5 =	sshrl.u32 s28, $0xA;
	p3 =	sne.s32 s26, $0x10;
	[sflag:s31] =	ssyncadd.s32 @!p2 $0xFFFFC000  }
0xee: {  	[tilespmem:s0], [sflag:$0x1] =	stream.indirect.gather @!p1 [spmem:s1], $0x80, s29, s30, $0xb8;
	[tilespmem:$0x1C800] =	vst v63  }
0xef: {  	s0 =	sand.u32 $0x3F, s5  }
0xf0: {  	s5 =	sadd.s32 $0x3, s23;
	p1 =	sgt.u32 s23, $0xC;
	s0 =	smul.u32 $0x5, s0  }
0xf1: {  	p2 =	slt.u32 @!p1 s23, $0x2;
	s30 =	simm.s32 @!p1 $0x80;
	s31 =	smul.u32 @!p1 $0xCD, s5  }
0xf2: {  	s28 =	smov.u32 s3;
	s29 =	smov.u32 s24;
	p2 =	por p2, p1  }
0xf3: {  	s0 =	ssub.s32 s23, s0;
	s23 =	smov.u32 s4;
	s3 =	sshrl.u32 @!p1 s31, $0xA  }
0xf4: {  	s0 =	sand.u32 $0xFF, s0;
	s3 =	sand.u32 @!p1 $0x3F, s3;
	_ =	swait.ge [sflag:s20], $0x4000  }
0xf5: {  	s0 =	sshll.u32 s0, $0xE;
	s3 =	smul.u32 @!p1 $0x5, s3;
	[sflag:s20] =	ssyncset.done $0x0  }
.Ltmp3:
0xf6: {  	s0 =	sor.u32 $0x800, s0;
	[sflag:s20] =	ssyncadd.s32 $0xFFFFC000;
	(pc) =	sbr.rel @p3 .LBB2_8-.Ltmp3, $4  }
0xf7: {  	[hbm4b:s25+s2] =	stream.linear.scatter [tilespmem:s0], [sflag:$0x2], $0x4000, $0x38;
	[tilespmem:$0x1C800] =	vst v63  }
0xf8: {  	s31 =	simm.s32 @!p2 $0x2;
	s0 =	ssub.s32 @!p1 s5, s3  }
0xf9: {  	s25 =	sadd.s32 $0x800, s25;
	s0 =	sand.u32 @!p1 $0xFF, s0;
	_ =	swait.ge @!p2 [sflag:s31], $0x4000  }
0xfa: {  	s24 =	sadd.s32 $0x80, s24;
	s0 =	sshll.u32 @!p1 s0, $0xE;
	[sflag:s31] =	ssyncset.done @!p2 $0x0  }
0xfb: {  	s0 =	sor.u32 @!p1 $0x800, s0;
	s3 =	sshrl.u32 s28, $0xA;
	[sflag:s31] =	ssyncadd.s32 @!p2 $0xFFFFC000  }
0xfc: {  	[tilespmem:s0], [sflag:$0x1] =	stream.indirect.gather @!p1 [spmem:s1], $0x80, s29, s30, $0xb8;
	[tilespmem:$0x1C800] =	vst v63  }
0xfd: {  	s31 =	sand.u32 $0x3F, s3  }
0xfe: {  	s3 =	sadd.s32 $0x3, s23;
	p1 =	sgt.u32 s23, $0xC;
	s0 =	smul.u32 $0x5, s31  }
0xff: {  	s4 =	smul.u32 @!p1 $0xCD, s3  }
0x100: {  	p2 =	slt.u32 @!p1 s23, $0x2;
	_ =	swait.ge [sflag:s20], $0x4000;
	s0 =	ssub.s32 s23, s0  }
0x101: {  	p2 =	por p2, p1;
	s4 =	sshrl.u32 @!p1 s4, $0xA;
	s0 =	sand.u32 $0xFF, s0  }
0x102: {  	[sflag:s20] =	ssyncset.done $0x0;
	s4 =	sand.u32 @!p1 $0x3F, s4;
	s0 =	sshll.u32 s0, $0xE  }
0x103: {  	[sflag:s20] =	ssyncadd.s32 $0xFFFFC000;
	s4 =	smul.u32 @!p1 $0x5, s4;
	s0 =	sor.u32 $0x800, s0  }
0x104: {  	[hbm4b:s25+s2] =	stream.linear.scatter [tilespmem:s0], [sflag:$0x2], $0x4000, $0x38;
	[tilespmem:$0x1C800] =	vst v63  }
0x105: {  	s0 =	ssub.s32 @!p1 s3, s4;
	s3 =	simm.s32 @!p2 $0x2  }
0x106: {  	s0 =	sand.u32 @!p1 $0xFF, s0;
	_ =	swait.ge @!p2 [sflag:s3], $0x4000  }
0x107: {  	[sflag:s3] =	ssyncset.done @!p2 $0x0;
	s0 =	sshll.u32 @!p1 s0, $0xE  }
0x108: {  	s4 =	simm.s32 @!p1 $0x80;
	s0 =	sor.u32 @!p1 $0x800, s0;
	[sflag:s3] =	ssyncadd.s32 @!p2 $0xFFFFC000  }
0x109: {  	[tilespmem:s0], [sflag:$0x1] =	stream.indirect.gather @!p1 [spmem:s1], $0x80, s24, s4, $0xb8;
	[tilespmem:$0x1C800] =	vst v63  }
0x10a: {  	_ =	swait.ge [sflag:s21], $0x4000  }
0x10b: {  	[sflag:s21] =	ssyncset.done $0x0  }
0x10c: {  	[sflag:s21] =	ssyncadd.s32 $0xFFFFC000  }
0x10d: {  	_ =	swait.ge [sflag:s21], $0x4000  }
0x10e: {  	[sflag:s21] =	ssyncset.done $0x0  }
0x10f: {  	[sflag:s21] =	ssyncadd.s32 $0xFFFFC000  }
0x110: {  	_ =	swait.ge [sflag:s21], $0x4000  }
0x111: {  	[sflag:s21] =	ssyncset.done $0x0  }
0x112: {  	s22 =	sadd.s32 $0x1, s22;
	[sflag:s21] =	ssyncadd.s32 $0xFFFFC000  }
0x113: {  	p1 =	sne.s32 s22, s8;
	_ =	swait.ge [sflag:s21], $0x4000  }
.Ltmp4:
0x114: {  	[sflag:s21] =	ssyncset.done $0x0;
	(pc) =	sbr.rel @p1 .LBB2_1-.Ltmp4, $4  }
0x115: {  	[sflag:s21] =	ssyncadd.s32 $0xFFFFC000  }
0x116: {  	_ =	swait.ge [sflag:s21], $0x4000  }
0x117: {  	[sflag:s21] =	ssyncset.done $0x0  }
0x118: {  	[sflag:s21] =	ssyncadd.s32 $0xFFFFC000  }
0x119: {  	_ =	sfence.sel $0x180000  }
0x11a: {  	[bflag:$0x0] =	sbarrier.arrive $0xFFFF  }
0x11b: {  	_ =	strace $0x90000047  }
0x11c: {  	[bflag:$0x2] =	sbarrier.arrive $0xFFFF  }
0x11d: {  	s0 =	rddreg [dreg:$0xa]  }
0x11e: {  	s0 =	sadd.s32 @!p0 $0x100000, s0  }
0x11f: {  	[sflag:s0] =	ssyncadd.tile.s32 @!p0 $0x1;
	_ =	shalt  }
.Lfunc_end2:
_tile_overlayer_lowered:
.L_overlay_start_2:
0x120: {  	(tag) =	ssettag $0x2  }
0x121: {  	s0 =	rddreg [dreg:$0x0];
	s2 =	stileid.u32  }
0x122: {  	s1 =	rddreg [dreg:$0x1];
	p0 =	sne.s32 s2, $0x0  }
0x123: {  	s3 =	rddreg [dreg:$0x2];
	[bflag:$0x3] =	sbarrier.arrive $0xFFFF;
	s2 =	simm.s32 @!p0 $0x1C03  }
0x124: {  	[timem:s3], [sflag:s2] =	dma.local @!p0 [hbm:s0], s1  }
0x125: {  	s0 =	simm.s32 @!p0 $0x3  }
0x126: {  	_ =	swait.ge @!p0 [sflag:s0], s1  }
0x127: {  	s1 =	ssub.s32 @!p0 $0x0, s1;
	[sflag:s0] =	ssyncset.done @!p0 $0x0  }
0x128: {  	[sflag:s0] =	ssyncadd.s32 @!p0 s1  }
0x129: {  	[bflag:$0x3] =	sbarrier.arrive $0xFFFF  }
0x12a: {  	_ =	shalt  }

// kernel: kernel.7.cloned.1.call-start
scs
__scs_entry_jumppad:
0x0: {  	(pc) =	sbr.rel $0x88, $3  }
0x1: {  	(tag) =	ssettag $0x0;
	lr =	simm.s32 $0x1  }
0x2: {  	[smem:$0x3F95] =	sst lr;
	_ =	strace $0xD0000000  }
0x3: {  	_ = 	snop  }
0x4: {  	_ = 	snop  }
0x5: {  	_ = 	snop  }
0x6: {  	_ = 	snop  }
0x7: {  	_ = 	snop  }
__scs_overlays_trampoline_lowered:
0x8: {  	[smem:$0x3FA4] =	sst s0  }
0x9: {  	[smem:$0x3FA5] =	sst s1  }
0xa: {  	[smem:$0x3FA6] =	sst s2  }
0xb: {  	[smem:$0x3FA7] =	sst s3  }
0xc: {  	[smem:$0x3FA8] =	sst s4  }
0xd: {  	[smem:$0x3FA9] =	sst s5  }
0xe: {  	[smem:$0x3FAA] =	sst s6  }
0xf: {  	[smem:$0x3FAB] =	sst s7  }
0x10: {  	[smem:$0x3FAC] =	sst s8  }
0x11: {  	[smem:$0x3FAD] =	sst s9;
	s0 =	simm.s32 @!p0 $0x0  }
0x12: {  	s1 =	sld [smem:$0x3F93];
	s0 =	simm.s32 @p0 $0x1  }
0x13: {  	[smem:$0x3FAE] =	sst s0;
	s0 =	simm.s32 @!p1 $0x0  }
0x14: {  	s2 =	sld [smem:$0x3F92];
	s0 =	simm.s32 @p1 $0x1  }
0x15: {  	[smem:$0x3FAF] =	sst s0;
	s0 =	simm.s32 @!p2 $0x0  }
0x16: {  	s3 =	sld [smem:$0x3FDB];
	s0 =	simm.s32 @p2 $0x1  }
0x17: {  	s4 =	simm.s32 $0x1BF5;
	[smem:$0x3FB1] =	sst s0  }
0x18: {  	s0 =	sld [smem:$0x3F94];
	_ =	swait.ge [sflag:s4], $0x0  }
0x19: {  	s7 =	sld [smem:$0x3F95]  }
0x1a: {  	s8 =	sadd.s32 $0xFFFFE003, lr  }
0x1b: {  	s9 =	sadd.s32 $0xFFFFFEF7, lr;
	s5 =	simm.s32 $0xFFFFFFFF;
	p2 =	slt.u32 s8, $0xFFFFF086  }
0x1c: {  	p1 =	slt.u32 s9, $0xF7A;
	s5 =	simm.s32 @!p2 $0x0  }
0x1d: {  	s5 =	simm.s32 @p1 $0x1;
	p0 =	seq.s32 s7, s2  }
0x1e: {  	s7 =	smul.u32 @!p0 $0xF7A, s2;
	p2 =	seq.s32 @!p0 s5, $0x0  }
0x1f: {  	s9 =	smul.u32 $0xF7A, s1;
	s8 =	simm.s32 @!p0 $0x1BF5;
	p2 =	por !p2, p0  }
0x20: {  	[sflag:s8] =	ssyncset.s32 @!p0 $0xFFFFF086;
	s6 =	sadd.s32 @!p0 s3, s7;
	s7 =	simm.s32 @!p0 $0x108  }
0x21: {  	s3 =	sadd.s32 s3, s9;
	s6 =	sadd.s32 @!p0 $0x88, s6;
	s7 =	simm.s32 @p2 $0x1082  }
0x22: {  	[simem:s7], [sflag:s8] =	dma.local @!p0 [hbm:s6], $0xF7A  }
0x23: {  	s9 =	sor.u32 $0xD0000000, s2;
	s6 =	simm.s32 $0x108;
	_ =	swait.ge @!p0 [sflag:s8], $0x0  }
0x24: {  	s3 =	sadd.s32 $0x88, s3;
	s6 =	simm.s32 @!p1 $0x1082;
	[sflag:s4] =	ssyncset.s32 $0xFFFFF086  }
0x25: {  	[simem:s6], [sflag:s4] =	dma.local [hbm:s3], $0xF7A  }
0x26: {  	[smem:$0x3F95] =	sst s1;
	(tag) =	ssettag s2;
	_ =	strace s9  }
0x27: {  	s1 =	sld [smem:$0x3FA5]  }
0x28: {  	s2 =	sld [smem:$0x3FA6]  }
0x29: {  	s4 =	sld [smem:$0x3FA8]  }
0x2a: {  	p0 =	seq.s32 s5, $0x0;
	s5 =	sld [smem:$0x3FA9]  }
0x2b: {  	s6 =	sld [smem:$0x3FAA]  }
0x2c: {  	s7 =	sld [smem:$0x3FAB]  }
0x2d: {  	s3 =	simm.s32 $0x108;
	s8 =	sld [smem:$0x3FAC]  }
0x2e: {  	s3 =	simm.s32 @!p0 $0x1082;
	s9 =	sld [smem:$0x3FAD]  }
0x2f: {  	lr =	sadd.s32 s0, s3;
	s0 =	sld [smem:$0x3FA4]  }
0x30: {  	s3 =	sld [smem:$0x3FA7]  }
0x31: {  	[smem:$0x3FB0] =	sst s10  }
0x32: {  	s10 =	sld [smem:$0x3FAE];
	_ =	sdelay $0x3  }
0x33: {  	p0 =	seq.s32 s10, $0x1;
	s10 =	sld [smem:$0x3FB0];
	_ =	sdelay $0x3  }
0x34: {  	[smem:$0x3FB0] =	sst s10  }
0x35: {  	s10 =	sld [smem:$0x3FAF];
	_ =	sdelay $0x3  }
0x36: {  	p1 =	seq.s32 s10, $0x1;
	s10 =	sld [smem:$0x3FB0];
	_ =	sdelay $0x3  }
0x37: {  	[smem:$0x3FB0] =	sst s10  }
0x38: {  	s10 =	sld [smem:$0x3FB1]  }
0x39: {  	_ = 	snop;
	(pc) =	sbr.ind lr, $3  }
0x3a: {  	_ = 	snop  }
0x3b: {  	_ = 	snop  }
0x3c: {  	p2 =	seq.s32 s10, $0x1;
	s10 =	sld [smem:$0x3FB0]  }
0x3d: {  	_ =	shalt  }
0x3e: {  	_ =	shalt  }
0x3f: {  	_ =	shalt  }
0x40: {  	_ =	shalt  }
0x41: {  	_ =	shalt  }
0x42: {  	_ =	shalt  }
0x43: {  	_ =	shalt  }
0x44: {  	_ =	shalt  }
0x45: {  	_ =	shalt  }
0x46: {  	_ =	shalt  }
0x47: {  	_ =	shalt  }
0x48: {  	_ =	shalt  }
0x49: {  	_ =	shalt  }
0x4a: {  	_ =	shalt  }
0x4b: {  	_ =	shalt  }
0x4c: {  	_ =	shalt  }
0x4d: {  	_ =	shalt  }
0x4e: {  	_ =	shalt  }
0x4f: {  	_ =	shalt  }
0x50: {  	_ =	shalt  }
0x51: {  	_ =	shalt  }
0x52: {  	_ =	shalt  }
0x53: {  	_ =	shalt  }
0x54: {  	_ =	shalt  }
0x55: {  	_ =	shalt  }
0x56: {  	_ =	shalt  }
0x57: {  	_ =	shalt  }
0x58: {  	_ =	shalt  }
0x59: {  	_ =	shalt  }
0x5a: {  	_ =	shalt  }
0x5b: {  	_ =	shalt  }
0x5c: {  	_ =	shalt  }
0x5d: {  	_ =	shalt  }
0x5e: {  	_ =	shalt  }
0x5f: {  	_ =	shalt  }
0x60: {  	_ =	shalt  }
0x61: {  	_ =	shalt  }
0x62: {  	_ =	shalt  }
0x63: {  	_ =	shalt  }
0x64: {  	_ =	shalt  }
0x65: {  	_ =	shalt  }
0x66: {  	_ =	shalt  }
0x67: {  	_ =	shalt  }
0x68: {  	_ =	shalt  }
0x69: {  	_ =	shalt  }
0x6a: {  	_ =	shalt  }
0x6b: {  	_ =	shalt  }
0x6c: {  	_ =	shalt  }
0x6d: {  	_ =	shalt  }
0x6e: {  	_ =	shalt  }
0x6f: {  	_ =	shalt  }
0x70: {  	_ =	shalt  }
0x71: {  	_ =	shalt  }
0x72: {  	_ =	shalt  }
0x73: {  	_ =	shalt  }
0x74: {  	_ =	shalt  }
0x75: {  	_ =	shalt  }
0x76: {  	_ =	shalt  }
0x77: {  	_ =	shalt  }
0x78: {  	_ =	shalt  }
0x79: {  	_ =	shalt  }
0x7a: {  	_ =	shalt  }
0x7b: {  	_ =	shalt  }
0x7c: {  	_ =	shalt  }
0x7d: {  	_ =	shalt  }
0x7e: {  	_ =	shalt  }
0x7f: {  	_ =	shalt  }
0x80: {  	_ =	shalt  }
0x81: {  	_ =	shalt  }
0x82: {  	_ =	shalt  }
0x83: {  	_ =	shalt  }
0x84: {  	_ =	shalt  }
0x85: {  	_ =	shalt  }
0x86: {  	_ =	shalt  }
0x87: {  	_ =	shalt  }
.Lfunc_end0:
.L_simem_size_0:
called_computation_lowered:
.L_overlay_start_0:
0x88: {  	s2 =	sld [smem:$0x3FD9]  }
0x89: {  	s3 =	sld [smem:$0x3FFE];
	_ =	sdelay $0x1  }
0x8a: {  	s1 =	srdreg.scid  }
0x8b: {  	s0 =	sand.u32 $0x1, s1  }
0x8c: {  	s15 =	sshll.u32 s0, $0xA;
	s2 =	sadd.s32 s3, s2  }
0x8d: {  	s2 =	sadd.s32 s2, s15  }
0x8e: {  	[smem:$0x3FBC] =	sst s2  }
0x8f: {  	_ = 	snop  }
0x90: {  	s2 =	sld [smem:$0x3FC8]  }
0x91: {  	s6 =	sld [smem:$0x3FD0]  }
0x92: {  	s16 =	sld [smem:$0x3FC7]  }
0x93: {  	s4 =	sld [smem:$0x3FC6]  }
0x94: {  	s10 =	simm.s32 $0xB;
	s7 =	simm.s32 $0x10;
	s5 =	sld [smem:$0x3FC5]  }
0x95: {  	[smem:s7], [sflag:s10] =	dma.local [hbm:s6], $0x1  }
0x96: {  	_ =	swait.eq [sflag:s10], $0x1  }
0x97: {  	s17 =	sld [smem:$0x10]  }
0x98: {  	s8 =	sld [smem:$0x12];
	[sflag:s10] =	ssyncset.done $0x0  }
0x99: {  	s9 =	sld [smem:$0x14];
	[sflag:s10] =	ssyncadd.s32 $0xFFFFFFFF  }
0x9a: {  	s18 =	sld [smem:$0x16];
	(tm) =	ssettm $0x1  }
0x9b: {  	s19 =	sld [smem:$0x3FFB];
	_ =	sdelay $0x3  }
0x9c: {  	_ =	strace s19  }
0x9d: {  	s6 =	sld [smem:$0x3FFC];
	_ =	sdelay $0x3  }
0x9e: {  	_ =	strace s6  }
0x9f: {  	s6 =	sld [smem:$0x3FFD];
	_ =	sdelay $0x3  }
0xa0: {  	_ =	strace s6  }
0xa1: {  	_ =	strace $0x8FFFFFFF  }
0xa2: {  	s20 =	sld [smem:$0x3FDB];
	_ =	sdelay $0x1  }
0xa3: {  	s11 =	simm.s32 $_scs_section_size  }
0xa4: {  	s12 =	simm.s32 $_size__tile_overlayer_lowered;
	s13 =	simm.s32 $_tile_overlayer_lowered  }
0xa5: {  	s14 =	simm.s32 $0x1BFF;
	s21 =	sshll.u32 s13, $0x1;
	s11 =	sadd.s32 s11, s20  }
0xa6: {  	s22 =	simm.s32 $0x0;
	s12 =	sshll.u32 s12, $0x1;
	s13 =	sadd.s32 s21, s11  }
0xa7: {  	[timem:s22], [sflag:s14] =	dma.local [hbm:s13], s12  }
0xa8: {  	_ =	swait.ge [sflag:s14], s12  }
0xa9: {  	s12 =	ssub.s32 $0x0, s12;
	[sflag:s14] =	ssyncset.done $0x0  }
0xaa: {  	[sflag:s14] =	ssyncadd.s32 s12;
	_ =	sdelay $0x1  }
0xab: {  	s23 =	simm.s32 $0x1B8B  }
0xac: {  	_ =	swait.ge [sflag:s23], $0x1  }
0xad: {  	[sflag:s23] =	ssyncset.done $0x0  }
0xae: {  	[sflag:s23] =	ssyncadd.s32 $0xFFFFFFFF  }
0xaf: {  	s12 =	sld [smem:$0x0]  }
0xb0: {  	s13 =	sand.u32 $0xFFFFFFFE, s1  }
0xb1: {  	p0 =	sne.s32 s1, s13  }
0xb2: {  	s13 =	sshll.u32 @p0 s13, $0xE  }
0xb3: {  	s13 =	sadd.s32 @p0 $0x11B8D, s13;
	s14 =	sshll.u32 @p0 s12, $0x11  }
0xb4: {  	s13 =	sor.u32 @p0 s14, s13  }
0xb5: {  	[sflag:s13] =	ssyncadd.remote.s32 @p0 $0x1;
	_ =	sdelay $0x1  }
0xb6: {  	s13 =	simm.s32 @p0 $0x1B8D  }
0xb7: {  	_ =	swait.eq @p0 [sflag:s13], $0x1  }
0xb8: {  	[sflag:s13] =	ssyncadd.s32 @p0 $0xFFFFFFFF  }
0xb9: {  	s14 =	sshll.u32 @!p0 s1, $0xE  }
0xba: {  	s14 =	sor.u32 @!p0 $0x4000, s14;
	s13 =	simm.s32 @!p0 $0x1B8D  }
0xbb: {  	s12 =	sshll.u32 @!p0 s12, $0x11;
	s14 =	sadd.s32 @!p0 $0x11B8D, s14;
	_ =	swait.eq @!p0 [sflag:s13], $0x1  }
0xbc: {  	s12 =	sor.u32 @!p0 s12, s14;
	[sflag:s13] =	ssyncadd.s32 @!p0 $0xFFFFFFFF  }
0xbd: {  	s25 =	simm.s32 $0x1B8E;
	s24 =	sld [smem:$0x3FFE];
	[sflag:s12] =	ssyncadd.remote.s32 @!p0 $0x1  }
0xbe: {  	s26 =	simm.s32 $execute0_lowered;
	[smem:$0x3FD2] =	sst s25  }
0xbf: {  	s13 =	sshll.u32 s26, $0x1;
	_ =	strace $0x80000049;
	[dreg:$0x1] =	wrdreg $0xFFFFFFFF  }
0xc0: {  	s28 =	simm.s32 $_size_execute0_lowered;
	s11 =	sadd.s32 s11, s13;
	[dreg:$0x0] =	wrdreg $0x0  }
0xc1: {  	s13 =	sshll.u32 s28, $0x1;
	[dreg:$0x2] =	wrdreg s11  }
0xc2: {  	[dreg:$0x3] =	wrdreg s13  }
0xc3: {  	[dreg:$0x4] =	wrdreg $0xC0  }
0xc4: {  	_ =	task [dreg:s22], $0x5FFFF  }
0xc5: {  	[dreg:$0x1] =	wrdreg $0xFFFFFFFF  }
0xc6: {  	[dreg:$0x0] =	wrdreg $0x60  }
0xc7: {  	[dreg:$0x2] =	wrdreg s24  }
0xc8: {  	[dreg:$0x3] =	wrdreg s2  }
0xc9: {  	[dreg:$0x4] =	wrdreg s16  }
0xca: {  	[dreg:$0x5] =	wrdreg s4  }
0xcb: {  	[dreg:$0x6] =	wrdreg s5  }
0xcc: {  	[dreg:$0x7] =	wrdreg s17  }
0xcd: {  	[dreg:$0x8] =	wrdreg s8  }
0xce: {  	[dreg:$0x9] =	wrdreg s9  }
0xcf: {  	[dreg:$0xa] =	wrdreg s18  }
0xd0: {  	[dreg:$0xb] =	wrdreg $0x148000  }
0xd1: {  	[dreg:$0xc] =	wrdreg $0x9  }
0xd2: {  	_ =	task.clear_ibuf [dreg:s22], $0xDFFFF;
	_ =	strace $0x90000049  }
0xd3: {  	s29 =	simm.s32 $0x9;
	_ =	strace $0x8000004B  }
0xd4: {  	_ =	swait.ge [sflag:s29], $0x1  }
0xd5: {  	[sflag:s29] =	ssyncadd.s32 $0xFFFFFFFF  }
0xd6: {  	_ =	strace $0x9000004B  }
0xd7: {  	_ =	sfence  }
0xd8: {  	s30 =	sld [smem:$0x0];
	_ =	sdelay $0x2  }
0xd9: {  	s31 =	sshll.u32 s1, $0xD;
	s1 =	sshrl.u32 s1, $0x2  }
0xda: {  	s3 =	sand.u32 $0x4000, s31;
	s1 =	sadd.s32 s1, s30  }
0xdb: {  	s0 =	sor.u32 s3, s0;
	s1 =	sshll.u32 s1, $0x11  }
0xdc: {  	s0 =	sor.u32 s1, s0  }
0xdd: {  	s0 =	sadd.s32 $0x8F2B, s0  }
0xde: {  	[sflag:s0] =	ssyncadd.remote.s32 $0x1  }
0xdf: {  	_ =	sfence.sel $0xFFFF  }
0xe0: {  	[dreg:$0x0] =	wrdreg $0xFFFFFFFF;
	(pc) =	sbr.abs _section_cstart, $3  }
0xe1: {  	[dreg:$0x1] =	wrdreg $0xFFFFFFFF  }
0xe2: {  	_ =	task.clear_ibuf [dreg:s22], $0x2FFFF;
	_ =	strace $0x9FFFFFFF  }
0xe3: {  	(tm) =	ssettm $0x7FFFFFFF  }
tec
execute0_lowered:
.L_overlay_start_1:
0x0: {  	(tag) =	ssettag $0x1  }
0x1: {  	s0 =	rddreg [dreg:$0x0]  }
0x2: {  	s4 =	rddreg [dreg:$0x1]  }
0x3: {  	s5 =	rddreg [dreg:$0x2]  }
0x4: {  	s6 =	rddreg [dreg:$0x3]  }
0x5: {  	s7 =	rddreg [dreg:$0x4]  }
0x6: {  	s8 =	rddreg [dreg:$0x5]  }
0x7: {  	s9 =	rddreg [dreg:$0x6]  }
0x8: {  	s11 =	rddreg [dreg:$0x7]  }
0x9: {  	s12 =	rddreg [dreg:$0x8]  }
0xa: {  	s1 =	rddreg [dreg:$0x9]  }
0xb: {  	s2 =	simm.s32 $0x0;
	s3 =	srdreg.scid;
	s13 =	stileid.u32  }
0xc: {  	s17 =	simm.s32 $0x4800;
	s18 =	simm.s32 $0x100;
	s19 =	simm.s32 $0x8800  }
0xd: {  	s20 =	simm.s32 $0x1;
	s21 =	simm.s32 $0x2;
	s22 =	simm.s32 $0x0  }
0xe: {  	[smem:$0x7FF] =	sst s2;
	s10 =	sand.u32 $0x1, s3;
	s15 =	sshll.u32 s13, $0x9  }
0xf: {  	s0 =	sadd.s32 $0x2600, s0;
	s26 =	sshll.u32 s13, $0x10;
	p0 =	sne.s32 s13, $0x0  }
0x10: {  	_ =	strace $0x8000004A;
	s14 =	ssub.s32 $0x2, s10;
	s16 =	sshll.u32 s10, $0x8  }
0x11: {  	[dreg:$0xb] =	wrdreg s0;
	s28 =	sadd.s32 s26, s8;
	s29 =	sshll.u32 s10, $0xF  }
0x12: {  	s30 =	sadd.s32 s26, s9;
	s31 =	sadd.s32 s26, s11;
	s12 =	sadd.s32 s26, s12  }
0x13: {  	s13 =	sshrl.u32 @!p0 s1, $0x3;
	s23 =	sshrl.u32 s14, $0x1;
	s15 =	sor.u32 s16, s15  }
0x14: {  	s9 =	sadd.s32 s29, s28;
	s10 =	sadd.s32 s29, s30;
	s11 =	sadd.s32 s29, s31  }
0x15: {  	s12 =	sadd.s32 s29, s12;
	s16 =	simm.s32 $0x800;
	s0 =	ssub.s32 s14, s23  }
0x16: {  	s24 =	sadd.s32 s4, s15;
	s25 =	sadd.s32 s5, s15;
	s6 =	sadd.s32 s6, s15  }
0x17: {  	s7 =	sadd.s32 s7, s15;
	s14 =	simm.s32 $0x3;
	[dreg:$0xc] =	wrdreg s24  }
0x18: {  	s15 =	simm.s32 $0x80;
	[dreg:$0xd] =	wrdreg s25;
	s8 =	smax.u32 s0, $0x1  }
.LBB2_1:
0x19: {  	s0 =	simm.s32 @!p0 $0x1C03;
	s3 =	rddreg [dreg:$0xb]  }
0x1a: {  	[spmem:s13], [sflag:s0] =	dma.local @!p0 [hbm:s3], $0x10000  }
0x1b: {  	s0 =	simm.s32 @!p0 $0x3  }
0x1c: {  	_ =	swait.ge @!p0 [sflag:s0], $0x10000  }
0x1d: {  	[sflag:s0] =	ssyncset.done @!p0 $0x0  }
0x1e: {  	[sflag:s0] =	ssyncadd.s32 @!p0 $0xFFFF0000  }
0x1f: {  	[bflag:$0x0] =	sbarrier.arrive $0xFFFF  }
0x20: {  	s26 =	smul.u32 $0xCD, s2;
	s23 =	simm.s32 $0x1;
	s25 =	rddreg [dreg:$0xc]  }
0x21: {  	[tilespmem:s2], [sflag:$0x3] =	stream.linear.gather [hbm4b:s25+s2], $0x800, $0x38;
	[tilespmem:$0x1C800] =	vst v63  }
0x22: {  	s24 =	simm.s32 $0x3;
	p1 =	por $0x0, $0x0;
	_ =	swait.ge [sflag:s14], $0x800  }
0x23: {  	s28 =	smul.u32 $0xCD, s23;
	s0 =	sshrl.u32 s26, $0xA;
	[sflag:s14] =	ssyncset.done $0x0  }
0x24: {  	s24 =	smul.u32 @!p1 $0xCD, s24;
	s0 =	sand.u32 $0x3F, s0;
	[sflag:s14] =	ssyncadd.s32 $0xFFFFF800  }
0x25: {  	[tilespmem:s16], [sflag:$0x1] =	stream.indirect.gather [spmem:s1], $0x80, s2, s15, $0xb8;
	[tilespmem:$0x1C800] =	vst v63  }
0x26: {  	s29 =	simm.s32 $0x180;
	p2 =	por @!p1 $0x1, $0x1;
	s0 =	smul.u32 $0x5, s0  }
0x27: {  	[tilespmem:s17], [sflag:$0x1] =	stream.indirect.gather [spmem:s1], $0x80, s15, s15, $0xb8;
	[tilespmem:$0x1C800] =	vst v63  }
0x28: {  	s30 =	simm.s32 @!p1 $0x80;
	p2 =	por p2, p1;
	s0 =	ssub.s32 $0x0, s0  }
0x29: {  	[tilespmem:s19], [sflag:$0x1] =	stream.indirect.gather [spmem:s1], $0x80, s18, s15, $0xb8;
	[tilespmem:$0x1C800] =	vst v63  }
0x2a: {  	s24 =	sshrl.u32 @!p1 s24, $0xA;
	s0 =	sand.u32 $0xFF, s0;
	_ =	swait.ge [sflag:s20], $0x4000  }
0x2b: {  	s24 =	sand.u32 @!p1 $0x3F, s24;
	s0 =	sshll.u32 s0, $0xE;
	[sflag:s20] =	ssyncset.done $0x0  }
0x2c: {  	s24 =	smul.u32 @!p1 $0x5, s24;
	s0 =	sor.u32 $0x800, s0;
	[sflag:s20] =	ssyncadd.s32 $0xFFFFC000  }
0x2d: {  	[hbm4b:s9+s2] =	stream.linear.scatter [tilespmem:s0], [sflag:$0x2], $0x4000, $0x38;
	[tilespmem:$0x1C800] =	vst v63  }
0x2e: {  	s31 =	simm.s32 @!p2 $0x2;
	s26 =	simm.s32 $0x2;
	s0 =	ssub.s32 @!p1 $0x3, s24  }
0x2f: {  	s25 =	sadd.s32 $0x800, s9;
	s0 =	sand.u32 @!p1 $0xFF, s0;
	_ =	swait.ge @!p2 [sflag:s31], $0x4000  }
0x30: {  	s24 =	simm.s32 $0x200;
	[sflag:s31] =	ssyncset.done @!p2 $0x0;
	s0 =	sshll.u32 @!p1 s0, $0xE  }
.LBB2_2:
0x31: {  	s3 =	smul.u32 $0xCD, s26  }
0x32: {  	s0 =	sor.u32 @!p1 $0x800, s0;
	s4 =	smov.u32 s26;
	s26 =	sadd.s32 $0x1, s26  }
0x33: {  	s28 =	sshrl.u32 s28, $0xA;
	p3 =	sne.s32 s26, $0x10;
	[sflag:s31] =	ssyncadd.s32 @!p2 $0xFFFFC000  }
0x34: {  	[tilespmem:s0], [sflag:$0x1] =	stream.indirect.gather @!p1 [spmem:s1], $0x80, s29, s30, $0xb8;
	[tilespmem:$0x1C800] =	vst v63  }
0x35: {  	s0 =	sand.u32 $0x3F, s28  }
0x36: {  	s31 =	sadd.s32 $0x3, s23;
	p1 =	sgt.u32 s23, $0xC;
	s0 =	smul.u32 $0x5, s0  }
0x37: {  	p2 =	slt.u32 @!p1 s23, $0x2;
	s30 =	simm.s32 @!p1 $0x80;
	s5 =	smul.u32 @!p1 $0xCD, s31  }
0x38: {  	s28 =	smov.u32 s3;
	s29 =	smov.u32 s24;
	p2 =	por p2, p1  }
0x39: {  	s0 =	ssub.s32 s23, s0;
	s23 =	smov.u32 s4;
	s3 =	sshrl.u32 @!p1 s5, $0xA  }
0x3a: {  	s0 =	sand.u32 $0xFF, s0;
	s3 =	sand.u32 @!p1 $0x3F, s3;
	_ =	swait.ge [sflag:s20], $0x4000  }
0x3b: {  	s0 =	sshll.u32 s0, $0xE;
	s3 =	smul.u32 @!p1 $0x5, s3;
	[sflag:s20] =	ssyncset.done $0x0  }
.Ltmp0:
0x3c: {  	s0 =	sor.u32 $0x800, s0;
	[sflag:s20] =	ssyncadd.s32 $0xFFFFC000;
	(pc) =	sbr.rel @p3 .LBB2_2-.Ltmp0, $4  }
0x3d: {  	[hbm4b:s25+s2] =	stream.linear.scatter [tilespmem:s0], [sflag:$0x2], $0x4000, $0x38;
	[tilespmem:$0x1C800] =	vst v63  }
0x3e: {  	s0 =	ssub.s32 @!p1 s31, s3;
	s31 =	simm.s32 @!p2 $0x2  }
0x3f: {  	s25 =	sadd.s32 $0x800, s25;
	s0 =	sand.u32 @!p1 $0xFF, s0;
	_ =	swait.ge @!p2 [sflag:s31], $0x4000  }
0x40: {  	s24 =	sadd.s32 $0x80, s24;
	s0 =	sshll.u32 @!p1 s0, $0xE;
	[sflag:s31] =	ssyncset.done @!p2 $0x0  }
0x41: {  	s0 =	sor.u32 @!p1 $0x800, s0;
	s3 =	sshrl.u32 s28, $0xA;
	[sflag:s31] =	ssyncadd.s32 @!p2 $0xFFFFC000  }
0x42: {  	[tilespmem:s0], [sflag:$0x1] =	stream.indirect.gather @!p1 [spmem:s1], $0x80, s29, s30, $0xb8;
	[tilespmem:$0x1C800] =	vst v63  }
0x43: {  	s5 =	sand.u32 $0x3F, s3  }
0x44: {  	s3 =	sadd.s32 $0x3, s23;
	p1 =	sgt.u32 s23, $0xC;
	s0 =	smul.u32 $0x5, s5  }
0x45: {  	s4 =	smul.u32 @!p1 $0xCD, s3  }
0x46: {  	p2 =	slt.u32 @!p1 s23, $0x2;
	_ =	swait.ge [sflag:s20], $0x4000;
	s0 =	ssub.s32 s23, s0  }
0x47: {  	p2 =	por p2, p1;
	s4 =	sshrl.u32 @!p1 s4, $0xA;
	s0 =	sand.u32 $0xFF, s0  }
0x48: {  	[sflag:s20] =	ssyncset.done $0x0;
	s4 =	sand.u32 @!p1 $0x3F, s4;
	s0 =	sshll.u32 s0, $0xE  }
0x49: {  	[sflag:s20] =	ssyncadd.s32 $0xFFFFC000;
	s4 =	smul.u32 @!p1 $0x5, s4;
	s0 =	sor.u32 $0x800, s0  }
0x4a: {  	[hbm4b:s25+s2] =	stream.linear.scatter [tilespmem:s0], [sflag:$0x2], $0x4000, $0x38;
	[tilespmem:$0x1C800] =	vst v63  }
0x4b: {  	s0 =	ssub.s32 @!p1 s3, s4;
	s3 =	simm.s32 @!p2 $0x2  }
0x4c: {  	s0 =	sand.u32 @!p1 $0xFF, s0;
	_ =	swait.ge @!p2 [sflag:s3], $0x4000  }
0x4d: {  	[sflag:s3] =	ssyncset.done @!p2 $0x0;
	s0 =	sshll.u32 @!p1 s0, $0xE  }
0x4e: {  	s4 =	simm.s32 @!p1 $0x80;
	s0 =	sor.u32 @!p1 $0x800, s0;
	[sflag:s3] =	ssyncadd.s32 @!p2 $0xFFFFC000  }
0x4f: {  	[tilespmem:s0], [sflag:$0x1] =	stream.indirect.gather @!p1 [spmem:s1], $0x80, s24, s4, $0xb8;
	[tilespmem:$0x1C800] =	vst v63  }
0x50: {  	_ =	swait.ge [sflag:s21], $0x4000  }
0x51: {  	[sflag:s21] =	ssyncset.done $0x0  }
0x52: {  	[sflag:s21] =	ssyncadd.s32 $0xFFFFC000  }
0x53: {  	_ =	swait.ge [sflag:s21], $0x4000  }
0x54: {  	[sflag:s21] =	ssyncset.done $0x0  }
0x55: {  	[sflag:s21] =	ssyncadd.s32 $0xFFFFC000  }
0x56: {  	_ =	swait.ge [sflag:s21], $0x4000  }
0x57: {  	[sflag:s21] =	ssyncset.done $0x0  }
0x58: {  	[sflag:s21] =	ssyncadd.s32 $0xFFFFC000  }
0x59: {  	_ =	swait.ge [sflag:s21], $0x4000  }
0x5a: {  	[sflag:s21] =	ssyncset.done $0x0  }
0x5b: {  	[sflag:s21] =	ssyncadd.s32 $0xFFFFC000  }
0x5c: {  	_ =	swait.ge [sflag:s21], $0x4000  }
0x5d: {  	s23 =	simm.s32 $0x1;
	s25 =	simm.s32 $0x0;
	[sflag:s21] =	ssyncset.done $0x0  }
0x5e: {  	s0 =	smul.u32 $0xCD, s25;
	s26 =	rddreg [dreg:$0xd];
	[sflag:s21] =	ssyncadd.s32 $0xFFFFC000  }
0x5f: {  	[tilespmem:s25], [sflag:$0x3] =	stream.linear.gather [hbm4b:s26+s25], $0x800, $0x38;
	[tilespmem:$0x1C800] =	vst v63  }
0x60: {  	s29 =	simm.s32 $0x180;
	s28 =	smul.u32 $0xCD, s23;
	_ =	swait.ge [sflag:s14], $0x800  }
0x61: {  	s3 =	simm.s32 $0x3;
	s0 =	sshrl.u32 s0, $0xA;
	[sflag:s14] =	ssyncset.done $0x0  }
0x62: {  	p1 =	por $0x0, $0x0;
	s0 =	sand.u32 $0x3F, s0;
	[sflag:s14] =	ssyncadd.s32 $0xFFFFF800  }
0x63: {  	[tilespmem:s16], [sflag:$0x1] =	stream.indirect.gather [spmem:s1], $0x80, s25, s15, $0xb8;
	[tilespmem:$0x1C800] =	vst v63  }
0x64: {  	s24 =	simm.s32 $0x200;
	p2 =	por @!p1 $0x1, $0x1;
	s0 =	smul.u32 $0x5, s0  }
0x65: {  	[tilespmem:s17], [sflag:$0x1] =	stream.indirect.gather [spmem:s1], $0x80, s15, s15, $0xb8;
	[tilespmem:$0x1C800] =	vst v63  }
0x66: {  	s3 =	smul.u32 @!p1 $0xCD, s3;
	p2 =	por p2, p1;
	s0 =	ssub.s32 $0x0, s0  }
0x67: {  	[tilespmem:s19], [sflag:$0x1] =	stream.indirect.gather [spmem:s1], $0x80, s18, s15, $0xb8;
	[tilespmem:$0x1C800] =	vst v63  }
0x68: {  	s3 =	sshrl.u32 @!p1 s3, $0xA;
	s0 =	sand.u32 $0xFF, s0;
	_ =	swait.ge [sflag:s20], $0x4000  }
0x69: {  	s3 =	sand.u32 @!p1 $0x3F, s3;
	s0 =	sshll.u32 s0, $0xE;
	[sflag:s20] =	ssyncset.done $0x0  }
0x6a: {  	s3 =	smul.u32 @!p1 $0x5, s3;
	s0 =	sor.u32 $0x800, s0;
	[sflag:s20] =	ssyncadd.s32 $0xFFFFC000  }
0x6b: {  	[hbm4b:s10+s2] =	stream.linear.scatter [tilespmem:s0], [sflag:$0x2], $0x4000, $0x38;
	[tilespmem:$0x1C800] =	vst v63  }
0x6c: {  	s30 =	simm.s32 @!p1 $0x80;
	s31 =	simm.s32 @!p2 $0x2;
	s0 =	ssub.s32 @!p1 $0x3, s3  }
0x6d: {  	s26 =	simm.s32 $0x2;
	s0 =	sand.u32 @!p1 $0xFF, s0;
	_ =	swait.ge @!p2 [sflag:s31], $0x4000  }
0x6e: {  	s25 =	sadd.s32 $0x800, s10;
	[sflag:s31] =	ssyncset.done @!p2 $0x0;
	s0 =	sshll.u32 @!p1 s0, $0xE  }
.LBB2_4:
0x6f: {  	s3 =	smul.u32 $0xCD, s26  }
0x70: {  	s0 =	sor.u32 @!p1 $0x800, s0;
	s4 =	smov.u32 s26;
	s26 =	sadd.s32 $0x1, s26  }
0x71: {  	s5 =	sshrl.u32 s28, $0xA;
	p3 =	sne.s32 s26, $0x10;
	[sflag:s31] =	ssyncadd.s32 @!p2 $0xFFFFC000  }
0x72: {  	[tilespmem:s0], [sflag:$0x1] =	stream.indirect.gather @!p1 [spmem:s1], $0x80, s29, s30, $0xb8;
	[tilespmem:$0x1C800] =	vst v63  }
0x73: {  	s0 =	sand.u32 $0x3F, s5  }
0x74: {  	s5 =	sadd.s32 $0x3, s23;
	p1 =	sgt.u32 s23, $0xC;
	s0 =	smul.u32 $0x5, s0  }
0x75: {  	p2 =	slt.u32 @!p1 s23, $0x2;
	s30 =	simm.s32 @!p1 $0x80;
	s31 =	smul.u32 @!p1 $0xCD, s5  }
0x76: {  	s28 =	smov.u32 s3;
	s29 =	smov.u32 s24;
	p2 =	por p2, p1  }
0x77: {  	s0 =	ssub.s32 s23, s0;
	s23 =	smov.u32 s4;
	s3 =	sshrl.u32 @!p1 s31, $0xA  }
0x78: {  	s0 =	sand.u32 $0xFF, s0;
	s3 =	sand.u32 @!p1 $0x3F, s3;
	_ =	swait.ge [sflag:s20], $0x4000  }
0x79: {  	s0 =	sshll.u32 s0, $0xE;
	s3 =	smul.u32 @!p1 $0x5, s3;
	[sflag:s20] =	ssyncset.done $0x0  }
.Ltmp1:
0x7a: {  	s0 =	sor.u32 $0x800, s0;
	[sflag:s20] =	ssyncadd.s32 $0xFFFFC000;
	(pc) =	sbr.rel @p3 .LBB2_4-.Ltmp1, $4  }
0x7b: {  	[hbm4b:s25+s2] =	stream.linear.scatter [tilespmem:s0], [sflag:$0x2], $0x4000, $0x38;
	[tilespmem:$0x1C800] =	vst v63  }
0x7c: {  	s31 =	simm.s32 @!p2 $0x2;
	s0 =	ssub.s32 @!p1 s5, s3  }
0x7d: {  	s25 =	sadd.s32 $0x800, s25;
	s0 =	sand.u32 @!p1 $0xFF, s0;
	_ =	swait.ge @!p2 [sflag:s31], $0x4000  }
0x7e: {  	s24 =	sadd.s32 $0x80, s24;
	s0 =	sshll.u32 @!p1 s0, $0xE;
	[sflag:s31] =	ssyncset.done @!p2 $0x0  }
0x7f: {  	s0 =	sor.u32 @!p1 $0x800, s0;
	s3 =	sshrl.u32 s28, $0xA;
	[sflag:s31] =	ssyncadd.s32 @!p2 $0xFFFFC000  }
0x80: {  	[tilespmem:s0], [sflag:$0x1] =	stream.indirect.gather @!p1 [spmem:s1], $0x80, s29, s30, $0xb8;
	[tilespmem:$0x1C800] =	vst v63  }
0x81: {  	s5 =	sand.u32 $0x3F, s3  }
0x82: {  	s3 =	sadd.s32 $0x3, s23;
	p1 =	sgt.u32 s23, $0xC;
	s0 =	smul.u32 $0x5, s5  }
0x83: {  	s4 =	smul.u32 @!p1 $0xCD, s3  }
0x84: {  	p2 =	slt.u32 @!p1 s23, $0x2;
	_ =	swait.ge [sflag:s20], $0x4000;
	s0 =	ssub.s32 s23, s0  }
0x85: {  	p2 =	por p2, p1;
	s4 =	sshrl.u32 @!p1 s4, $0xA;
	s0 =	sand.u32 $0xFF, s0  }
0x86: {  	[sflag:s20] =	ssyncset.done $0x0;
	s4 =	sand.u32 @!p1 $0x3F, s4;
	s0 =	sshll.u32 s0, $0xE  }
0x87: {  	[sflag:s20] =	ssyncadd.s32 $0xFFFFC000;
	s4 =	smul.u32 @!p1 $0x5, s4;
	s0 =	sor.u32 $0x800, s0  }
0x88: {  	[hbm4b:s25+s2] =	stream.linear.scatter [tilespmem:s0], [sflag:$0x2], $0x4000, $0x38;
	[tilespmem:$0x1C800] =	vst v63  }
0x89: {  	s0 =	ssub.s32 @!p1 s3, s4;
	s3 =	simm.s32 @!p2 $0x2  }
0x8a: {  	s0 =	sand.u32 @!p1 $0xFF, s0;
	_ =	swait.ge @!p2 [sflag:s3], $0x4000  }
0x8b: {  	[sflag:s3] =	ssyncset.done @!p2 $0x0;
	s0 =	sshll.u32 @!p1 s0, $0xE  }
0x8c: {  	s4 =	simm.s32 @!p1 $0x80;
	s0 =	sor.u32 @!p1 $0x800, s0;
	[sflag:s3] =	ssyncadd.s32 @!p2 $0xFFFFC000  }
0x8d: {  	[tilespmem:s0], [sflag:$0x1] =	stream.indirect.gather @!p1 [spmem:s1], $0x80, s24, s4, $0xb8;
	[tilespmem:$0x1C800] =	vst v63  }
0x8e: {  	_ =	swait.ge [sflag:s21], $0x4000  }
0x8f: {  	[sflag:s21] =	ssyncset.done $0x0  }
0x90: {  	[sflag:s21] =	ssyncadd.s32 $0xFFFFC000  }
0x91: {  	_ =	swait.ge [sflag:s21], $0x4000  }
0x92: {  	[sflag:s21] =	ssyncset.done $0x0  }
0x93: {  	[sflag:s21] =	ssyncadd.s32 $0xFFFFC000  }
0x94: {  	_ =	swait.ge [sflag:s21], $0x4000  }
0x95: {  	[sflag:s21] =	ssyncset.done $0x0  }
0x96: {  	[sflag:s21] =	ssyncadd.s32 $0xFFFFC000  }
0x97: {  	_ =	swait.ge [sflag:s21], $0x4000  }
0x98: {  	[sflag:s21] =	ssyncset.done $0x0  }
0x99: {  	[sflag:s21] =	ssyncadd.s32 $0xFFFFC000  }
0x9a: {  	_ =	swait.ge [sflag:s21], $0x4000  }
0x9b: {  	s26 =	simm.s32 $0x0;
	[sflag:s21] =	ssyncset.done $0x0  }
0x9c: {  	s23 =	simm.s32 $0x1;
	s0 =	smul.u32 $0xCD, s26;
	[sflag:s21] =	ssyncadd.s32 $0xFFFFC000  }
0x9d: {  	[tilespmem:s26], [sflag:$0x3] =	stream.linear.gather [hbm4b:s6+s26], $0x800, $0x38;
	[tilespmem:$0x1C800] =	vst v63  }
0x9e: {  	s29 =	simm.s32 $0x180;
	s28 =	smul.u32 $0xCD, s23;
	_ =	swait.ge [sflag:s14], $0x800  }
0x9f: {  	s25 =	sadd.s32 $0x800, s11;
	s0 =	sshrl.u32 s0, $0xA;
	[sflag:s14] =	ssyncset.done $0x0  }
0xa0: {  	p1 =	por $0x0, $0x0;
	s0 =	sand.u32 $0x3F, s0;
	[sflag:s14] =	ssyncadd.s32 $0xFFFFF800  }
0xa1: {  	[tilespmem:s16], [sflag:$0x1] =	stream.indirect.gather [spmem:s1], $0x80, s26, s15, $0xb8;
	[tilespmem:$0x1C800] =	vst v63  }
0xa2: {  	s3 =	simm.s32 $0x3;
	p2 =	por @!p1 $0x1, $0x1;
	s0 =	smul.u32 $0x5, s0  }
0xa3: {  	[tilespmem:s17], [sflag:$0x1] =	stream.indirect.gather [spmem:s1], $0x80, s15, s15, $0xb8;
	[tilespmem:$0x1C800] =	vst v63  }
0xa4: {  	s3 =	smul.u32 @!p1 $0xCD, s3;
	p2 =	por p2, p1;
	s0 =	ssub.s32 $0x0, s0  }
0xa5: {  	[tilespmem:s19], [sflag:$0x1] =	stream.indirect.gather [spmem:s1], $0x80, s18, s15, $0xb8;
	[tilespmem:$0x1C800] =	vst v63  }
0xa6: {  	s3 =	sshrl.u32 @!p1 s3, $0xA;
	s0 =	sand.u32 $0xFF, s0;
	_ =	swait.ge [sflag:s20], $0x4000  }
0xa7: {  	s3 =	sand.u32 @!p1 $0x3F, s3;
	s0 =	sshll.u32 s0, $0xE;
	[sflag:s20] =	ssyncset.done $0x0  }
0xa8: {  	s3 =	smul.u32 @!p1 $0x5, s3;
	s0 =	sor.u32 $0x800, s0;
	[sflag:s20] =	ssyncadd.s32 $0xFFFFC000  }
0xa9: {  	[hbm4b:s11+s2] =	stream.linear.scatter [tilespmem:s0], [sflag:$0x2], $0x4000, $0x38;
	[tilespmem:$0x1C800] =	vst v63  }
0xaa: {  	s24 =	simm.s32 $0x200;
	s31 =	simm.s32 @!p2 $0x2;
	s0 =	ssub.s32 @!p1 $0x3, s3  }
0xab: {  	s30 =	simm.s32 @!p1 $0x80;
	s0 =	sand.u32 @!p1 $0xFF, s0;
	_ =	swait.ge @!p2 [sflag:s31], $0x4000  }
0xac: {  	s26 =	simm.s32 $0x2;
	[sflag:s31] =	ssyncset.done @!p2 $0x0;
	s0 =	sshll.u32 @!p1 s0, $0xE  }
.LBB2_6:
0xad: {  	s3 =	smul.u32 $0xCD, s26  }
0xae: {  	s0 =	sor.u32 @!p1 $0x800, s0;
	s4 =	smov.u32 s26;
	s26 =	sadd.s32 $0x1, s26  }
0xaf: {  	s5 =	sshrl.u32 s28, $0xA;
	p3 =	sne.s32 s26, $0x10;
	[sflag:s31] =	ssyncadd.s32 @!p2 $0xFFFFC000  }
0xb0: {  	[tilespmem:s0], [sflag:$0x1] =	stream.indirect.gather @!p1 [spmem:s1], $0x80, s29, s30, $0xb8;
	[tilespmem:$0x1C800] =	vst v63  }
0xb1: {  	s0 =	sand.u32 $0x3F, s5  }
0xb2: {  	s5 =	sadd.s32 $0x3, s23;
	p1 =	sgt.u32 s23, $0xC;
	s0 =	smul.u32 $0x5, s0  }
0xb3: {  	p2 =	slt.u32 @!p1 s23, $0x2;
	s30 =	simm.s32 @!p1 $0x80;
	s31 =	smul.u32 @!p1 $0xCD, s5  }
0xb4: {  	s28 =	smov.u32 s3;
	s29 =	smov.u32 s24;
	p2 =	por p2, p1  }
0xb5: {  	s0 =	ssub.s32 s23, s0;
	s23 =	smov.u32 s4;
	s3 =	sshrl.u32 @!p1 s31, $0xA  }
0xb6: {  	s0 =	sand.u32 $0xFF, s0;
	s3 =	sand.u32 @!p1 $0x3F, s3;
	_ =	swait.ge [sflag:s20], $0x4000  }
0xb7: {  	s0 =	sshll.u32 s0, $0xE;
	s3 =	smul.u32 @!p1 $0x5, s3;
	[sflag:s20] =	ssyncset.done $0x0  }
.Ltmp2:
0xb8: {  	s0 =	sor.u32 $0x800, s0;
	[sflag:s20] =	ssyncadd.s32 $0xFFFFC000;
	(pc) =	sbr.rel @p3 .LBB2_6-.Ltmp2, $4  }
0xb9: {  	[hbm4b:s25+s2] =	stream.linear.scatter [tilespmem:s0], [sflag:$0x2], $0x4000, $0x38;
	[tilespmem:$0x1C800] =	vst v63  }
0xba: {  	s31 =	simm.s32 @!p2 $0x2;
	s0 =	ssub.s32 @!p1 s5, s3  }
0xbb: {  	s25 =	sadd.s32 $0x800, s25;
	s0 =	sand.u32 @!p1 $0xFF, s0;
	_ =	swait.ge @!p2 [sflag:s31], $0x4000  }
0xbc: {  	s24 =	sadd.s32 $0x80, s24;
	s0 =	sshll.u32 @!p1 s0, $0xE;
	[sflag:s31] =	ssyncset.done @!p2 $0x0  }
0xbd: {  	s0 =	sor.u32 @!p1 $0x800, s0;
	s3 =	sshrl.u32 s28, $0xA;
	[sflag:s31] =	ssyncadd.s32 @!p2 $0xFFFFC000  }
0xbe: {  	[tilespmem:s0], [sflag:$0x1] =	stream.indirect.gather @!p1 [spmem:s1], $0x80, s29, s30, $0xb8;
	[tilespmem:$0x1C800] =	vst v63  }
0xbf: {  	s5 =	sand.u32 $0x3F, s3  }
0xc0: {  	s3 =	sadd.s32 $0x3, s23;
	p1 =	sgt.u32 s23, $0xC;
	s0 =	smul.u32 $0x5, s5  }
0xc1: {  	s4 =	smul.u32 @!p1 $0xCD, s3  }
0xc2: {  	p2 =	slt.u32 @!p1 s23, $0x2;
	_ =	swait.ge [sflag:s20], $0x4000;
	s0 =	ssub.s32 s23, s0  }
0xc3: {  	p2 =	por p2, p1;
	s4 =	sshrl.u32 @!p1 s4, $0xA;
	s0 =	sand.u32 $0xFF, s0  }
0xc4: {  	[sflag:s20] =	ssyncset.done $0x0;
	s4 =	sand.u32 @!p1 $0x3F, s4;
	s0 =	sshll.u32 s0, $0xE  }
0xc5: {  	[sflag:s20] =	ssyncadd.s32 $0xFFFFC000;
	s4 =	smul.u32 @!p1 $0x5, s4;
	s0 =	sor.u32 $0x800, s0  }
0xc6: {  	[hbm4b:s25+s2] =	stream.linear.scatter [tilespmem:s0], [sflag:$0x2], $0x4000, $0x38;
	[tilespmem:$0x1C800] =	vst v63  }
0xc7: {  	s0 =	ssub.s32 @!p1 s3, s4;
	s3 =	simm.s32 @!p2 $0x2  }
0xc8: {  	s0 =	sand.u32 @!p1 $0xFF, s0;
	_ =	swait.ge @!p2 [sflag:s3], $0x4000  }
0xc9: {  	[sflag:s3] =	ssyncset.done @!p2 $0x0;
	s0 =	sshll.u32 @!p1 s0, $0xE  }
0xca: {  	s4 =	simm.s32 @!p1 $0x80;
	s0 =	sor.u32 @!p1 $0x800, s0;
	[sflag:s3] =	ssyncadd.s32 @!p2 $0xFFFFC000  }
0xcb: {  	[tilespmem:s0], [sflag:$0x1] =	stream.indirect.gather @!p1 [spmem:s1], $0x80, s24, s4, $0xb8;
	[tilespmem:$0x1C800] =	vst v63  }
0xcc: {  	_ =	swait.ge [sflag:s21], $0x4000  }
0xcd: {  	[sflag:s21] =	ssyncset.done $0x0  }
0xce: {  	[sflag:s21] =	ssyncadd.s32 $0xFFFFC000  }
0xcf: {  	_ =	swait.ge [sflag:s21], $0x4000  }
0xd0: {  	[sflag:s21] =	ssyncset.done $0x0  }
0xd1: {  	[sflag:s21] =	ssyncadd.s32 $0xFFFFC000  }
0xd2: {  	_ =	swait.ge [sflag:s21], $0x4000  }
0xd3: {  	[sflag:s21] =	ssyncset.done $0x0  }
0xd4: {  	[sflag:s21] =	ssyncadd.s32 $0xFFFFC000  }
0xd5: {  	_ =	swait.ge [sflag:s21], $0x4000  }
0xd6: {  	[sflag:s21] =	ssyncset.done $0x0  }
0xd7: {  	[sflag:s21] =	ssyncadd.s32 $0xFFFFC000  }
0xd8: {  	_ =	swait.ge [sflag:s21], $0x4000  }
0xd9: {  	s26 =	simm.s32 $0x0;
	[sflag:s21] =	ssyncset.done $0x0  }
0xda: {  	s23 =	simm.s32 $0x1;
	s0 =	smul.u32 $0xCD, s26;
	[sflag:s21] =	ssyncadd.s32 $0xFFFFC000  }
0xdb: {  	[tilespmem:s26], [sflag:$0x3] =	stream.linear.gather [hbm4b:s7+s26], $0x800, $0x38;
	[tilespmem:$0x1C800] =	vst v63  }
0xdc: {  	s29 =	simm.s32 $0x180;
	s28 =	smul.u32 $0xCD, s23;
	_ =	swait.ge [sflag:s14], $0x800  }
0xdd: {  	s25 =	sadd.s32 $0x800, s12;
	s0 =	sshrl.u32 s0, $0xA;
	[sflag:s14] =	ssyncset.done $0x0  }
0xde: {  	p1 =	por $0x0, $0x0;
	s0 =	sand.u32 $0x3F, s0;
	[sflag:s14] =	ssyncadd.s32 $0xFFFFF800  }
0xdf: {  	[tilespmem:s16], [sflag:$0x1] =	stream.indirect.gather [spmem:s1], $0x80, s26, s15, $0xb8;
	[tilespmem:$0x1C800] =	vst v63  }
0xe0: {  	s3 =	simm.s32 $0x3;
	p2 =	por @!p1 $0x1, $0x1;
	s0 =	smul.u32 $0x5, s0  }
0xe1: {  	[tilespmem:s17], [sflag:$0x1] =	stream.indirect.gather [spmem:s1], $0x80, s15, s15, $0xb8;
	[tilespmem:$0x1C800] =	vst v63  }
0xe2: {  	s3 =	smul.u32 @!p1 $0xCD, s3;
	p2 =	por p2, p1;
	s0 =	ssub.s32 $0x0, s0  }
0xe3: {  	[tilespmem:s19], [sflag:$0x1] =	stream.indirect.gather [spmem:s1], $0x80, s18, s15, $0xb8;
	[tilespmem:$0x1C800] =	vst v63  }
0xe4: {  	s3 =	sshrl.u32 @!p1 s3, $0xA;
	s0 =	sand.u32 $0xFF, s0;
	_ =	swait.ge [sflag:s20], $0x4000  }
0xe5: {  	s3 =	sand.u32 @!p1 $0x3F, s3;
	s0 =	sshll.u32 s0, $0xE;
	[sflag:s20] =	ssyncset.done $0x0  }
0xe6: {  	s3 =	smul.u32 @!p1 $0x5, s3;
	s0 =	sor.u32 $0x800, s0;
	[sflag:s20] =	ssyncadd.s32 $0xFFFFC000  }
0xe7: {  	[hbm4b:s12+s2] =	stream.linear.scatter [tilespmem:s0], [sflag:$0x2], $0x4000, $0x38;
	[tilespmem:$0x1C800] =	vst v63  }
0xe8: {  	s24 =	simm.s32 $0x200;
	s31 =	simm.s32 @!p2 $0x2;
	s0 =	ssub.s32 @!p1 $0x3, s3  }
0xe9: {  	s30 =	simm.s32 @!p1 $0x80;
	s0 =	sand.u32 @!p1 $0xFF, s0;
	_ =	swait.ge @!p2 [sflag:s31], $0x4000  }
0xea: {  	s26 =	simm.s32 $0x2;
	[sflag:s31] =	ssyncset.done @!p2 $0x0;
	s0 =	sshll.u32 @!p1 s0, $0xE  }
.LBB2_8:
0xeb: {  	s3 =	smul.u32 $0xCD, s26  }
0xec: {  	s0 =	sor.u32 @!p1 $0x800, s0;
	s4 =	smov.u32 s26;
	s26 =	sadd.s32 $0x1, s26  }
0xed: {  	s5 =	sshrl.u32 s28, $0xA;
	p3 =	sne.s32 s26, $0x10;
	[sflag:s31] =	ssyncadd.s32 @!p2 $0xFFFFC000  }
0xee: {  	[tilespmem:s0], [sflag:$0x1] =	stream.indirect.gather @!p1 [spmem:s1], $0x80, s29, s30, $0xb8;
	[tilespmem:$0x1C800] =	vst v63  }
0xef: {  	s0 =	sand.u32 $0x3F, s5  }
0xf0: {  	s5 =	sadd.s32 $0x3, s23;
	p1 =	sgt.u32 s23, $0xC;
	s0 =	smul.u32 $0x5, s0  }
0xf1: {  	p2 =	slt.u32 @!p1 s23, $0x2;
	s30 =	simm.s32 @!p1 $0x80;
	s31 =	smul.u32 @!p1 $0xCD, s5  }
0xf2: {  	s28 =	smov.u32 s3;
	s29 =	smov.u32 s24;
	p2 =	por p2, p1  }
0xf3: {  	s0 =	ssub.s32 s23, s0;
	s23 =	smov.u32 s4;
	s3 =	sshrl.u32 @!p1 s31, $0xA  }
0xf4: {  	s0 =	sand.u32 $0xFF, s0;
	s3 =	sand.u32 @!p1 $0x3F, s3;
	_ =	swait.ge [sflag:s20], $0x4000  }
0xf5: {  	s0 =	sshll.u32 s0, $0xE;
	s3 =	smul.u32 @!p1 $0x5, s3;
	[sflag:s20] =	ssyncset.done $0x0  }
.Ltmp3:
0xf6: {  	s0 =	sor.u32 $0x800, s0;
	[sflag:s20] =	ssyncadd.s32 $0xFFFFC000;
	(pc) =	sbr.rel @p3 .LBB2_8-.Ltmp3, $4  }
0xf7: {  	[hbm4b:s25+s2] =	stream.linear.scatter [tilespmem:s0], [sflag:$0x2], $0x4000, $0x38;
	[tilespmem:$0x1C800] =	vst v63  }
0xf8: {  	s31 =	simm.s32 @!p2 $0x2;
	s0 =	ssub.s32 @!p1 s5, s3  }
0xf9: {  	s25 =	sadd.s32 $0x800, s25;
	s0 =	sand.u32 @!p1 $0xFF, s0;
	_ =	swait.ge @!p2 [sflag:s31], $0x4000  }
0xfa: {  	s24 =	sadd.s32 $0x80, s24;
	s0 =	sshll.u32 @!p1 s0, $0xE;
	[sflag:s31] =	ssyncset.done @!p2 $0x0  }
0xfb: {  	s0 =	sor.u32 @!p1 $0x800, s0;
	s3 =	sshrl.u32 s28, $0xA;
	[sflag:s31] =	ssyncadd.s32 @!p2 $0xFFFFC000  }
0xfc: {  	[tilespmem:s0], [sflag:$0x1] =	stream.indirect.gather @!p1 [spmem:s1], $0x80, s29, s30, $0xb8;
	[tilespmem:$0x1C800] =	vst v63  }
0xfd: {  	s31 =	sand.u32 $0x3F, s3  }
0xfe: {  	s3 =	sadd.s32 $0x3, s23;
	p1 =	sgt.u32 s23, $0xC;
	s0 =	smul.u32 $0x5, s31  }
0xff: {  	s4 =	smul.u32 @!p1 $0xCD, s3  }
0x100: {  	p2 =	slt.u32 @!p1 s23, $0x2;
	_ =	swait.ge [sflag:s20], $0x4000;
	s0 =	ssub.s32 s23, s0  }
0x101: {  	p2 =	por p2, p1;
	s4 =	sshrl.u32 @!p1 s4, $0xA;
	s0 =	sand.u32 $0xFF, s0  }
0x102: {  	[sflag:s20] =	ssyncset.done $0x0;
	s4 =	sand.u32 @!p1 $0x3F, s4;
	s0 =	sshll.u32 s0, $0xE  }
0x103: {  	[sflag:s20] =	ssyncadd.s32 $0xFFFFC000;
	s4 =	smul.u32 @!p1 $0x5, s4;
	s0 =	sor.u32 $0x800, s0  }
0x104: {  	[hbm4b:s25+s2] =	stream.linear.scatter [tilespmem:s0], [sflag:$0x2], $0x4000, $0x38;
	[tilespmem:$0x1C800] =	vst v63  }
0x105: {  	s0 =	ssub.s32 @!p1 s3, s4;
	s3 =	simm.s32 @!p2 $0x2  }
0x106: {  	s0 =	sand.u32 @!p1 $0xFF, s0;
	_ =	swait.ge @!p2 [sflag:s3], $0x4000  }
0x107: {  	[sflag:s3] =	ssyncset.done @!p2 $0x0;
	s0 =	sshll.u32 @!p1 s0, $0xE  }
0x108: {  	s4 =	simm.s32 @!p1 $0x80;
	s0 =	sor.u32 @!p1 $0x800, s0;
	[sflag:s3] =	ssyncadd.s32 @!p2 $0xFFFFC000  }
0x109: {  	[tilespmem:s0], [sflag:$0x1] =	stream.indirect.gather @!p1 [spmem:s1], $0x80, s24, s4, $0xb8;
	[tilespmem:$0x1C800] =	vst v63  }
0x10a: {  	_ =	swait.ge [sflag:s21], $0x4000  }
0x10b: {  	[sflag:s21] =	ssyncset.done $0x0  }
0x10c: {  	[sflag:s21] =	ssyncadd.s32 $0xFFFFC000  }
0x10d: {  	_ =	swait.ge [sflag:s21], $0x4000  }
0x10e: {  	[sflag:s21] =	ssyncset.done $0x0  }
0x10f: {  	[sflag:s21] =	ssyncadd.s32 $0xFFFFC000  }
0x110: {  	_ =	swait.ge [sflag:s21], $0x4000  }
0x111: {  	[sflag:s21] =	ssyncset.done $0x0  }
0x112: {  	s22 =	sadd.s32 $0x1, s22;
	[sflag:s21] =	ssyncadd.s32 $0xFFFFC000  }
0x113: {  	p1 =	sne.s32 s22, s8;
	_ =	swait.ge [sflag:s21], $0x4000  }
.Ltmp4:
0x114: {  	[sflag:s21] =	ssyncset.done $0x0;
	(pc) =	sbr.rel @p1 .LBB2_1-.Ltmp4, $4  }
0x115: {  	[sflag:s21] =	ssyncadd.s32 $0xFFFFC000  }
0x116: {  	_ =	swait.ge [sflag:s21], $0x4000  }
0x117: {  	[sflag:s21] =	ssyncset.done $0x0  }
0x118: {  	[sflag:s21] =	ssyncadd.s32 $0xFFFFC000  }
0x119: {  	_ =	sfence.sel $0x180000  }
0x11a: {  	[bflag:$0x0] =	sbarrier.arrive $0xFFFF  }
0x11b: {  	_ =	strace $0x9000004A  }
0x11c: {  	[bflag:$0x2] =	sbarrier.arrive $0xFFFF  }
0x11d: {  	s0 =	rddreg [dreg:$0xa]  }
0x11e: {  	s0 =	sadd.s32 @!p0 $0x100000, s0  }
0x11f: {  	[sflag:s0] =	ssyncadd.tile.s32 @!p0 $0x1;
	_ =	shalt  }
.Lfunc_end2:
_tile_overlayer_lowered:
.L_overlay_start_2:
0x120: {  	(tag) =	ssettag $0x2  }
0x121: {  	s0 =	rddreg [dreg:$0x0];
	s2 =	stileid.u32  }
0x122: {  	s1 =	rddreg [dreg:$0x1];
	p0 =	sne.s32 s2, $0x0  }
0x123: {  	s3 =	rddreg [dreg:$0x2];
	[bflag:$0x3] =	sbarrier.arrive $0xFFFF;
	s2 =	simm.s32 @!p0 $0x1C03  }
0x124: {  	[timem:s3], [sflag:s2] =	dma.local @!p0 [hbm:s0], s1  }
0x125: {  	s0 =	simm.s32 @!p0 $0x3  }
0x126: {  	_ =	swait.ge @!p0 [sflag:s0], s1  }
0x127: {  	s1 =	ssub.s32 @!p0 $0x0, s1;
	[sflag:s0] =	ssyncset.done @!p0 $0x0  }
0x128: {  	[sflag:s0] =	ssyncadd.s32 @!p0 s1  }
0x129: {  	[bflag:$0x3] =	sbarrier.arrive $0xFFFF  }
0x12a: {  	_ =	shalt  }

</sc_bundles>
